<compile_context>
chip_gen: v7x
topology: tpu7x:2x2x1
jax: 0.10.2.dev20260603
libtpu: 0.0.44.dev20260713+nightly
codegen_flags: <defaults>
</compile_context>

<pallas_src>
import functools

import jax
import jax.numpy as jnp
from jax import lax
from jax.experimental import pallas as pl
from jax.experimental.pallas import tpu as pltpu
from jax.experimental.pallas import tpu_sc as plsc

HIDDEN = 128
L = 16
NVEC = HIDDEN // L
EPS = 1e-12

NC = 2
NS = 16
NW = NC * NS

CHUNK = 128


def _rsqrt(v):
    i = plsc.bitcast(v, jnp.int32)
    y = plsc.bitcast(jnp.int32(0x5F3759DF) - (i >> 1), jnp.float32)
    for _ in range(3):
        y = y * (1.5 - 0.5 * v * y * y)
    return y


def _lane_perm(x, perm):
    return lax.gather(
        x, perm[:, None],
        dimension_numbers=lax.GatherDimensionNumbers(
            offset_dims=(), collapsed_slice_dims=(0,), start_index_map=(0,)),
        slice_sizes=(1,),
        mode=lax.GatherScatterMode.PROMISE_IN_BOUNDS)


def _allsum(x, perms):
    for p in perms:
        x = x + _lane_perm(x, p)
    return x


def _sc_body(ids_hbm, tt_hbm, table_hbm, tte_hbm, gam_hbm, bet_hbm, out_hbm,
             idx_v, ttid_v, rows_v, outb_v, tte_v, gam_v, bet_v, gsem, osem,
             *, rows_per_w):
    wid = lax.axis_index("s") * NC + lax.axis_index("c")
    n_groups = rows_per_w // CHUNK
    n_pairs = n_groups // 2
    row0 = wid * rows_per_w

    pltpu.sync_copy(tte_hbm, tte_v)
    pltpu.sync_copy(gam_hbm, gam_v)
    pltpu.sync_copy(bet_hbm, bet_v)

    a = [tte_v[0, pl.ds(j * L, L)] for j in range(NVEC)]
    d = [tte_v[1, pl.ds(j * L, L)] - a[j] for j in range(NVEC)]
    g = [gam_v[pl.ds(j * L, L)] for j in range(NVEC)]
    b = [bet_v[pl.ds(j * L, L)] for j in range(NVEC)]

    iota = lax.iota(jnp.int32, L)
    perms = [iota ^ k for k in (8, 4, 2, 1)]

    def stage(grp, buf):
        row_base = row0 + grp * CHUNK
        pltpu.sync_copy(ids_hbm.at[pl.ds(row_base, CHUNK)], idx_v.at[buf])
        pltpu.sync_copy(tt_hbm.at[pl.ds(row_base, CHUNK)],
                        ttid_v.at[buf, pl.ds(0, CHUNK)])
        pltpu.async_copy(table_hbm.at[idx_v.at[buf]], rows_v.at[buf],
                         gsem.at[buf])

    def wait_gather(buf):
        pltpu.make_async_copy(table_hbm.at[idx_v.at[buf]], rows_v.at[buf],
                              gsem.at[buf]).wait()

    def start_out(grp, buf):
        row_base = row0 + grp * CHUNK
        pltpu.async_copy(outb_v.at[buf], out_hbm.at[pl.ds(row_base, CHUNK)],
                         osem.at[buf])

    def wait_out(buf):
        pltpu.make_async_copy(outb_v.at[buf], out_hbm.at[pl.ds(row0, CHUNK)],
                              osem.at[buf]).wait()

    def compute(buf):
        @plsc.parallel_loop(0, CHUNK, step=1, unroll=4)
        def row_body(r):
            f = ttid_v[buf, pl.ds(r, L)][0].astype(jnp.float32)
            x = [rows_v[buf, r, pl.ds(j * L, L)] + a[j] + f * d[j]
                 for j in range(NVEC)]
            acc = x[0]
            acc2 = x[0] * x[0]
            for j in range(1, NVEC):
                acc = acc + x[j]
                acc2 = acc2 + x[j] * x[j]
            mean = _allsum(acc, perms) * (1.0 / HIDDEN)
            ex2 = _allsum(acc2, perms) * (1.0 / HIDDEN)
            rstd = _rsqrt(ex2 - mean * mean + EPS)
            for j in range(NVEC):
                outb_v[buf, r, pl.ds(j * L, L)] = \
                    (x[j] - mean) * rstd * g[j] + b[j]

    stage(0, 0)
    stage(1, 1)

    def pair_body(p, _):
        grp0 = 2 * p

        def half(buf):
            grp = grp0 + buf
            wait_gather(buf)

            @pl.when(p > 0)
            def _():
                wait_out(buf)

            compute(buf)
            start_out(grp, buf)

            @pl.when(p + 1 < n_pairs)
            def _():
                stage(grp + 2, buf)

        half(0)
        half(1)
        return _

    lax.fori_loop(0, n_pairs, pair_body, 0)
    wait_out(0)
    wait_out(1)


def kernel(input_ids, token_type_ids, word_embeddings, token_type_embeddings,
           ln_gamma, ln_beta):
    batch, seq = input_ids.shape
    n_rows = batch * seq
    rows_per_w = n_rows // NW
    assert rows_per_w % (2 * CHUNK) == 0

    ids_flat = input_ids.reshape(n_rows).astype(jnp.int32)
    tt_flat = token_type_ids.reshape(n_rows).astype(jnp.int32)

    mesh = plsc.VectorSubcoreMesh(core_axis_name="c", subcore_axis_name="s")
    k = functools.partial(
        pl.kernel,
        out_type=jax.ShapeDtypeStruct((n_rows, HIDDEN), jnp.float32),
        mesh=mesh,
        compiler_params=pltpu.CompilerParams(needs_layout_passes=False),
        scratch_types=[
            pltpu.VMEM((2, CHUNK), jnp.int32),
            pltpu.VMEM((2, CHUNK + L), jnp.int32),
            pltpu.VMEM((2, CHUNK, HIDDEN), jnp.float32),
            pltpu.VMEM((2, CHUNK, HIDDEN), jnp.float32),
            pltpu.VMEM((2, HIDDEN), jnp.float32),
            pltpu.VMEM((HIDDEN,), jnp.float32),
            pltpu.VMEM((HIDDEN,), jnp.float32),
            pltpu.SemaphoreType.DMA((2,)),
            pltpu.SemaphoreType.DMA((2,)),
        ],
    )(functools.partial(_sc_body, rows_per_w=rows_per_w))

    out = k(ids_flat, tt_flat, word_embeddings, token_type_embeddings,
            ln_gamma, ln_beta)
    return out.reshape(batch, seq, HIDDEN)

# --- scband reference (transcript-rebuilt; emitter-appended) ---
"""Pipeline reference for scband-skimformer-text-embeddings-27779848471175 (READ-ONLY COPY).

The authoritative reference and input builder live on the scoring server;
editing this copy changes nothing except your own understanding.
"""

import jax, jax.numpy as jnp
import numpy as np

VOCAB = 100000
TYPE_VOCAB = 2
HIDDEN = 128
BATCH = 1024
SEQ = 200
EPS = 1e-12


def setup_inputs(seed: int = 0) -> dict:
    key = jax.random.key(seed)
    k1, k2, k3, k4 = jax.random.split(key, 4)
    input_ids = jax.random.randint(k1, (BATCH, SEQ), 0, VOCAB, dtype=jnp.int64 if jax.config.jax_enable_x64 else jnp.int32)
    token_type_ids = jax.random.randint(k2, (BATCH, SEQ), 0, TYPE_VOCAB, dtype=jnp.int64 if jax.config.jax_enable_x64 else jnp.int32)
    word_embeddings = jax.random.normal(k3, (VOCAB, HIDDEN), dtype=jnp.float32) * 0.02
    # padding_idx=0 row is zero-initialized in torch nn.Embedding
    word_embeddings = word_embeddings.at[0].set(0.0)
    token_type_embeddings = jax.random.normal(k4, (TYPE_VOCAB, HIDDEN), dtype=jnp.float32) * 0.02
    ln_gamma = jnp.ones((HIDDEN,), dtype=jnp.float32)
    ln_beta = jnp.zeros((HIDDEN,), dtype=jnp.float32)
    return {
        "input_ids": input_ids,
        "token_type_ids": token_type_ids,
        "word_embeddings": word_embeddings,
        "token_type_embeddings": token_type_embeddings,
        "ln_gamma": ln_gamma,
        "ln_beta": ln_beta,
    }


def reference(input_ids, token_type_ids, word_embeddings, token_type_embeddings, ln_gamma, ln_beta):
    # word embedding lookup (gather)
    inputs_embeds = jnp.take(word_embeddings, input_ids, axis=0)
    # token type embedding lookup (gather)
    tt_embeds = jnp.take(token_type_embeddings, token_type_ids, axis=0)
    embeddings = inputs_embeds + tt_embeds
    # LayerNorm over last dim
    mean = jnp.mean(embeddings, axis=-1, keepdims=True)
    var = jnp.mean(jnp.square(embeddings - mean), axis=-1, keepdims=True)
    normed = (embeddings - mean) / jnp.sqrt(var + EPS)
    out = normed * ln_gamma + ln_beta
    # dropout is identity in eval mode
    return out

if __name__ == "__main__":
    import jax
    _d = setup_inputs()
    print(jax.jit(kernel)(*tuple(_d.values())))

</pallas_src>

<mosaic_0001>
#map = affine_map<(d0, d1) -> (0)>
#map1 = affine_map<(d0, d1) -> (0, 0)>
module attributes {stable_mosaic.version = 14 : i64} {
  func.func @_sc_body(%arg0: i32, %arg1: i32, %arg2: memref<204800xi32, #tpu.memory_space<hbm>>, %arg3: memref<204800xi32, #tpu.memory_space<hbm>>, %arg4: memref<100000x128xf32, #tpu.memory_space<hbm>>, %arg5: memref<2x128xf32, #tpu.memory_space<hbm>>, %arg6: memref<128xf32, #tpu.memory_space<hbm>>, %arg7: memref<128xf32, #tpu.memory_space<hbm>>, %arg8: memref<204800x128xf32, #tpu.memory_space<hbm>>, %arg9: memref<2x128xi32, #tpu.memory_space<vmem>>, %arg10: memref<2x144xi32, #tpu.memory_space<vmem>>, %arg11: memref<2x128x128xf32, #tpu.memory_space<vmem>>, %arg12: memref<2x128x128xf32, #tpu.memory_space<vmem>>, %arg13: memref<2x128xf32, #tpu.memory_space<vmem>>, %arg14: memref<128xf32, #tpu.memory_space<vmem>>, %arg15: memref<128xf32, #tpu.memory_space<vmem>>, %arg16: memref<2x!tpu.dma_semaphore, #tpu.memory_space<semaphore_mem>>, %arg17: memref<2x!tpu.dma_semaphore, #tpu.memory_space<semaphore_mem>>) attributes {dimension_semantics = [#tpu.dimension_semantics<core_parallel>, #tpu.dimension_semantics<subcore_parallel>], iteration_bounds = array<i64: 2, 16>, scalar_prefetch = 0 : i64, scratch_operands = 9 : i64, tpu.core_type = #tpu.core_type<sc_vector_subcore>, window_params = [{transform_indices = #map}, {transform_indices = #map}, {transform_indices = #map1}, {transform_indices = #map1}, {transform_indices = #map}, {transform_indices = #map}, {transform_indices = #map1}]} {
    %mul3A = arith.constant 2 : i32
    %mul3A_0 = arith.muli %arg1, %mul3A : i32
    %add3A = arith.addi %mul3A_0, %arg0 : i32
    %mul3A_1 = arith.constant 6400 : i32
    %mul3A_2 = arith.muli %add3A, %mul3A_1 : i32
    "tpu.region"() ({
      %run_scoped3A_188 = tpu.sem_alloc : memref<!tpu.dma_semaphore, #tpu.memory_space<semaphore_mem>>
      tpu.enqueue_dma source(%arg5 : memref<2x128xf32, #tpu.memory_space<hbm>>) target(%arg13 : memref<2x128xf32, #tpu.memory_space<vmem>>) target_semaphore(%run_scoped3A_188 : memref<!tpu.dma_semaphore, #tpu.memory_space<semaphore_mem>>)
      tpu.wait_dma2 semaphore(%run_scoped3A_188 : memref<!tpu.dma_semaphore, #tpu.memory_space<semaphore_mem>>) src(%arg5 : memref<2x128xf32, #tpu.memory_space<hbm>>) dst(%arg13 : memref<2x128xf32, #tpu.memory_space<vmem>>)
      tpu.yield
    }) : () -> ()
    "tpu.region"() ({
      %run_scoped3A_188 = tpu.sem_alloc : memref<!tpu.dma_semaphore, #tpu.memory_space<semaphore_mem>>
      tpu.enqueue_dma source(%arg6 : memref<128xf32, #tpu.memory_space<hbm>>) target(%arg14 : memref<128xf32, #tpu.memory_space<vmem>>) target_semaphore(%run_scoped3A_188 : memref<!tpu.dma_semaphore, #tpu.memory_space<semaphore_mem>>)
      tpu.wait_dma2 semaphore(%run_scoped3A_188 : memref<!tpu.dma_semaphore, #tpu.memory_space<semaphore_mem>>) src(%arg6 : memref<128xf32, #tpu.memory_space<hbm>>) dst(%arg14 : memref<128xf32, #tpu.memory_space<vmem>>)
      tpu.yield
    }) : () -> ()
    "tpu.region"() ({
      %run_scoped3A_188 = tpu.sem_alloc : memref<!tpu.dma_semaphore, #tpu.memory_space<semaphore_mem>>
      tpu.enqueue_dma source(%arg7 : memref<128xf32, #tpu.memory_space<hbm>>) target(%arg15 : memref<128xf32, #tpu.memory_space<vmem>>) target_semaphore(%run_scoped3A_188 : memref<!tpu.dma_semaphore, #tpu.memory_space<semaphore_mem>>)
      tpu.wait_dma2 semaphore(%run_scoped3A_188 : memref<!tpu.dma_semaphore, #tpu.memory_space<semaphore_mem>>) src(%arg7 : memref<128xf32, #tpu.memory_space<hbm>>) dst(%arg15 : memref<128xf32, #tpu.memory_space<vmem>>)
      tpu.yield
    }) : () -> ()
    %get3A = arith.constant 0 : i32
    %get3A_3 = arith.index_cast %get3A : i32 to index
    %get3A_4 = arith.constant 0 : index
    %get3A_5 = tpu.vector_load %arg13[%get3A_3, %get3A_4] {strides = array<i32>} : memref<2x128xf32, #tpu.memory_space<vmem>>, vector<16xf32>,
    %get3A_6 = arith.constant 0 : i32
    %get3A_7 = arith.index_cast %get3A_6 : i32 to index
    %get3A_8 = arith.constant 16 : index
    %get3A_9 = tpu.vector_load %arg13[%get3A_7, %get3A_8] {strides = array<i32>} : memref<2x128xf32, #tpu.memory_space<vmem>>, vector<16xf32>,
    %get3A_10 = arith.constant 0 : i32
    %get3A_11 = arith.index_cast %get3A_10 : i32 to index
    %get3A_12 = arith.constant 32 : index
    %get3A_13 = tpu.vector_load %arg13[%get3A_11, %get3A_12] {strides = array<i32>} : memref<2x128xf32, #tpu.memory_space<vmem>>, vector<16xf32>,
    %get3A_14 = arith.constant 0 : i32
    %get3A_15 = arith.index_cast %get3A_14 : i32 to index
    %get3A_16 = arith.constant 48 : index
    %get3A_17 = tpu.vector_load %arg13[%get3A_15, %get3A_16] {strides = array<i32>} : memref<2x128xf32, #tpu.memory_space<vmem>>, vector<16xf32>,
    %get3A_18 = arith.constant 0 : i32
    %get3A_19 = arith.index_cast %get3A_18 : i32 to index
    %get3A_20 = arith.constant 64 : index
    %get3A_21 = tpu.vector_load %arg13[%get3A_19, %get3A_20] {strides = array<i32>} : memref<2x128xf32, #tpu.memory_space<vmem>>, vector<16xf32>,
    %get3A_22 = arith.constant 0 : i32
    %get3A_23 = arith.index_cast %get3A_22 : i32 to index
    %get3A_24 = arith.constant 80 : index
    %get3A_25 = tpu.vector_load %arg13[%get3A_23, %get3A_24] {strides = array<i32>} : memref<2x128xf32, #tpu.memory_space<vmem>>, vector<16xf32>,
    %get3A_26 = arith.constant 0 : i32
    %get3A_27 = arith.index_cast %get3A_26 : i32 to index
    %get3A_28 = arith.constant 96 : index
    %get3A_29 = tpu.vector_load %arg13[%get3A_27, %get3A_28] {strides = array<i32>} : memref<2x128xf32, #tpu.memory_space<vmem>>, vector<16xf32>,
    %get3A_30 = arith.constant 0 : i32
    %get3A_31 = arith.index_cast %get3A_30 : i32 to index
    %get3A_32 = arith.constant 112 : index
    %get3A_33 = tpu.vector_load %arg13[%get3A_31, %get3A_32] {strides = array<i32>} : memref<2x128xf32, #tpu.memory_space<vmem>>, vector<16xf32>,
    %get3A_34 = arith.constant 1 : i32
    %get3A_35 = arith.index_cast %get3A_34 : i32 to index
    %get3A_36 = arith.constant 0 : index
    %get3A_37 = tpu.vector_load %arg13[%get3A_35, %get3A_36] {strides = array<i32>} : memref<2x128xf32, #tpu.memory_space<vmem>>, vector<16xf32>,
    %sub3A = arith.subf %get3A_37, %get3A_5 : vector<16xf32>
    %get3A_38 = arith.constant 1 : i32
    %get3A_39 = arith.index_cast %get3A_38 : i32 to index
    %get3A_40 = arith.constant 16 : index
    %get3A_41 = tpu.vector_load %arg13[%get3A_39, %get3A_40] {strides = array<i32>} : memref<2x128xf32, #tpu.memory_space<vmem>>, vector<16xf32>,
    %sub3A_42 = arith.subf %get3A_41, %get3A_9 : vector<16xf32>
    %get3A_43 = arith.constant 1 : i32
    %get3A_44 = arith.index_cast %get3A_43 : i32 to index
    %get3A_45 = arith.constant 32 : index
    %get3A_46 = tpu.vector_load %arg13[%get3A_44, %get3A_45] {strides = array<i32>} : memref<2x128xf32, #tpu.memory_space<vmem>>, vector<16xf32>,
    %sub3A_47 = arith.subf %get3A_46, %get3A_13 : vector<16xf32>
    %get3A_48 = arith.constant 1 : i32
    %get3A_49 = arith.index_cast %get3A_48 : i32 to index
    %get3A_50 = arith.constant 48 : index
    %get3A_51 = tpu.vector_load %arg13[%get3A_49, %get3A_50] {strides = array<i32>} : memref<2x128xf32, #tpu.memory_space<vmem>>, vector<16xf32>,
    %sub3A_52 = arith.subf %get3A_51, %get3A_17 : vector<16xf32>
    %get3A_53 = arith.constant 1 : i32
    %get3A_54 = arith.index_cast %get3A_53 : i32 to index
    %get3A_55 = arith.constant 64 : index
    %get3A_56 = tpu.vector_load %arg13[%get3A_54, %get3A_55] {strides = array<i32>} : memref<2x128xf32, #tpu.memory_space<vmem>>, vector<16xf32>,
    %sub3A_57 = arith.subf %get3A_56, %get3A_21 : vector<16xf32>
    %get3A_58 = arith.constant 1 : i32
    %get3A_59 = arith.index_cast %get3A_58 : i32 to index
    %get3A_60 = arith.constant 80 : index
    %get3A_61 = tpu.vector_load %arg13[%get3A_59, %get3A_60] {strides = array<i32>} : memref<2x128xf32, #tpu.memory_space<vmem>>, vector<16xf32>,
    %sub3A_62 = arith.subf %get3A_61, %get3A_25 : vector<16xf32>
    %get3A_63 = arith.constant 1 : i32
    %get3A_64 = arith.index_cast %get3A_63 : i32 to index
    %get3A_65 = arith.constant 96 : index
    %get3A_66 = tpu.vector_load %arg13[%get3A_64, %get3A_65] {strides = array<i32>} : memref<2x128xf32, #tpu.memory_space<vmem>>, vector<16xf32>,
    %sub3A_67 = arith.subf %get3A_66, %get3A_29 : vector<16xf32>
    %get3A_68 = arith.constant 1 : i32
    %get3A_69 = arith.index_cast %get3A_68 : i32 to index
    %get3A_70 = arith.constant 112 : index
    %get3A_71 = tpu.vector_load %arg13[%get3A_69, %get3A_70] {strides = array<i32>} : memref<2x128xf32, #tpu.memory_space<vmem>>, vector<16xf32>,
    %sub3A_72 = arith.subf %get3A_71, %get3A_33 : vector<16xf32>
    %get3A_73 = arith.constant 0 : index
    %get3A_74 = tpu.vector_load %arg14[%get3A_73] {strides = array<i32>} : memref<128xf32, #tpu.memory_space<vmem>>, vector<16xf32>,
    %get3A_75 = arith.constant 16 : index
    %get3A_76 = tpu.vector_load %arg14[%get3A_75] {strides = array<i32>} : memref<128xf32, #tpu.memory_space<vmem>>, vector<16xf32>,
    %get3A_77 = arith.constant 32 : index
    %get3A_78 = tpu.vector_load %arg14[%get3A_77] {strides = array<i32>} : memref<128xf32, #tpu.memory_space<vmem>>, vector<16xf32>,
    %get3A_79 = arith.constant 48 : index
    %get3A_80 = tpu.vector_load %arg14[%get3A_79] {strides = array<i32>} : memref<128xf32, #tpu.memory_space<vmem>>, vector<16xf32>,
    %get3A_81 = arith.constant 64 : index
    %get3A_82 = tpu.vector_load %arg14[%get3A_81] {strides = array<i32>} : memref<128xf32, #tpu.memory_space<vmem>>, vector<16xf32>,
    %get3A_83 = arith.constant 80 : index
    %get3A_84 = tpu.vector_load %arg14[%get3A_83] {strides = array<i32>} : memref<128xf32, #tpu.memory_space<vmem>>, vector<16xf32>,
    %get3A_85 = arith.constant 96 : index
    %get3A_86 = tpu.vector_load %arg14[%get3A_85] {strides = array<i32>} : memref<128xf32, #tpu.memory_space<vmem>>, vector<16xf32>,
    %get3A_87 = arith.constant 112 : index
    %get3A_88 = tpu.vector_load %arg14[%get3A_87] {strides = array<i32>} : memref<128xf32, #tpu.memory_space<vmem>>, vector<16xf32>,
    %get3A_89 = arith.constant 0 : index
    %get3A_90 = tpu.vector_load %arg15[%get3A_89] {strides = array<i32>} : memref<128xf32, #tpu.memory_space<vmem>>, vector<16xf32>,
    %get3A_91 = arith.constant 16 : index
    %get3A_92 = tpu.vector_load %arg15[%get3A_91] {strides = array<i32>} : memref<128xf32, #tpu.memory_space<vmem>>, vector<16xf32>,
    %get3A_93 = arith.constant 32 : index
    %get3A_94 = tpu.vector_load %arg15[%get3A_93] {strides = array<i32>} : memref<128xf32, #tpu.memory_space<vmem>>, vector<16xf32>,
    %get3A_95 = arith.constant 48 : index
    %get3A_96 = tpu.vector_load %arg15[%get3A_95] {strides = array<i32>} : memref<128xf32, #tpu.memory_space<vmem>>, vector<16xf32>,
    %get3A_97 = arith.constant 64 : index
    %get3A_98 = tpu.vector_load %arg15[%get3A_97] {strides = array<i32>} : memref<128xf32, #tpu.memory_space<vmem>>, vector<16xf32>,
    %get3A_99 = arith.constant 80 : index
    %get3A_100 = tpu.vector_load %arg15[%get3A_99] {strides = array<i32>} : memref<128xf32, #tpu.memory_space<vmem>>, vector<16xf32>,
    %get3A_101 = arith.constant 96 : index
    %get3A_102 = tpu.vector_load %arg15[%get3A_101] {strides = array<i32>} : memref<128xf32, #tpu.memory_space<vmem>>, vector<16xf32>,
    %get3A_103 = arith.constant 112 : index
    %get3A_104 = tpu.vector_load %arg15[%get3A_103] {strides = array<i32>} : memref<128xf32, #tpu.memory_space<vmem>>, vector<16xf32>,
    %iota3A = tpu.iota {dimensions = array<i32: 0>} : vector<16xi32>
    %xor3A = arith.constant 8 : i32
    %xor3A_105 = vector.broadcast %xor3A : i32 to vector<16xi32>
    %xor3A_106 = arith.xori %iota3A, %xor3A_105 : vector<16xi32>
    %xor3A_107 = arith.constant 4 : i32
    %xor3A_108 = vector.broadcast %xor3A_107 : i32 to vector<16xi32>
    %xor3A_109 = arith.xori %iota3A, %xor3A_108 : vector<16xi32>
    %xor3A_110 = arith.constant 2 : i32
    %xor3A_111 = vector.broadcast %xor3A_110 : i32 to vector<16xi32>
    %xor3A_112 = arith.xori %iota3A, %xor3A_111 : vector<16xi32>
    %xor3A_113 = arith.constant 1 : i32
    %xor3A_114 = vector.broadcast %xor3A_113 : i32 to vector<16xi32>
    %xor3A_115 = arith.xori %iota3A, %xor3A_114 : vector<16xi32>
    %add3A_116 = arith.constant 0 : i32
    %add3A_117 = arith.addi %mul3A_2, %add3A_116 : i32
    %run_scoped3A = arith.constant 0 : i32
    "tpu.region"() ({
      %run_scoped3A_188 = tpu.sem_alloc : memref<!tpu.dma_semaphore, #tpu.memory_space<semaphore_mem>>
      %dma_start3A_189 = arith.constant 0 : i32
      %dma_start3A_190 = tpu.memref_slice %arg9[%run_scoped3A, %dma_start3A_189] : memref<2x128xi32, #tpu.memory_space<vmem>> -> memref<1x128xi32, #tpu.memory_space<vmem>>
      %dma_start3A_191 = tpu.memref_squeeze %dma_start3A_190 : memref<1x128xi32, #tpu.memory_space<vmem>> -> memref<128xi32, #tpu.memory_space<vmem>>
      %dma_start3A_192 = tpu.memref_slice %arg2[%add3A_117] : memref<204800xi32, #tpu.memory_space<hbm>> -> memref<128xi32, #tpu.memory_space<hbm>>
      %dma_start3A_193 = arith.constant 0 : i32
      %dma_start3A_194 = tpu.memref_slice %arg9[%run_scoped3A, %dma_start3A_193] : memref<2x128xi32, #tpu.memory_space<vmem>> -> memref<1x128xi32, #tpu.memory_space<vmem>>
      %dma_start3A_195 = tpu.memref_squeeze %dma_start3A_194 : memref<1x128xi32, #tpu.memory_space<vmem>> -> memref<128xi32, #tpu.memory_space<vmem>>
      %dma_start3A_196 = tpu.memref_slice %arg2[%add3A_117] : memref<204800xi32, #tpu.memory_space<hbm>> -> memref<128xi32, #tpu.memory_space<hbm>>
      tpu.enqueue_dma source(%dma_start3A_196 : memref<128xi32, #tpu.memory_space<hbm>>) target(%dma_start3A_195 : memref<128xi32, #tpu.memory_space<vmem>>) target_semaphore(%run_scoped3A_188 : memref<!tpu.dma_semaphore, #tpu.memory_space<semaphore_mem>>)
      %dma_wait3A_197 = arith.constant 0 : i32
      %dma_wait3A_198 = tpu.memref_slice %arg9[%run_scoped3A, %dma_wait3A_197] : memref<2x128xi32, #tpu.memory_space<vmem>> -> memref<1x128xi32, #tpu.memory_space<vmem>>
      %dma_wait3A_199 = tpu.memref_squeeze %dma_wait3A_198 : memref<1x128xi32, #tpu.memory_space<vmem>> -> memref<128xi32, #tpu.memory_space<vmem>>
      %dma_wait3A_200 = tpu.memref_slice %arg2[%add3A_117] : memref<204800xi32, #tpu.memory_space<hbm>> -> memref<128xi32, #tpu.memory_space<hbm>>
      %dma_wait3A_201 = arith.constant 0 : i32
      %dma_wait3A_202 = tpu.memref_slice %arg9[%run_scoped3A, %dma_wait3A_201] : memref<2x128xi32, #tpu.memory_space<vmem>> -> memref<1x128xi32, #tpu.memory_space<vmem>>
      %dma_wait3A_203 = tpu.memref_squeeze %dma_wait3A_202 : memref<1x128xi32, #tpu.memory_space<vmem>> -> memref<128xi32, #tpu.memory_space<vmem>>
      %dma_wait3A_204 = tpu.memref_slice %arg2[%add3A_117] : memref<204800xi32, #tpu.memory_space<hbm>> -> memref<128xi32, #tpu.memory_space<hbm>>
      tpu.wait_dma2 semaphore(%run_scoped3A_188 : memref<!tpu.dma_semaphore, #tpu.memory_space<semaphore_mem>>) src(%dma_wait3A_204 : memref<128xi32, #tpu.memory_space<hbm>>) dst(%dma_wait3A_203 : memref<128xi32, #tpu.memory_space<vmem>>)
      tpu.yield
    }) : () -> ()
    %run_scoped3A_118 = arith.constant 0 : i32
    "tpu.region"() ({
      %run_scoped3A_188 = tpu.sem_alloc : memref<!tpu.dma_semaphore, #tpu.memory_space<semaphore_mem>>
      %dma_start3A_189 = arith.constant 0 : i32
      %dma_start3A_190 = tpu.memref_slice %arg10[%run_scoped3A_118, %dma_start3A_189] : memref<2x144xi32, #tpu.memory_space<vmem>> -> memref<1x128xi32, #tpu.memory_space<vmem>>
      %dma_start3A_191 = tpu.memref_squeeze %dma_start3A_190 : memref<1x128xi32, #tpu.memory_space<vmem>> -> memref<128xi32, #tpu.memory_space<vmem>>
      %dma_start3A_192 = tpu.memref_slice %arg3[%add3A_117] : memref<204800xi32, #tpu.memory_space<hbm>> -> memref<128xi32, #tpu.memory_space<hbm>>
      %dma_start3A_193 = arith.constant 0 : i32
      %dma_start3A_194 = tpu.memref_slice %arg10[%run_scoped3A_118, %dma_start3A_193] : memref<2x144xi32, #tpu.memory_space<vmem>> -> memref<1x128xi32, #tpu.memory_space<vmem>>
      %dma_start3A_195 = tpu.memref_squeeze %dma_start3A_194 : memref<1x128xi32, #tpu.memory_space<vmem>> -> memref<128xi32, #tpu.memory_space<vmem>>
      %dma_start3A_196 = tpu.memref_slice %arg3[%add3A_117] : memref<204800xi32, #tpu.memory_space<hbm>> -> memref<128xi32, #tpu.memory_space<hbm>>
      tpu.enqueue_dma source(%dma_start3A_196 : memref<128xi32, #tpu.memory_space<hbm>>) target(%dma_start3A_195 : memref<128xi32, #tpu.memory_space<vmem>>) target_semaphore(%run_scoped3A_188 : memref<!tpu.dma_semaphore, #tpu.memory_space<semaphore_mem>>)
      %dma_wait3A_197 = arith.constant 0 : i32
      %dma_wait3A_198 = tpu.memref_slice %arg10[%run_scoped3A_118, %dma_wait3A_197] : memref<2x144xi32, #tpu.memory_space<vmem>> -> memref<1x128xi32, #tpu.memory_space<vmem>>
      %dma_wait3A_199 = tpu.memref_squeeze %dma_wait3A_198 : memref<1x128xi32, #tpu.memory_space<vmem>> -> memref<128xi32, #tpu.memory_space<vmem>>
      %dma_wait3A_200 = tpu.memref_slice %arg3[%add3A_117] : memref<204800xi32, #tpu.memory_space<hbm>> -> memref<128xi32, #tpu.memory_space<hbm>>
      %dma_wait3A_201 = arith.constant 0 : i32
      %dma_wait3A_202 = tpu.memref_slice %arg10[%run_scoped3A_118, %dma_wait3A_201] : memref<2x144xi32, #tpu.memory_space<vmem>> -> memref<1x128xi32, #tpu.memory_space<vmem>>
      %dma_wait3A_203 = tpu.memref_squeeze %dma_wait3A_202 : memref<1x128xi32, #tpu.memory_space<vmem>> -> memref<128xi32, #tpu.memory_space<vmem>>
      %dma_wait3A_204 = tpu.memref_slice %arg3[%add3A_117] : memref<204800xi32, #tpu.memory_space<hbm>> -> memref<128xi32, #tpu.memory_space<hbm>>
      tpu.wait_dma2 semaphore(%run_scoped3A_188 : memref<!tpu.dma_semaphore, #tpu.memory_space<semaphore_mem>>) src(%dma_wait3A_204 : memref<128xi32, #tpu.memory_space<hbm>>) dst(%dma_wait3A_203 : memref<128xi32, #tpu.memory_space<vmem>>)
      tpu.yield
    }) : () -> ()
    %dma_start3A = arith.constant 0 : i32
    %dma_start3A_119 = arith.constant 0 : i32
    %dma_start3A_120 = arith.constant 0 : i32
    %dma_start3A_121 = arith.constant 0 : i32
    %dma_start3A_122 = arith.constant 0 : i32
    %dma_start3A_123 = tpu.memref_slice %arg11[%dma_start3A_119, %dma_start3A_121, %dma_start3A_122] : memref<2x128x128xf32, #tpu.memory_space<vmem>> -> memref<1x128x128xf32, #tpu.memory_space<vmem>>
    %dma_start3A_124 = tpu.memref_squeeze %dma_start3A_123 : memref<1x128x128xf32, #tpu.memory_space<vmem>> -> memref<128x128xf32, #tpu.memory_space<vmem>>
    %dma_start3A_125 = arith.constant 0 : i32
    %dma_start3A_126 = tpu.memref_slice %arg9[%dma_start3A, %dma_start3A_125] : memref<2x128xi32, #tpu.memory_space<vmem>> -> memref<1x128xi32, #tpu.memory_space<vmem>>
    %dma_start3A_127 = tpu.memref_squeeze %dma_start3A_126 : memref<1x128xi32, #tpu.memory_space<vmem>> -> memref<128xi32, #tpu.memory_space<vmem>>
    %dma_start3A_128 = arith.constant 0 : i32
    %dma_start3A_129 = arith.constant 0 : i32
    %dma_start3A_130 = tpu.memref_slice %arg4[%dma_start3A_128, %dma_start3A_129] : memref<100000x128xf32, #tpu.memory_space<hbm>> -> memref<100000x128xf32, #tpu.memory_space<hbm>>
    %dma_start3A_131 = tpu.memref_slice %arg16[%dma_start3A_120] : memref<2x!tpu.dma_semaphore, #tpu.memory_space<semaphore_mem>> -> memref<1x!tpu.dma_semaphore, #tpu.memory_space<semaphore_mem>>
    %dma_start3A_132 = tpu.memref_squeeze %dma_start3A_131 : memref<1x!tpu.dma_semaphore, #tpu.memory_space<semaphore_mem>> -> memref<!tpu.dma_semaphore, #tpu.memory_space<semaphore_mem>>
    tpu.enqueue_indirect_dma source(%dma_start3A_130 : memref<100000x128xf32, #tpu.memory_space<hbm>>) target(%dma_start3A_124 : memref<128x128xf32, #tpu.memory_space<vmem>>) offsets(%dma_start3A_127 : memref<128xi32, #tpu.memory_space<vmem>>) semaphore(%dma_start3A_132 : memref<!tpu.dma_semaphore, #tpu.memory_space<semaphore_mem>>)
    %add3A_133 = arith.constant 128 : i32
    %add3A_134 = arith.addi %mul3A_2, %add3A_133 : i32
    %run_scoped3A_135 = arith.constant 1 : i32
    "tpu.region"() ({
      %run_scoped3A_188 = tpu.sem_alloc : memref<!tpu.dma_semaphore, #tpu.memory_space<semaphore_mem>>
      %dma_start3A_189 = arith.constant 0 : i32
      %dma_start3A_190 = tpu.memref_slice %arg9[%run_scoped3A_135, %dma_start3A_189] : memref<2x128xi32, #tpu.memory_space<vmem>> -> memref<1x128xi32, #tpu.memory_space<vmem>>
      %dma_start3A_191 = tpu.memref_squeeze %dma_start3A_190 : memref<1x128xi32, #tpu.memory_space<vmem>> -> memref<128xi32, #tpu.memory_space<vmem>>
      %dma_start3A_192 = tpu.memref_slice %arg2[%add3A_134] : memref<204800xi32, #tpu.memory_space<hbm>> -> memref<128xi32, #tpu.memory_space<hbm>>
      %dma_start3A_193 = arith.constant 0 : i32
      %dma_start3A_194 = tpu.memref_slice %arg9[%run_scoped3A_135, %dma_start3A_193] : memref<2x128xi32, #tpu.memory_space<vmem>> -> memref<1x128xi32, #tpu.memory_space<vmem>>
      %dma_start3A_195 = tpu.memref_squeeze %dma_start3A_194 : memref<1x128xi32, #tpu.memory_space<vmem>> -> memref<128xi32, #tpu.memory_space<vmem>>
      %dma_start3A_196 = tpu.memref_slice %arg2[%add3A_134] : memref<204800xi32, #tpu.memory_space<hbm>> -> memref<128xi32, #tpu.memory_space<hbm>>
      tpu.enqueue_dma source(%dma_start3A_196 : memref<128xi32, #tpu.memory_space<hbm>>) target(%dma_start3A_195 : memref<128xi32, #tpu.memory_space<vmem>>) target_semaphore(%run_scoped3A_188 : memref<!tpu.dma_semaphore, #tpu.memory_space<semaphore_mem>>)
      %dma_wait3A_197 = arith.constant 0 : i32
      %dma_wait3A_198 = tpu.memref_slice %arg9[%run_scoped3A_135, %dma_wait3A_197] : memref<2x128xi32, #tpu.memory_space<vmem>> -> memref<1x128xi32, #tpu.memory_space<vmem>>
      %dma_wait3A_199 = tpu.memref_squeeze %dma_wait3A_198 : memref<1x128xi32, #tpu.memory_space<vmem>> -> memref<128xi32, #tpu.memory_space<vmem>>
      %dma_wait3A_200 = tpu.memref_slice %arg2[%add3A_134] : memref<204800xi32, #tpu.memory_space<hbm>> -> memref<128xi32, #tpu.memory_space<hbm>>
      %dma_wait3A_201 = arith.constant 0 : i32
      %dma_wait3A_202 = tpu.memref_slice %arg9[%run_scoped3A_135, %dma_wait3A_201] : memref<2x128xi32, #tpu.memory_space<vmem>> -> memref<1x128xi32, #tpu.memory_space<vmem>>
      %dma_wait3A_203 = tpu.memref_squeeze %dma_wait3A_202 : memref<1x128xi32, #tpu.memory_space<vmem>> -> memref<128xi32, #tpu.memory_space<vmem>>
      %dma_wait3A_204 = tpu.memref_slice %arg2[%add3A_134] : memref<204800xi32, #tpu.memory_space<hbm>> -> memref<128xi32, #tpu.memory_space<hbm>>
      tpu.wait_dma2 semaphore(%run_scoped3A_188 : memref<!tpu.dma_semaphore, #tpu.memory_space<semaphore_mem>>) src(%dma_wait3A_204 : memref<128xi32, #tpu.memory_space<hbm>>) dst(%dma_wait3A_203 : memref<128xi32, #tpu.memory_space<vmem>>)
      tpu.yield
    }) : () -> ()
    %run_scoped3A_136 = arith.constant 1 : i32
    "tpu.region"() ({
      %run_scoped3A_188 = tpu.sem_alloc : memref<!tpu.dma_semaphore, #tpu.memory_space<semaphore_mem>>
      %dma_start3A_189 = arith.constant 0 : i32
      %dma_start3A_190 = tpu.memref_slice %arg10[%run_scoped3A_136, %dma_start3A_189] : memref<2x144xi32, #tpu.memory_space<vmem>> -> memref<1x128xi32, #tpu.memory_space<vmem>>
      %dma_start3A_191 = tpu.memref_squeeze %dma_start3A_190 : memref<1x128xi32, #tpu.memory_space<vmem>> -> memref<128xi32, #tpu.memory_space<vmem>>
      %dma_start3A_192 = tpu.memref_slice %arg3[%add3A_134] : memref<204800xi32, #tpu.memory_space<hbm>> -> memref<128xi32, #tpu.memory_space<hbm>>
      %dma_start3A_193 = arith.constant 0 : i32
      %dma_start3A_194 = tpu.memref_slice %arg10[%run_scoped3A_136, %dma_start3A_193] : memref<2x144xi32, #tpu.memory_space<vmem>> -> memref<1x128xi32, #tpu.memory_space<vmem>>
      %dma_start3A_195 = tpu.memref_squeeze %dma_start3A_194 : memref<1x128xi32, #tpu.memory_space<vmem>> -> memref<128xi32, #tpu.memory_space<vmem>>
      %dma_start3A_196 = tpu.memref_slice %arg3[%add3A_134] : memref<204800xi32, #tpu.memory_space<hbm>> -> memref<128xi32, #tpu.memory_space<hbm>>
      tpu.enqueue_dma source(%dma_start3A_196 : memref<128xi32, #tpu.memory_space<hbm>>) target(%dma_start3A_195 : memref<128xi32, #tpu.memory_space<vmem>>) target_semaphore(%run_scoped3A_188 : memref<!tpu.dma_semaphore, #tpu.memory_space<semaphore_mem>>)
      %dma_wait3A_197 = arith.constant 0 : i32
      %dma_wait3A_198 = tpu.memref_slice %arg10[%run_scoped3A_136, %dma_wait3A_197] : memref<2x144xi32, #tpu.memory_space<vmem>> -> memref<1x128xi32, #tpu.memory_space<vmem>>
      %dma_wait3A_199 = tpu.memref_squeeze %dma_wait3A_198 : memref<1x128xi32, #tpu.memory_space<vmem>> -> memref<128xi32, #tpu.memory_space<vmem>>
      %dma_wait3A_200 = tpu.memref_slice %arg3[%add3A_134] : memref<204800xi32, #tpu.memory_space<hbm>> -> memref<128xi32, #tpu.memory_space<hbm>>
      %dma_wait3A_201 = arith.constant 0 : i32
      %dma_wait3A_202 = tpu.memref_slice %arg10[%run_scoped3A_136, %dma_wait3A_201] : memref<2x144xi32, #tpu.memory_space<vmem>> -> memref<1x128xi32, #tpu.memory_space<vmem>>
      %dma_wait3A_203 = tpu.memref_squeeze %dma_wait3A_202 : memref<1x128xi32, #tpu.memory_space<vmem>> -> memref<128xi32, #tpu.memory_space<vmem>>
      %dma_wait3A_204 = tpu.memref_slice %arg3[%add3A_134] : memref<204800xi32, #tpu.memory_space<hbm>> -> memref<128xi32, #tpu.memory_space<hbm>>
      tpu.wait_dma2 semaphore(%run_scoped3A_188 : memref<!tpu.dma_semaphore, #tpu.memory_space<semaphore_mem>>) src(%dma_wait3A_204 : memref<128xi32, #tpu.memory_space<hbm>>) dst(%dma_wait3A_203 : memref<128xi32, #tpu.memory_space<vmem>>)
      tpu.yield
    }) : () -> ()
    %dma_start3A_137 = arith.constant 1 : i32
    %dma_start3A_138 = arith.constant 1 : i32
    %dma_start3A_139 = arith.constant 1 : i32
    %dma_start3A_140 = arith.constant 0 : i32
    %dma_start3A_141 = arith.constant 0 : i32
    %dma_start3A_142 = tpu.memref_slice %arg11[%dma_start3A_138, %dma_start3A_140, %dma_start3A_141] : memref<2x128x128xf32, #tpu.memory_space<vmem>> -> memref<1x128x128xf32, #tpu.memory_space<vmem>>
    %dma_start3A_143 = tpu.memref_squeeze %dma_start3A_142 : memref<1x128x128xf32, #tpu.memory_space<vmem>> -> memref<128x128xf32, #tpu.memory_space<vmem>>
    %dma_start3A_144 = arith.constant 0 : i32
    %dma_start3A_145 = tpu.memref_slice %arg9[%dma_start3A_137, %dma_start3A_144] : memref<2x128xi32, #tpu.memory_space<vmem>> -> memref<1x128xi32, #tpu.memory_space<vmem>>
    %dma_start3A_146 = tpu.memref_squeeze %dma_start3A_145 : memref<1x128xi32, #tpu.memory_space<vmem>> -> memref<128xi32, #tpu.memory_space<vmem>>
    %dma_start3A_147 = arith.constant 0 : i32
    %dma_start3A_148 = arith.constant 0 : i32
    %dma_start3A_149 = tpu.memref_slice %arg4[%dma_start3A_147, %dma_start3A_148] : memref<100000x128xf32, #tpu.memory_space<hbm>> -> memref<100000x128xf32, #tpu.memory_space<hbm>>
    %dma_start3A_150 = tpu.memref_slice %arg16[%dma_start3A_139] : memref<2x!tpu.dma_semaphore, #tpu.memory_space<semaphore_mem>> -> memref<1x!tpu.dma_semaphore, #tpu.memory_space<semaphore_mem>>
    %dma_start3A_151 = tpu.memref_squeeze %dma_start3A_150 : memref<1x!tpu.dma_semaphore, #tpu.memory_space<semaphore_mem>> -> memref<!tpu.dma_semaphore, #tpu.memory_space<semaphore_mem>>
    tpu.enqueue_indirect_dma source(%dma_start3A_149 : memref<100000x128xf32, #tpu.memory_space<hbm>>) target(%dma_start3A_143 : memref<128x128xf32, #tpu.memory_space<vmem>>) offsets(%dma_start3A_146 : memref<128xi32, #tpu.memory_space<vmem>>) semaphore(%dma_start3A_151 : memref<!tpu.dma_semaphore, #tpu.memory_space<semaphore_mem>>)
    %scan3A = arith.constant 0 : i32
    %scan3A_152 = arith.constant 0 : i32
    %scan3A_153 = arith.constant 25 : i32
    %scan3A_154 = arith.addi %scan3A_152, %scan3A_153 : i32
    %scan3A_155 = arith.constant 1 : i32
    scf.for %scan3A_188 = %scan3A_152 to %scan3A_154 step %scan3A_155  : i32 {
      %mul3A_189 = arith.constant 2 : i32
      %mul3A_190 = arith.muli %mul3A_189, %scan3A_188 : i32
      %add3A_191 = arith.constant 0 : i32
      %add3A_192 = arith.addi %mul3A_190, %add3A_191 : i32
      %dma_wait3A_193 = arith.constant 0 : i32
      %dma_wait3A_194 = arith.constant 0 : i32
      %dma_wait3A_195 = arith.constant 0 : i32
      %dma_wait3A_196 = arith.constant 0 : i32
      %dma_wait3A_197 = arith.constant 0 : i32
      %dma_wait3A_198 = tpu.memref_slice %arg11[%dma_wait3A_194, %dma_wait3A_196, %dma_wait3A_197] : memref<2x128x128xf32, #tpu.memory_space<vmem>> -> memref<1x128x128xf32, #tpu.memory_space<vmem>>
      %dma_wait3A_199 = tpu.memref_squeeze %dma_wait3A_198 : memref<1x128x128xf32, #tpu.memory_space<vmem>> -> memref<128x128xf32, #tpu.memory_space<vmem>>
      %dma_wait3A_200 = arith.constant 0 : i32
      %dma_wait3A_201 = tpu.memref_slice %arg9[%dma_wait3A_193, %dma_wait3A_200] : memref<2x128xi32, #tpu.memory_space<vmem>> -> memref<1x128xi32, #tpu.memory_space<vmem>>
      %dma_wait3A_202 = tpu.memref_squeeze %dma_wait3A_201 : memref<1x128xi32, #tpu.memory_space<vmem>> -> memref<128xi32, #tpu.memory_space<vmem>>
      %dma_wait3A_203 = arith.constant 0 : i32
      %dma_wait3A_204 = arith.constant 0 : i32
      %dma_wait3A_205 = tpu.memref_slice %arg4[%dma_wait3A_203, %dma_wait3A_204] : memref<100000x128xf32, #tpu.memory_space<hbm>> -> memref<100000x128xf32, #tpu.memory_space<hbm>>
      %dma_wait3A_206 = tpu.memref_slice %arg16[%dma_wait3A_195] : memref<2x!tpu.dma_semaphore, #tpu.memory_space<semaphore_mem>> -> memref<1x!tpu.dma_semaphore, #tpu.memory_space<semaphore_mem>>
      %dma_wait3A_207 = tpu.memref_squeeze %dma_wait3A_206 : memref<1x!tpu.dma_semaphore, #tpu.memory_space<semaphore_mem>> -> memref<!tpu.dma_semaphore, #tpu.memory_space<semaphore_mem>>
      tpu.wait_indirect_dma semaphore(%dma_wait3A_207 : memref<!tpu.dma_semaphore, #tpu.memory_space<semaphore_mem>>) src(%dma_wait3A_205 : memref<100000x128xf32, #tpu.memory_space<hbm>>) dst(%dma_wait3A_199 : memref<128x128xf32, #tpu.memory_space<vmem>>)
      %gt3A = arith.constant 0 : i32
      %gt3A_208 = arith.cmpi sgt, %scan3A_188, %gt3A : i32
      %convert_element_type3A = arith.extui %gt3A_208 : i1 to i32
      %cond3A = arith.constant 0 : i32
      %cond3A_209 = arith.cmpi ne, %convert_element_type3A, %cond3A : i32
      scf.if %cond3A_209 {
        %dma_wait3A_288 = arith.constant 0 : i32
        %dma_wait3A_289 = arith.constant 0 : i32
        %dma_wait3A_290 = arith.constant 0 : i32
        %dma_wait3A_291 = arith.constant 0 : i32
        %dma_wait3A_292 = tpu.memref_slice %arg12[%dma_wait3A_288, %dma_wait3A_290, %dma_wait3A_291] : memref<2x128x128xf32, #tpu.memory_space<vmem>> -> memref<1x128x128xf32, #tpu.memory_space<vmem>>
        %dma_wait3A_293 = tpu.memref_squeeze %dma_wait3A_292 : memref<1x128x128xf32, #tpu.memory_space<vmem>> -> memref<128x128xf32, #tpu.memory_space<vmem>>
        %dma_wait3A_294 = arith.constant 0 : i32
        %dma_wait3A_295 = tpu.memref_slice %arg8[%mul3A_2, %dma_wait3A_294] : memref<204800x128xf32, #tpu.memory_space<hbm>> -> memref<128x128xf32, #tpu.memory_space<hbm>>
        %dma_wait3A_296 = tpu.memref_slice %arg17[%dma_wait3A_289] : memref<2x!tpu.dma_semaphore, #tpu.memory_space<semaphore_mem>> -> memref<1x!tpu.dma_semaphore, #tpu.memory_space<semaphore_mem>>
        %dma_wait3A_297 = tpu.memref_squeeze %dma_wait3A_296 : memref<1x!tpu.dma_semaphore, #tpu.memory_space<semaphore_mem>> -> memref<!tpu.dma_semaphore, #tpu.memory_space<semaphore_mem>>
        %dma_wait3A_298 = arith.constant 0 : i32
        %dma_wait3A_299 = tpu.memref_slice %arg8[%mul3A_2, %dma_wait3A_298] : memref<204800x128xf32, #tpu.memory_space<hbm>> -> memref<128x128xf32, #tpu.memory_space<hbm>>
        %dma_wait3A_300 = arith.constant 0 : i32
        %dma_wait3A_301 = arith.constant 0 : i32
        %dma_wait3A_302 = tpu.memref_slice %arg12[%dma_wait3A_288, %dma_wait3A_300, %dma_wait3A_301] : memref<2x128x128xf32, #tpu.memory_space<vmem>> -> memref<1x128x128xf32, #tpu.memory_space<vmem>>
        %dma_wait3A_303 = tpu.memref_squeeze %dma_wait3A_302 : memref<1x128x128xf32, #tpu.memory_space<vmem>> -> memref<128x128xf32, #tpu.memory_space<vmem>>
        tpu.wait_dma2 semaphore(%dma_wait3A_297 : memref<!tpu.dma_semaphore, #tpu.memory_space<semaphore_mem>>) src(%dma_wait3A_303 : memref<128x128xf32, #tpu.memory_space<vmem>>) dst(%dma_wait3A_299 : memref<128x128xf32, #tpu.memory_space<hbm>>)
      } else {
      }
      %parallel_loop3A = arith.constant 0 : i32
      %parallel_loop3A_210 = arith.constant 128 : i32
      %parallel_loop3A_211 = arith.constant 1 : i32
      scf.for %parallel_loop3A_288 = %parallel_loop3A to %parallel_loop3A_210 step %parallel_loop3A_211  : i32 {
        %parallel_loop3A_289 = arith.constant 0 : i32
        %parallel_loop3A_290 = arith.index_cast %parallel_loop3A_289 : i32 to index
        %parallel_loop3A_291 = arith.index_cast %parallel_loop3A_288 : i32 to index
        %parallel_loop3A_292 = tpu.vector_load %arg10[%parallel_loop3A_290, %parallel_loop3A_291] {strides = array<i32>} : memref<2x144xi32, #tpu.memory_space<vmem>>, vector<16xi32>,
        %parallel_loop3A_293 = vector.extract_strided_slice %parallel_loop3A_292 {offsets = [0], sizes = [1], strides = [1]} : vector<16xi32> to vector<1xi32>
        %parallel_loop3A_294 = vector.extract %parallel_loop3A_293[0] : i32 from vector<1xi32>
        %parallel_loop3A_295 = arith.sitofp %parallel_loop3A_294 : i32 to f32
        %parallel_loop3A_296 = arith.constant 0 : i32
        %parallel_loop3A_297 = arith.index_cast %parallel_loop3A_296 : i32 to index
        %parallel_loop3A_298 = arith.index_cast %parallel_loop3A_288 : i32 to index
        %parallel_loop3A_299 = arith.constant 0 : index
        %parallel_loop3A_300 = tpu.vector_load %arg11[%parallel_loop3A_297, %parallel_loop3A_298, %parallel_loop3A_299] {strides = array<i32>} : memref<2x128x128xf32, #tpu.memory_space<vmem>>, vector<16xf32>,
        %parallel_loop3A_301 = arith.addf %parallel_loop3A_300, %get3A_5 : vector<16xf32>
        %parallel_loop3A_302 = vector.broadcast %parallel_loop3A_295 : f32 to vector<16xf32>
        %parallel_loop3A_303 = arith.mulf %parallel_loop3A_302, %sub3A : vector<16xf32>
        %parallel_loop3A_304 = arith.addf %parallel_loop3A_301, %parallel_loop3A_303 : vector<16xf32>
        %parallel_loop3A_305 = arith.constant 0 : i32
        %parallel_loop3A_306 = arith.index_cast %parallel_loop3A_305 : i32 to index
        %parallel_loop3A_307 = arith.index_cast %parallel_loop3A_288 : i32 to index
        %parallel_loop3A_308 = arith.constant 16 : index
        %parallel_loop3A_309 = tpu.vector_load %arg11[%parallel_loop3A_306, %parallel_loop3A_307, %parallel_loop3A_308] {strides = array<i32>} : memref<2x128x128xf32, #tpu.memory_space<vmem>>, vector<16xf32>,
        %parallel_loop3A_310 = arith.addf %parallel_loop3A_309, %get3A_9 : vector<16xf32>
        %parallel_loop3A_311 = vector.broadcast %parallel_loop3A_295 : f32 to vector<16xf32>
        %parallel_loop3A_312 = arith.mulf %parallel_loop3A_311, %sub3A_42 : vector<16xf32>
        %parallel_loop3A_313 = arith.addf %parallel_loop3A_310, %parallel_loop3A_312 : vector<16xf32>
        %parallel_loop3A_314 = arith.constant 0 : i32
        %parallel_loop3A_315 = arith.index_cast %parallel_loop3A_314 : i32 to index
        %parallel_loop3A_316 = arith.index_cast %parallel_loop3A_288 : i32 to index
        %parallel_loop3A_317 = arith.constant 32 : index
        %parallel_loop3A_318 = tpu.vector_load %arg11[%parallel_loop3A_315, %parallel_loop3A_316, %parallel_loop3A_317] {strides = array<i32>} : memref<2x128x128xf32, #tpu.memory_space<vmem>>, vector<16xf32>,
        %parallel_loop3A_319 = arith.addf %parallel_loop3A_318, %get3A_13 : vector<16xf32>
        %parallel_loop3A_320 = vector.broadcast %parallel_loop3A_295 : f32 to vector<16xf32>
        %parallel_loop3A_321 = arith.mulf %parallel_loop3A_320, %sub3A_47 : vector<16xf32>
        %parallel_loop3A_322 = arith.addf %parallel_loop3A_319, %parallel_loop3A_321 : vector<16xf32>
        %parallel_loop3A_323 = arith.constant 0 : i32
        %parallel_loop3A_324 = arith.index_cast %parallel_loop3A_323 : i32 to index
        %parallel_loop3A_325 = arith.index_cast %parallel_loop3A_288 : i32 to index
        %parallel_loop3A_326 = arith.constant 48 : index
        %parallel_loop3A_327 = tpu.vector_load %arg11[%parallel_loop3A_324, %parallel_loop3A_325, %parallel_loop3A_326] {strides = array<i32>} : memref<2x128x128xf32, #tpu.memory_space<vmem>>, vector<16xf32>,
        %parallel_loop3A_328 = arith.addf %parallel_loop3A_327, %get3A_17 : vector<16xf32>
        %parallel_loop3A_329 = vector.broadcast %parallel_loop3A_295 : f32 to vector<16xf32>
        %parallel_loop3A_330 = arith.mulf %parallel_loop3A_329, %sub3A_52 : vector<16xf32>
        %parallel_loop3A_331 = arith.addf %parallel_loop3A_328, %parallel_loop3A_330 : vector<16xf32>
        %parallel_loop3A_332 = arith.constant 0 : i32
        %parallel_loop3A_333 = arith.index_cast %parallel_loop3A_332 : i32 to index
        %parallel_loop3A_334 = arith.index_cast %parallel_loop3A_288 : i32 to index
        %parallel_loop3A_335 = arith.constant 64 : index
        %parallel_loop3A_336 = tpu.vector_load %arg11[%parallel_loop3A_333, %parallel_loop3A_334, %parallel_loop3A_335] {strides = array<i32>} : memref<2x128x128xf32, #tpu.memory_space<vmem>>, vector<16xf32>,
        %parallel_loop3A_337 = arith.addf %parallel_loop3A_336, %get3A_21 : vector<16xf32>
        %parallel_loop3A_338 = vector.broadcast %parallel_loop3A_295 : f32 to vector<16xf32>
        %parallel_loop3A_339 = arith.mulf %parallel_loop3A_338, %sub3A_57 : vector<16xf32>
        %parallel_loop3A_340 = arith.addf %parallel_loop3A_337, %parallel_loop3A_339 : vector<16xf32>
        %parallel_loop3A_341 = arith.constant 0 : i32
        %parallel_loop3A_342 = arith.index_cast %parallel_loop3A_341 : i32 to index
        %parallel_loop3A_343 = arith.index_cast %parallel_loop3A_288 : i32 to index
        %parallel_loop3A_344 = arith.constant 80 : index
        %parallel_loop3A_345 = tpu.vector_load %arg11[%parallel_loop3A_342, %parallel_loop3A_343, %parallel_loop3A_344] {strides = array<i32>} : memref<2x128x128xf32, #tpu.memory_space<vmem>>, vector<16xf32>,
        %parallel_loop3A_346 = arith.addf %parallel_loop3A_345, %get3A_25 : vector<16xf32>
        %parallel_loop3A_347 = vector.broadcast %parallel_loop3A_295 : f32 to vector<16xf32>
        %parallel_loop3A_348 = arith.mulf %parallel_loop3A_347, %sub3A_62 : vector<16xf32>
        %parallel_loop3A_349 = arith.addf %parallel_loop3A_346, %parallel_loop3A_348 : vector<16xf32>
        %parallel_loop3A_350 = arith.constant 0 : i32
        %parallel_loop3A_351 = arith.index_cast %parallel_loop3A_350 : i32 to index
        %parallel_loop3A_352 = arith.index_cast %parallel_loop3A_288 : i32 to index
        %parallel_loop3A_353 = arith.constant 96 : index
        %parallel_loop3A_354 = tpu.vector_load %arg11[%parallel_loop3A_351, %parallel_loop3A_352, %parallel_loop3A_353] {strides = array<i32>} : memref<2x128x128xf32, #tpu.memory_space<vmem>>, vector<16xf32>,
        %parallel_loop3A_355 = arith.addf %parallel_loop3A_354, %get3A_29 : vector<16xf32>
        %parallel_loop3A_356 = vector.broadcast %parallel_loop3A_295 : f32 to vector<16xf32>
        %parallel_loop3A_357 = arith.mulf %parallel_loop3A_356, %sub3A_67 : vector<16xf32>
        %parallel_loop3A_358 = arith.addf %parallel_loop3A_355, %parallel_loop3A_357 : vector<16xf32>
        %parallel_loop3A_359 = arith.constant 0 : i32
        %parallel_loop3A_360 = arith.index_cast %parallel_loop3A_359 : i32 to index
        %parallel_loop3A_361 = arith.index_cast %parallel_loop3A_288 : i32 to index
        %parallel_loop3A_362 = arith.constant 112 : index
        %parallel_loop3A_363 = tpu.vector_load %arg11[%parallel_loop3A_360, %parallel_loop3A_361, %parallel_loop3A_362] {strides = array<i32>} : memref<2x128x128xf32, #tpu.memory_space<vmem>>, vector<16xf32>,
        %parallel_loop3A_364 = arith.addf %parallel_loop3A_363, %get3A_33 : vector<16xf32>
        %parallel_loop3A_365 = vector.broadcast %parallel_loop3A_295 : f32 to vector<16xf32>
        %parallel_loop3A_366 = arith.mulf %parallel_loop3A_365, %sub3A_72 : vector<16xf32>
        %parallel_loop3A_367 = arith.addf %parallel_loop3A_364, %parallel_loop3A_366 : vector<16xf32>
        %parallel_loop3A_368 = arith.mulf %parallel_loop3A_304, %parallel_loop3A_304 : vector<16xf32>
        %parallel_loop3A_369 = arith.addf %parallel_loop3A_304, %parallel_loop3A_313 : vector<16xf32>
        %parallel_loop3A_370 = arith.mulf %parallel_loop3A_313, %parallel_loop3A_313 : vector<16xf32>
        %parallel_loop3A_371 = arith.addf %parallel_loop3A_368, %parallel_loop3A_370 : vector<16xf32>
        %parallel_loop3A_372 = arith.addf %parallel_loop3A_369, %parallel_loop3A_322 : vector<16xf32>
        %parallel_loop3A_373 = arith.mulf %parallel_loop3A_322, %parallel_loop3A_322 : vector<16xf32>
        %parallel_loop3A_374 = arith.addf %parallel_loop3A_371, %parallel_loop3A_373 : vector<16xf32>
        %parallel_loop3A_375 = arith.addf %parallel_loop3A_372, %parallel_loop3A_331 : vector<16xf32>
        %parallel_loop3A_376 = arith.mulf %parallel_loop3A_331, %parallel_loop3A_331 : vector<16xf32>
        %parallel_loop3A_377 = arith.addf %parallel_loop3A_374, %parallel_loop3A_376 : vector<16xf32>
        %parallel_loop3A_378 = arith.addf %parallel_loop3A_375, %parallel_loop3A_340 : vector<16xf32>
        %parallel_loop3A_379 = arith.mulf %parallel_loop3A_340, %parallel_loop3A_340 : vector<16xf32>
        %parallel_loop3A_380 = arith.addf %parallel_loop3A_377, %parallel_loop3A_379 : vector<16xf32>
        %parallel_loop3A_381 = arith.addf %parallel_loop3A_378, %parallel_loop3A_349 : vector<16xf32>
        %parallel_loop3A_382 = arith.mulf %parallel_loop3A_349, %parallel_loop3A_349 : vector<16xf32>
        %parallel_loop3A_383 = arith.addf %parallel_loop3A_380, %parallel_loop3A_382 : vector<16xf32>
        %parallel_loop3A_384 = arith.addf %parallel_loop3A_381, %parallel_loop3A_358 : vector<16xf32>
        %parallel_loop3A_385 = arith.mulf %parallel_loop3A_358, %parallel_loop3A_358 : vector<16xf32>
        %parallel_loop3A_386 = arith.addf %parallel_loop3A_383, %parallel_loop3A_385 : vector<16xf32>
        %parallel_loop3A_387 = arith.addf %parallel_loop3A_384, %parallel_loop3A_367 : vector<16xf32>
        %parallel_loop3A_388 = arith.mulf %parallel_loop3A_367, %parallel_loop3A_367 : vector<16xf32>
        %parallel_loop3A_389 = arith.addf %parallel_loop3A_386, %parallel_loop3A_388 : vector<16xf32>
        %parallel_loop3A_390 = vector.shape_cast %xor3A_106 : vector<16xi32> to vector<16x1xi32>
        %parallel_loop3A_391 = vector.shape_cast %parallel_loop3A_390 : vector<16x1xi32> to vector<16xi32>
        %parallel_loop3A_392 = tpu.dynamic_gather %parallel_loop3A_387[%parallel_loop3A_391] in [0] : vector<16xf32>, vector<16xi32> -> vector<16xf32>
        %parallel_loop3A_393 = arith.addf %parallel_loop3A_387, %parallel_loop3A_392 : vector<16xf32>
        %parallel_loop3A_394 = vector.shape_cast %xor3A_109 : vector<16xi32> to vector<16x1xi32>
        %parallel_loop3A_395 = vector.shape_cast %parallel_loop3A_394 : vector<16x1xi32> to vector<16xi32>
        %parallel_loop3A_396 = tpu.dynamic_gather %parallel_loop3A_393[%parallel_loop3A_395] in [0] : vector<16xf32>, vector<16xi32> -> vector<16xf32>
        %parallel_loop3A_397 = arith.addf %parallel_loop3A_393, %parallel_loop3A_396 : vector<16xf32>
        %parallel_loop3A_398 = vector.shape_cast %xor3A_112 : vector<16xi32> to vector<16x1xi32>
        %parallel_loop3A_399 = vector.shape_cast %parallel_loop3A_398 : vector<16x1xi32> to vector<16xi32>
        %parallel_loop3A_400 = tpu.dynamic_gather %parallel_loop3A_397[%parallel_loop3A_399] in [0] : vector<16xf32>, vector<16xi32> -> vector<16xf32>
        %parallel_loop3A_401 = arith.addf %parallel_loop3A_397, %parallel_loop3A_400 : vector<16xf32>
        %parallel_loop3A_402 = vector.shape_cast %xor3A_115 : vector<16xi32> to vector<16x1xi32>
        %parallel_loop3A_403 = vector.shape_cast %parallel_loop3A_402 : vector<16x1xi32> to vector<16xi32>
        %parallel_loop3A_404 = tpu.dynamic_gather %parallel_loop3A_401[%parallel_loop3A_403] in [0] : vector<16xf32>, vector<16xi32> -> vector<16xf32>
        %parallel_loop3A_405 = arith.addf %parallel_loop3A_401, %parallel_loop3A_404 : vector<16xf32>
        %parallel_loop3A_406 = arith.constant 7.812500e-03 : f32
        %parallel_loop3A_407 = vector.broadcast %parallel_loop3A_406 : f32 to vector<16xf32>
        %parallel_loop3A_408 = arith.mulf %parallel_loop3A_405, %parallel_loop3A_407 : vector<16xf32>
        %parallel_loop3A_409 = vector.shape_cast %xor3A_106 : vector<16xi32> to vector<16x1xi32>
        %parallel_loop3A_410 = vector.shape_cast %parallel_loop3A_409 : vector<16x1xi32> to vector<16xi32>
        %parallel_loop3A_411 = tpu.dynamic_gather %parallel_loop3A_389[%parallel_loop3A_410] in [0] : vector<16xf32>, vector<16xi32> -> vector<16xf32>
        %parallel_loop3A_412 = arith.addf %parallel_loop3A_389, %parallel_loop3A_411 : vector<16xf32>
        %parallel_loop3A_413 = vector.shape_cast %xor3A_109 : vector<16xi32> to vector<16x1xi32>
        %parallel_loop3A_414 = vector.shape_cast %parallel_loop3A_413 : vector<16x1xi32> to vector<16xi32>
        %parallel_loop3A_415 = tpu.dynamic_gather %parallel_loop3A_412[%parallel_loop3A_414] in [0] : vector<16xf32>, vector<16xi32> -> vector<16xf32>
        %parallel_loop3A_416 = arith.addf %parallel_loop3A_412, %parallel_loop3A_415 : vector<16xf32>
        %parallel_loop3A_417 = vector.shape_cast %xor3A_112 : vector<16xi32> to vector<16x1xi32>
        %parallel_loop3A_418 = vector.shape_cast %parallel_loop3A_417 : vector<16x1xi32> to vector<16xi32>
        %parallel_loop3A_419 = tpu.dynamic_gather %parallel_loop3A_416[%parallel_loop3A_418] in [0] : vector<16xf32>, vector<16xi32> -> vector<16xf32>
        %parallel_loop3A_420 = arith.addf %parallel_loop3A_416, %parallel_loop3A_419 : vector<16xf32>
        %parallel_loop3A_421 = vector.shape_cast %xor3A_115 : vector<16xi32> to vector<16x1xi32>
        %parallel_loop3A_422 = vector.shape_cast %parallel_loop3A_421 : vector<16x1xi32> to vector<16xi32>
        %parallel_loop3A_423 = tpu.dynamic_gather %parallel_loop3A_420[%parallel_loop3A_422] in [0] : vector<16xf32>, vector<16xi32> -> vector<16xf32>
        %parallel_loop3A_424 = arith.addf %parallel_loop3A_420, %parallel_loop3A_423 : vector<16xf32>
        %parallel_loop3A_425 = arith.constant 7.812500e-03 : f32
        %parallel_loop3A_426 = vector.broadcast %parallel_loop3A_425 : f32 to vector<16xf32>
        %parallel_loop3A_427 = arith.mulf %parallel_loop3A_424, %parallel_loop3A_426 : vector<16xf32>
        %parallel_loop3A_428 = arith.mulf %parallel_loop3A_408, %parallel_loop3A_408 : vector<16xf32>
        %parallel_loop3A_429 = arith.subf %parallel_loop3A_427, %parallel_loop3A_428 : vector<16xf32>
        %parallel_loop3A_430 = arith.constant 9.99999996E-13 : f32
        %parallel_loop3A_431 = vector.broadcast %parallel_loop3A_430 : f32 to vector<16xf32>
        %parallel_loop3A_432 = arith.addf %parallel_loop3A_429, %parallel_loop3A_431 : vector<16xf32>
        %parallel_loop3A_433 = vector.bitcast %parallel_loop3A_432 : vector<16xf32> to vector<16xi32>
        %parallel_loop3A_434 = arith.constant 1 : i32
        %parallel_loop3A_435 = vector.broadcast %parallel_loop3A_434 : i32 to vector<16xi32>
        %parallel_loop3A_436 = arith.shrsi %parallel_loop3A_433, %parallel_loop3A_435 : vector<16xi32>
        %parallel_loop3A_437 = arith.constant 1597463007 : i32
        %parallel_loop3A_438 = vector.broadcast %parallel_loop3A_437 : i32 to vector<16xi32>
        %parallel_loop3A_439 = arith.subi %parallel_loop3A_438, %parallel_loop3A_436 : vector<16xi32>
        %parallel_loop3A_440 = vector.bitcast %parallel_loop3A_439 : vector<16xi32> to vector<16xf32>
        %parallel_loop3A_441 = arith.constant 5.000000e-01 : f32
        %parallel_loop3A_442 = vector.broadcast %parallel_loop3A_441 : f32 to vector<16xf32>
        %parallel_loop3A_443 = arith.mulf %parallel_loop3A_442, %parallel_loop3A_432 : vector<16xf32>
        %parallel_loop3A_444 = arith.mulf %parallel_loop3A_443, %parallel_loop3A_440 : vector<16xf32>
        %parallel_loop3A_445 = arith.mulf %parallel_loop3A_444, %parallel_loop3A_440 : vector<16xf32>
        %parallel_loop3A_446 = arith.constant 1.500000e+00 : f32
        %parallel_loop3A_447 = vector.broadcast %parallel_loop3A_446 : f32 to vector<16xf32>
        %parallel_loop3A_448 = arith.subf %parallel_loop3A_447, %parallel_loop3A_445 : vector<16xf32>
        %parallel_loop3A_449 = arith.mulf %parallel_loop3A_440, %parallel_loop3A_448 : vector<16xf32>
        %parallel_loop3A_450 = arith.constant 5.000000e-01 : f32
        %parallel_loop3A_451 = vector.broadcast %parallel_loop3A_450 : f32 to vector<16xf32>
        %parallel_loop3A_452 = arith.mulf %parallel_loop3A_451, %parallel_loop3A_432 : vector<16xf32>
        %parallel_loop3A_453 = arith.mulf %parallel_loop3A_452, %parallel_loop3A_449 : vector<16xf32>
        %parallel_loop3A_454 = arith.mulf %parallel_loop3A_453, %parallel_loop3A_449 : vector<16xf32>
        %parallel_loop3A_455 = arith.constant 1.500000e+00 : f32
        %parallel_loop3A_456 = vector.broadcast %parallel_loop3A_455 : f32 to vector<16xf32>
        %parallel_loop3A_457 = arith.subf %parallel_loop3A_456, %parallel_loop3A_454 : vector<16xf32>
        %parallel_loop3A_458 = arith.mulf %parallel_loop3A_449, %parallel_loop3A_457 : vector<16xf32>
        %parallel_loop3A_459 = arith.constant 5.000000e-01 : f32
        %parallel_loop3A_460 = vector.broadcast %parallel_loop3A_459 : f32 to vector<16xf32>
        %parallel_loop3A_461 = arith.mulf %parallel_loop3A_460, %parallel_loop3A_432 : vector<16xf32>
        %parallel_loop3A_462 = arith.mulf %parallel_loop3A_461, %parallel_loop3A_458 : vector<16xf32>
        %parallel_loop3A_463 = arith.mulf %parallel_loop3A_462, %parallel_loop3A_458 : vector<16xf32>
        %parallel_loop3A_464 = arith.constant 1.500000e+00 : f32
        %parallel_loop3A_465 = vector.broadcast %parallel_loop3A_464 : f32 to vector<16xf32>
        %parallel_loop3A_466 = arith.subf %parallel_loop3A_465, %parallel_loop3A_463 : vector<16xf32>
        %parallel_loop3A_467 = arith.mulf %parallel_loop3A_458, %parallel_loop3A_466 : vector<16xf32>
        %parallel_loop3A_468 = arith.subf %parallel_loop3A_304, %parallel_loop3A_408 : vector<16xf32>
        %parallel_loop3A_469 = arith.mulf %parallel_loop3A_468, %parallel_loop3A_467 : vector<16xf32>
        %parallel_loop3A_470 = arith.mulf %parallel_loop3A_469, %get3A_74 : vector<16xf32>
        %parallel_loop3A_471 = arith.addf %parallel_loop3A_470, %get3A_90 : vector<16xf32>
        %parallel_loop3A_472 = arith.constant 0 : i32
        %parallel_loop3A_473 = arith.index_cast %parallel_loop3A_472 : i32 to index
        %parallel_loop3A_474 = arith.index_cast %parallel_loop3A_288 : i32 to index
        %parallel_loop3A_475 = arith.constant 0 : index
        %parallel_loop3A_476 = tpu.vector_load %arg12[%parallel_loop3A_473, %parallel_loop3A_474, %parallel_loop3A_475] {strides = array<i32>} : memref<2x128x128xf32, #tpu.memory_space<vmem>>, vector<16xf32>,
        tpu.vector_store %arg12[%parallel_loop3A_473, %parallel_loop3A_474, %parallel_loop3A_475], %parallel_loop3A_471 {strides = array<i32>} : memref<2x128x128xf32, #tpu.memory_space<vmem>>, vector<16xf32>,
        %parallel_loop3A_477 = arith.subf %parallel_loop3A_313, %parallel_loop3A_408 : vector<16xf32>
        %parallel_loop3A_478 = arith.mulf %parallel_loop3A_477, %parallel_loop3A_467 : vector<16xf32>
        %parallel_loop3A_479 = arith.mulf %parallel_loop3A_478, %get3A_76 : vector<16xf32>
        %parallel_loop3A_480 = arith.addf %parallel_loop3A_479, %get3A_92 : vector<16xf32>
        %parallel_loop3A_481 = arith.constant 0 : i32
        %parallel_loop3A_482 = arith.index_cast %parallel_loop3A_481 : i32 to index
        %parallel_loop3A_483 = arith.index_cast %parallel_loop3A_288 : i32 to index
        %parallel_loop3A_484 = arith.constant 16 : index
        %parallel_loop3A_485 = tpu.vector_load %arg12[%parallel_loop3A_482, %parallel_loop3A_483, %parallel_loop3A_484] {strides = array<i32>} : memref<2x128x128xf32, #tpu.memory_space<vmem>>, vector<16xf32>,
        tpu.vector_store %arg12[%parallel_loop3A_482, %parallel_loop3A_483, %parallel_loop3A_484], %parallel_loop3A_480 {strides = array<i32>} : memref<2x128x128xf32, #tpu.memory_space<vmem>>, vector<16xf32>,
        %parallel_loop3A_486 = arith.subf %parallel_loop3A_322, %parallel_loop3A_408 : vector<16xf32>
        %parallel_loop3A_487 = arith.mulf %parallel_loop3A_486, %parallel_loop3A_467 : vector<16xf32>
        %parallel_loop3A_488 = arith.mulf %parallel_loop3A_487, %get3A_78 : vector<16xf32>
        %parallel_loop3A_489 = arith.addf %parallel_loop3A_488, %get3A_94 : vector<16xf32>
        %parallel_loop3A_490 = arith.constant 0 : i32
        %parallel_loop3A_491 = arith.index_cast %parallel_loop3A_490 : i32 to index
        %parallel_loop3A_492 = arith.index_cast %parallel_loop3A_288 : i32 to index
        %parallel_loop3A_493 = arith.constant 32 : index
        %parallel_loop3A_494 = tpu.vector_load %arg12[%parallel_loop3A_491, %parallel_loop3A_492, %parallel_loop3A_493] {strides = array<i32>} : memref<2x128x128xf32, #tpu.memory_space<vmem>>, vector<16xf32>,
        tpu.vector_store %arg12[%parallel_loop3A_491, %parallel_loop3A_492, %parallel_loop3A_493], %parallel_loop3A_489 {strides = array<i32>} : memref<2x128x128xf32, #tpu.memory_space<vmem>>, vector<16xf32>,
        %parallel_loop3A_495 = arith.subf %parallel_loop3A_331, %parallel_loop3A_408 : vector<16xf32>
        %parallel_loop3A_496 = arith.mulf %parallel_loop3A_495, %parallel_loop3A_467 : vector<16xf32>
        %parallel_loop3A_497 = arith.mulf %parallel_loop3A_496, %get3A_80 : vector<16xf32>
        %parallel_loop3A_498 = arith.addf %parallel_loop3A_497, %get3A_96 : vector<16xf32>
        %parallel_loop3A_499 = arith.constant 0 : i32
        %parallel_loop3A_500 = arith.index_cast %parallel_loop3A_499 : i32 to index
        %parallel_loop3A_501 = arith.index_cast %parallel_loop3A_288 : i32 to index
        %parallel_loop3A_502 = arith.constant 48 : index
        %parallel_loop3A_503 = tpu.vector_load %arg12[%parallel_loop3A_500, %parallel_loop3A_501, %parallel_loop3A_502] {strides = array<i32>} : memref<2x128x128xf32, #tpu.memory_space<vmem>>, vector<16xf32>,
        tpu.vector_store %arg12[%parallel_loop3A_500, %parallel_loop3A_501, %parallel_loop3A_502], %parallel_loop3A_498 {strides = array<i32>} : memref<2x128x128xf32, #tpu.memory_space<vmem>>, vector<16xf32>,
        %parallel_loop3A_504 = arith.subf %parallel_loop3A_340, %parallel_loop3A_408 : vector<16xf32>
        %parallel_loop3A_505 = arith.mulf %parallel_loop3A_504, %parallel_loop3A_467 : vector<16xf32>
        %parallel_loop3A_506 = arith.mulf %parallel_loop3A_505, %get3A_82 : vector<16xf32>
        %parallel_loop3A_507 = arith.addf %parallel_loop3A_506, %get3A_98 : vector<16xf32>
        %parallel_loop3A_508 = arith.constant 0 : i32
        %parallel_loop3A_509 = arith.index_cast %parallel_loop3A_508 : i32 to index
        %parallel_loop3A_510 = arith.index_cast %parallel_loop3A_288 : i32 to index
        %parallel_loop3A_511 = arith.constant 64 : index
        %parallel_loop3A_512 = tpu.vector_load %arg12[%parallel_loop3A_509, %parallel_loop3A_510, %parallel_loop3A_511] {strides = array<i32>} : memref<2x128x128xf32, #tpu.memory_space<vmem>>, vector<16xf32>,
        tpu.vector_store %arg12[%parallel_loop3A_509, %parallel_loop3A_510, %parallel_loop3A_511], %parallel_loop3A_507 {strides = array<i32>} : memref<2x128x128xf32, #tpu.memory_space<vmem>>, vector<16xf32>,
        %parallel_loop3A_513 = arith.subf %parallel_loop3A_349, %parallel_loop3A_408 : vector<16xf32>
        %parallel_loop3A_514 = arith.mulf %parallel_loop3A_513, %parallel_loop3A_467 : vector<16xf32>
        %parallel_loop3A_515 = arith.mulf %parallel_loop3A_514, %get3A_84 : vector<16xf32>
        %parallel_loop3A_516 = arith.addf %parallel_loop3A_515, %get3A_100 : vector<16xf32>
        %parallel_loop3A_517 = arith.constant 0 : i32
        %parallel_loop3A_518 = arith.index_cast %parallel_loop3A_517 : i32 to index
        %parallel_loop3A_519 = arith.index_cast %parallel_loop3A_288 : i32 to index
        %parallel_loop3A_520 = arith.constant 80 : index
        %parallel_loop3A_521 = tpu.vector_load %arg12[%parallel_loop3A_518, %parallel_loop3A_519, %parallel_loop3A_520] {strides = array<i32>} : memref<2x128x128xf32, #tpu.memory_space<vmem>>, vector<16xf32>,
        tpu.vector_store %arg12[%parallel_loop3A_518, %parallel_loop3A_519, %parallel_loop3A_520], %parallel_loop3A_516 {strides = array<i32>} : memref<2x128x128xf32, #tpu.memory_space<vmem>>, vector<16xf32>,
        %parallel_loop3A_522 = arith.subf %parallel_loop3A_358, %parallel_loop3A_408 : vector<16xf32>
        %parallel_loop3A_523 = arith.mulf %parallel_loop3A_522, %parallel_loop3A_467 : vector<16xf32>
        %parallel_loop3A_524 = arith.mulf %parallel_loop3A_523, %get3A_86 : vector<16xf32>
        %parallel_loop3A_525 = arith.addf %parallel_loop3A_524, %get3A_102 : vector<16xf32>
        %parallel_loop3A_526 = arith.constant 0 : i32
        %parallel_loop3A_527 = arith.index_cast %parallel_loop3A_526 : i32 to index
        %parallel_loop3A_528 = arith.index_cast %parallel_loop3A_288 : i32 to index
        %parallel_loop3A_529 = arith.constant 96 : index
        %parallel_loop3A_530 = tpu.vector_load %arg12[%parallel_loop3A_527, %parallel_loop3A_528, %parallel_loop3A_529] {strides = array<i32>} : memref<2x128x128xf32, #tpu.memory_space<vmem>>, vector<16xf32>,
        tpu.vector_store %arg12[%parallel_loop3A_527, %parallel_loop3A_528, %parallel_loop3A_529], %parallel_loop3A_525 {strides = array<i32>} : memref<2x128x128xf32, #tpu.memory_space<vmem>>, vector<16xf32>,
        %parallel_loop3A_531 = arith.subf %parallel_loop3A_367, %parallel_loop3A_408 : vector<16xf32>
        %parallel_loop3A_532 = arith.mulf %parallel_loop3A_531, %parallel_loop3A_467 : vector<16xf32>
        %parallel_loop3A_533 = arith.mulf %parallel_loop3A_532, %get3A_88 : vector<16xf32>
        %parallel_loop3A_534 = arith.addf %parallel_loop3A_533, %get3A_104 : vector<16xf32>
        %parallel_loop3A_535 = arith.constant 0 : i32
        %parallel_loop3A_536 = arith.index_cast %parallel_loop3A_535 : i32 to index
        %parallel_loop3A_537 = arith.index_cast %parallel_loop3A_288 : i32 to index
        %parallel_loop3A_538 = arith.constant 112 : index
        %parallel_loop3A_539 = tpu.vector_load %arg12[%parallel_loop3A_536, %parallel_loop3A_537, %parallel_loop3A_538] {strides = array<i32>} : memref<2x128x128xf32, #tpu.memory_space<vmem>>, vector<16xf32>,
        tpu.vector_store %arg12[%parallel_loop3A_536, %parallel_loop3A_537, %parallel_loop3A_538], %parallel_loop3A_534 {strides = array<i32>} : memref<2x128x128xf32, #tpu.memory_space<vmem>>, vector<16xf32>,
      } {sc.loop_unroll_factor = 4 : i64, sc.parallel_access}
      %mul3A_212 = arith.constant 128 : i32
      %mul3A_213 = arith.muli %add3A_192, %mul3A_212 : i32
      %add3A_214 = arith.addi %mul3A_2, %mul3A_213 : i32
      %dma_start3A_215 = arith.constant 0 : i32
      %dma_start3A_216 = arith.constant 0 : i32
      %dma_start3A_217 = arith.constant 0 : i32
      %dma_start3A_218 = arith.constant 0 : i32
      %dma_start3A_219 = tpu.memref_slice %arg12[%dma_start3A_215, %dma_start3A_217, %dma_start3A_218] : memref<2x128x128xf32, #tpu.memory_space<vmem>> -> memref<1x128x128xf32, #tpu.memory_space<vmem>>
      %dma_start3A_220 = tpu.memref_squeeze %dma_start3A_219 : memref<1x128x128xf32, #tpu.memory_space<vmem>> -> memref<128x128xf32, #tpu.memory_space<vmem>>
      %dma_start3A_221 = arith.constant 0 : i32
      %dma_start3A_222 = tpu.memref_slice %arg8[%add3A_214, %dma_start3A_221] : memref<204800x128xf32, #tpu.memory_space<hbm>> -> memref<128x128xf32, #tpu.memory_space<hbm>>
      %dma_start3A_223 = tpu.memref_slice %arg17[%dma_start3A_216] : memref<2x!tpu.dma_semaphore, #tpu.memory_space<semaphore_mem>> -> memref<1x!tpu.dma_semaphore, #tpu.memory_space<semaphore_mem>>
      %dma_start3A_224 = tpu.memref_squeeze %dma_start3A_223 : memref<1x!tpu.dma_semaphore, #tpu.memory_space<semaphore_mem>> -> memref<!tpu.dma_semaphore, #tpu.memory_space<semaphore_mem>>
      %dma_start3A_225 = arith.constant 0 : i32
      %dma_start3A_226 = tpu.memref_slice %arg8[%add3A_214, %dma_start3A_225] : memref<204800x128xf32, #tpu.memory_space<hbm>> -> memref<128x128xf32, #tpu.memory_space<hbm>>
      %dma_start3A_227 = arith.constant 0 : i32
      %dma_start3A_228 = arith.constant 0 : i32
      %dma_start3A_229 = tpu.memref_slice %arg12[%dma_start3A_215, %dma_start3A_227, %dma_start3A_228] : memref<2x128x128xf32, #tpu.memory_space<vmem>> -> memref<1x128x128xf32, #tpu.memory_space<vmem>>
      %dma_start3A_230 = tpu.memref_squeeze %dma_start3A_229 : memref<1x128x128xf32, #tpu.memory_space<vmem>> -> memref<128x128xf32, #tpu.memory_space<vmem>>
      tpu.enqueue_dma source(%dma_start3A_230 : memref<128x128xf32, #tpu.memory_space<vmem>>) target(%dma_start3A_226 : memref<128x128xf32, #tpu.memory_space<hbm>>) target_semaphore(%dma_start3A_224 : memref<!tpu.dma_semaphore, #tpu.memory_space<semaphore_mem>>)
      %add3A_231 = arith.constant 1 : i32
      %add3A_232 = arith.addi %scan3A_188, %add3A_231 : i32
      %lt3A = arith.constant 25 : i32
      %lt3A_233 = arith.cmpi slt, %add3A_232, %lt3A : i32
      %convert_element_type3A_234 = arith.extui %lt3A_233 : i1 to i32
      %cond3A_235 = arith.constant 0 : i32
      %cond3A_236 = arith.cmpi ne, %convert_element_type3A_234, %cond3A_235 : i32
      scf.if %cond3A_236 {
        %add3A_288 = arith.constant 2 : i32
        %add3A_289 = arith.addi %add3A_192, %add3A_288 : i32
        %mul3A_290 = arith.constant 128 : i32
        %mul3A_291 = arith.muli %add3A_289, %mul3A_290 : i32
        %add3A_292 = arith.addi %mul3A_2, %mul3A_291 : i32
        %run_scoped3A_293 = arith.constant 0 : i32
        "tpu.region"() ({
          %run_scoped3A_310 = tpu.sem_alloc : memref<!tpu.dma_semaphore, #tpu.memory_space<semaphore_mem>>
          %dma_start3A_311 = arith.constant 0 : i32
          %dma_start3A_312 = tpu.memref_slice %arg9[%run_scoped3A_293, %dma_start3A_311] : memref<2x128xi32, #tpu.memory_space<vmem>> -> memref<1x128xi32, #tpu.memory_space<vmem>>
          %dma_start3A_313 = tpu.memref_squeeze %dma_start3A_312 : memref<1x128xi32, #tpu.memory_space<vmem>> -> memref<128xi32, #tpu.memory_space<vmem>>
          %dma_start3A_314 = tpu.memref_slice %arg2[%add3A_292] : memref<204800xi32, #tpu.memory_space<hbm>> -> memref<128xi32, #tpu.memory_space<hbm>>
          %dma_start3A_315 = arith.constant 0 : i32
          %dma_start3A_316 = tpu.memref_slice %arg9[%run_scoped3A_293, %dma_start3A_315] : memref<2x128xi32, #tpu.memory_space<vmem>> -> memref<1x128xi32, #tpu.memory_space<vmem>>
          %dma_start3A_317 = tpu.memref_squeeze %dma_start3A_316 : memref<1x128xi32, #tpu.memory_space<vmem>> -> memref<128xi32, #tpu.memory_space<vmem>>
          %dma_start3A_318 = tpu.memref_slice %arg2[%add3A_292] : memref<204800xi32, #tpu.memory_space<hbm>> -> memref<128xi32, #tpu.memory_space<hbm>>
          tpu.enqueue_dma source(%dma_start3A_318 : memref<128xi32, #tpu.memory_space<hbm>>) target(%dma_start3A_317 : memref<128xi32, #tpu.memory_space<vmem>>) target_semaphore(%run_scoped3A_310 : memref<!tpu.dma_semaphore, #tpu.memory_space<semaphore_mem>>)
          %dma_wait3A_319 = arith.constant 0 : i32
          %dma_wait3A_320 = tpu.memref_slice %arg9[%run_scoped3A_293, %dma_wait3A_319] : memref<2x128xi32, #tpu.memory_space<vmem>> -> memref<1x128xi32, #tpu.memory_space<vmem>>
          %dma_wait3A_321 = tpu.memref_squeeze %dma_wait3A_320 : memref<1x128xi32, #tpu.memory_space<vmem>> -> memref<128xi32, #tpu.memory_space<vmem>>
          %dma_wait3A_322 = tpu.memref_slice %arg2[%add3A_292] : memref<204800xi32, #tpu.memory_space<hbm>> -> memref<128xi32, #tpu.memory_space<hbm>>
          %dma_wait3A_323 = arith.constant 0 : i32
          %dma_wait3A_324 = tpu.memref_slice %arg9[%run_scoped3A_293, %dma_wait3A_323] : memref<2x128xi32, #tpu.memory_space<vmem>> -> memref<1x128xi32, #tpu.memory_space<vmem>>
          %dma_wait3A_325 = tpu.memref_squeeze %dma_wait3A_324 : memref<1x128xi32, #tpu.memory_space<vmem>> -> memref<128xi32, #tpu.memory_space<vmem>>
          %dma_wait3A_326 = tpu.memref_slice %arg2[%add3A_292] : memref<204800xi32, #tpu.memory_space<hbm>> -> memref<128xi32, #tpu.memory_space<hbm>>
          tpu.wait_dma2 semaphore(%run_scoped3A_310 : memref<!tpu.dma_semaphore, #tpu.memory_space<semaphore_mem>>) src(%dma_wait3A_326 : memref<128xi32, #tpu.memory_space<hbm>>) dst(%dma_wait3A_325 : memref<128xi32, #tpu.memory_space<vmem>>)
          tpu.yield
        }) : () -> ()
        %run_scoped3A_294 = arith.constant 0 : i32
        "tpu.region"() ({
          %run_scoped3A_310 = tpu.sem_alloc : memref<!tpu.dma_semaphore, #tpu.memory_space<semaphore_mem>>
          %dma_start3A_311 = arith.constant 0 : i32
          %dma_start3A_312 = tpu.memref_slice %arg10[%run_scoped3A_294, %dma_start3A_311] : memref<2x144xi32, #tpu.memory_space<vmem>> -> memref<1x128xi32, #tpu.memory_space<vmem>>
          %dma_start3A_313 = tpu.memref_squeeze %dma_start3A_312 : memref<1x128xi32, #tpu.memory_space<vmem>> -> memref<128xi32, #tpu.memory_space<vmem>>
          %dma_start3A_314 = tpu.memref_slice %arg3[%add3A_292] : memref<204800xi32, #tpu.memory_space<hbm>> -> memref<128xi32, #tpu.memory_space<hbm>>
          %dma_start3A_315 = arith.constant 0 : i32
          %dma_start3A_316 = tpu.memref_slice %arg10[%run_scoped3A_294, %dma_start3A_315] : memref<2x144xi32, #tpu.memory_space<vmem>> -> memref<1x128xi32, #tpu.memory_space<vmem>>
          %dma_start3A_317 = tpu.memref_squeeze %dma_start3A_316 : memref<1x128xi32, #tpu.memory_space<vmem>> -> memref<128xi32, #tpu.memory_space<vmem>>
          %dma_start3A_318 = tpu.memref_slice %arg3[%add3A_292] : memref<204800xi32, #tpu.memory_space<hbm>> -> memref<128xi32, #tpu.memory_space<hbm>>
          tpu.enqueue_dma source(%dma_start3A_318 : memref<128xi32, #tpu.memory_space<hbm>>) target(%dma_start3A_317 : memref<128xi32, #tpu.memory_space<vmem>>) target_semaphore(%run_scoped3A_310 : memref<!tpu.dma_semaphore, #tpu.memory_space<semaphore_mem>>)
          %dma_wait3A_319 = arith.constant 0 : i32
          %dma_wait3A_320 = tpu.memref_slice %arg10[%run_scoped3A_294, %dma_wait3A_319] : memref<2x144xi32, #tpu.memory_space<vmem>> -> memref<1x128xi32, #tpu.memory_space<vmem>>
          %dma_wait3A_321 = tpu.memref_squeeze %dma_wait3A_320 : memref<1x128xi32, #tpu.memory_space<vmem>> -> memref<128xi32, #tpu.memory_space<vmem>>
          %dma_wait3A_322 = tpu.memref_slice %arg3[%add3A_292] : memref<204800xi32, #tpu.memory_space<hbm>> -> memref<128xi32, #tpu.memory_space<hbm>>
          %dma_wait3A_323 = arith.constant 0 : i32
          %dma_wait3A_324 = tpu.memref_slice %arg10[%run_scoped3A_294, %dma_wait3A_323] : memref<2x144xi32, #tpu.memory_space<vmem>> -> memref<1x128xi32, #tpu.memory_space<vmem>>
          %dma_wait3A_325 = tpu.memref_squeeze %dma_wait3A_324 : memref<1x128xi32, #tpu.memory_space<vmem>> -> memref<128xi32, #tpu.memory_space<vmem>>
          %dma_wait3A_326 = tpu.memref_slice %arg3[%add3A_292] : memref<204800xi32, #tpu.memory_space<hbm>> -> memref<128xi32, #tpu.memory_space<hbm>>
          tpu.wait_dma2 semaphore(%run_scoped3A_310 : memref<!tpu.dma_semaphore, #tpu.memory_space<semaphore_mem>>) src(%dma_wait3A_326 : memref<128xi32, #tpu.memory_space<hbm>>) dst(%dma_wait3A_325 : memref<128xi32, #tpu.memory_space<vmem>>)
          tpu.yield
        }) : () -> ()
        %dma_start3A_295 = arith.constant 0 : i32
        %dma_start3A_296 = arith.constant 0 : i32
        %dma_start3A_297 = arith.constant 0 : i32
        %dma_start3A_298 = arith.constant 0 : i32
        %dma_start3A_299 = arith.constant 0 : i32
        %dma_start3A_300 = tpu.memref_slice %arg11[%dma_start3A_296, %dma_start3A_298, %dma_start3A_299] : memref<2x128x128xf32, #tpu.memory_space<vmem>> -> memref<1x128x128xf32, #tpu.memory_space<vmem>>
        %dma_start3A_301 = tpu.memref_squeeze %dma_start3A_300 : memref<1x128x128xf32, #tpu.memory_space<vmem>> -> memref<128x128xf32, #tpu.memory_space<vmem>>
        %dma_start3A_302 = arith.constant 0 : i32
        %dma_start3A_303 = tpu.memref_slice %arg9[%dma_start3A_295, %dma_start3A_302] : memref<2x128xi32, #tpu.memory_space<vmem>> -> memref<1x128xi32, #tpu.memory_space<vmem>>
        %dma_start3A_304 = tpu.memref_squeeze %dma_start3A_303 : memref<1x128xi32, #tpu.memory_space<vmem>> -> memref<128xi32, #tpu.memory_space<vmem>>
        %dma_start3A_305 = arith.constant 0 : i32
        %dma_start3A_306 = arith.constant 0 : i32
        %dma_start3A_307 = tpu.memref_slice %arg4[%dma_start3A_305, %dma_start3A_306] : memref<100000x128xf32, #tpu.memory_space<hbm>> -> memref<100000x128xf32, #tpu.memory_space<hbm>>
        %dma_start3A_308 = tpu.memref_slice %arg16[%dma_start3A_297] : memref<2x!tpu.dma_semaphore, #tpu.memory_space<semaphore_mem>> -> memref<1x!tpu.dma_semaphore, #tpu.memory_space<semaphore_mem>>
        %dma_start3A_309 = tpu.memref_squeeze %dma_start3A_308 : memref<1x!tpu.dma_semaphore, #tpu.memory_space<semaphore_mem>> -> memref<!tpu.dma_semaphore, #tpu.memory_space<semaphore_mem>>
        tpu.enqueue_indirect_dma source(%dma_start3A_307 : memref<100000x128xf32, #tpu.memory_space<hbm>>) target(%dma_start3A_301 : memref<128x128xf32, #tpu.memory_space<vmem>>) offsets(%dma_start3A_304 : memref<128xi32, #tpu.memory_space<vmem>>) semaphore(%dma_start3A_309 : memref<!tpu.dma_semaphore, #tpu.memory_space<semaphore_mem>>)
      } else {
      }
      %add3A_237 = arith.constant 1 : i32
      %add3A_238 = arith.addi %mul3A_190, %add3A_237 : i32
      %dma_wait3A_239 = arith.constant 1 : i32
      %dma_wait3A_240 = arith.constant 1 : i32
      %dma_wait3A_241 = arith.constant 1 : i32
      %dma_wait3A_242 = arith.constant 0 : i32
      %dma_wait3A_243 = arith.constant 0 : i32
      %dma_wait3A_244 = tpu.memref_slice %arg11[%dma_wait3A_240, %dma_wait3A_242, %dma_wait3A_243] : memref<2x128x128xf32, #tpu.memory_space<vmem>> -> memref<1x128x128xf32, #tpu.memory_space<vmem>>
      %dma_wait3A_245 = tpu.memref_squeeze %dma_wait3A_244 : memref<1x128x128xf32, #tpu.memory_space<vmem>> -> memref<128x128xf32, #tpu.memory_space<vmem>>
      %dma_wait3A_246 = arith.constant 0 : i32
      %dma_wait3A_247 = tpu.memref_slice %arg9[%dma_wait3A_239, %dma_wait3A_246] : memref<2x128xi32, #tpu.memory_space<vmem>> -> memref<1x128xi32, #tpu.memory_space<vmem>>
      %dma_wait3A_248 = tpu.memref_squeeze %dma_wait3A_247 : memref<1x128xi32, #tpu.memory_space<vmem>> -> memref<128xi32, #tpu.memory_space<vmem>>
      %dma_wait3A_249 = arith.constant 0 : i32
      %dma_wait3A_250 = arith.constant 0 : i32
      %dma_wait3A_251 = tpu.memref_slice %arg4[%dma_wait3A_249, %dma_wait3A_250] : memref<100000x128xf32, #tpu.memory_space<hbm>> -> memref<100000x128xf32, #tpu.memory_space<hbm>>
      %dma_wait3A_252 = tpu.memref_slice %arg16[%dma_wait3A_241] : memref<2x!tpu.dma_semaphore, #tpu.memory_space<semaphore_mem>> -> memref<1x!tpu.dma_semaphore, #tpu.memory_space<semaphore_mem>>
      %dma_wait3A_253 = tpu.memref_squeeze %dma_wait3A_252 : memref<1x!tpu.dma_semaphore, #tpu.memory_space<semaphore_mem>> -> memref<!tpu.dma_semaphore, #tpu.memory_space<semaphore_mem>>
      tpu.wait_indirect_dma semaphore(%dma_wait3A_253 : memref<!tpu.dma_semaphore, #tpu.memory_space<semaphore_mem>>) src(%dma_wait3A_251 : memref<100000x128xf32, #tpu.memory_space<hbm>>) dst(%dma_wait3A_245 : memref<128x128xf32, #tpu.memory_space<vmem>>)
      %gt3A_254 = arith.constant 0 : i32
      %gt3A_255 = arith.cmpi sgt, %scan3A_188, %gt3A_254 : i32
      %convert_element_type3A_256 = arith.extui %gt3A_255 : i1 to i32
      %cond3A_257 = arith.constant 0 : i32
      %cond3A_258 = arith.cmpi ne, %convert_element_type3A_256, %cond3A_257 : i32
      scf.if %cond3A_258 {
        %dma_wait3A_288 = arith.constant 1 : i32
        %dma_wait3A_289 = arith.constant 1 : i32
        %dma_wait3A_290 = arith.constant 0 : i32
        %dma_wait3A_291 = arith.constant 0 : i32
        %dma_wait3A_292 = tpu.memref_slice %arg12[%dma_wait3A_288, %dma_wait3A_290, %dma_wait3A_291] : memref<2x128x128xf32, #tpu.memory_space<vmem>> -> memref<1x128x128xf32, #tpu.memory_space<vmem>>
        %dma_wait3A_293 = tpu.memref_squeeze %dma_wait3A_292 : memref<1x128x128xf32, #tpu.memory_space<vmem>> -> memref<128x128xf32, #tpu.memory_space<vmem>>
        %dma_wait3A_294 = arith.constant 0 : i32
        %dma_wait3A_295 = tpu.memref_slice %arg8[%mul3A_2, %dma_wait3A_294] : memref<204800x128xf32, #tpu.memory_space<hbm>> -> memref<128x128xf32, #tpu.memory_space<hbm>>
        %dma_wait3A_296 = tpu.memref_slice %arg17[%dma_wait3A_289] : memref<2x!tpu.dma_semaphore, #tpu.memory_space<semaphore_mem>> -> memref<1x!tpu.dma_semaphore, #tpu.memory_space<semaphore_mem>>
        %dma_wait3A_297 = tpu.memref_squeeze %dma_wait3A_296 : memref<1x!tpu.dma_semaphore, #tpu.memory_space<semaphore_mem>> -> memref<!tpu.dma_semaphore, #tpu.memory_space<semaphore_mem>>
        %dma_wait3A_298 = arith.constant 0 : i32
        %dma_wait3A_299 = tpu.memref_slice %arg8[%mul3A_2, %dma_wait3A_298] : memref<204800x128xf32, #tpu.memory_space<hbm>> -> memref<128x128xf32, #tpu.memory_space<hbm>>
        %dma_wait3A_300 = arith.constant 0 : i32
        %dma_wait3A_301 = arith.constant 0 : i32
        %dma_wait3A_302 = tpu.memref_slice %arg12[%dma_wait3A_288, %dma_wait3A_300, %dma_wait3A_301] : memref<2x128x128xf32, #tpu.memory_space<vmem>> -> memref<1x128x128xf32, #tpu.memory_space<vmem>>
        %dma_wait3A_303 = tpu.memref_squeeze %dma_wait3A_302 : memref<1x128x128xf32, #tpu.memory_space<vmem>> -> memref<128x128xf32, #tpu.memory_space<vmem>>
        tpu.wait_dma2 semaphore(%dma_wait3A_297 : memref<!tpu.dma_semaphore, #tpu.memory_space<semaphore_mem>>) src(%dma_wait3A_303 : memref<128x128xf32, #tpu.memory_space<vmem>>) dst(%dma_wait3A_299 : memref<128x128xf32, #tpu.memory_space<hbm>>)
      } else {
      }
      %parallel_loop3A_259 = arith.constant 0 : i32
      %parallel_loop3A_260 = arith.constant 128 : i32
      %parallel_loop3A_261 = arith.constant 1 : i32
      scf.for %parallel_loop3A_288 = %parallel_loop3A_259 to %parallel_loop3A_260 step %parallel_loop3A_261  : i32 {
        %parallel_loop3A_289 = arith.constant 1 : i32
        %parallel_loop3A_290 = arith.index_cast %parallel_loop3A_289 : i32 to index
        %parallel_loop3A_291 = arith.index_cast %parallel_loop3A_288 : i32 to index
        %parallel_loop3A_292 = tpu.vector_load %arg10[%parallel_loop3A_290, %parallel_loop3A_291] {strides = array<i32>} : memref<2x144xi32, #tpu.memory_space<vmem>>, vector<16xi32>,
        %parallel_loop3A_293 = vector.extract_strided_slice %parallel_loop3A_292 {offsets = [0], sizes = [1], strides = [1]} : vector<16xi32> to vector<1xi32>
        %parallel_loop3A_294 = vector.extract %parallel_loop3A_293[0] : i32 from vector<1xi32>
        %parallel_loop3A_295 = arith.sitofp %parallel_loop3A_294 : i32 to f32
        %parallel_loop3A_296 = arith.constant 1 : i32
        %parallel_loop3A_297 = arith.index_cast %parallel_loop3A_296 : i32 to index
        %parallel_loop3A_298 = arith.index_cast %parallel_loop3A_288 : i32 to index
        %parallel_loop3A_299 = arith.constant 0 : index
        %parallel_loop3A_300 = tpu.vector_load %arg11[%parallel_loop3A_297, %parallel_loop3A_298, %parallel_loop3A_299] {strides = array<i32>} : memref<2x128x128xf32, #tpu.memory_space<vmem>>, vector<16xf32>,
        %parallel_loop3A_301 = arith.addf %parallel_loop3A_300, %get3A_5 : vector<16xf32>
        %parallel_loop3A_302 = vector.broadcast %parallel_loop3A_295 : f32 to vector<16xf32>
        %parallel_loop3A_303 = arith.mulf %parallel_loop3A_302, %sub3A : vector<16xf32>
        %parallel_loop3A_304 = arith.addf %parallel_loop3A_301, %parallel_loop3A_303 : vector<16xf32>
        %parallel_loop3A_305 = arith.constant 1 : i32
        %parallel_loop3A_306 = arith.index_cast %parallel_loop3A_305 : i32 to index
        %parallel_loop3A_307 = arith.index_cast %parallel_loop3A_288 : i32 to index
        %parallel_loop3A_308 = arith.constant 16 : index
        %parallel_loop3A_309 = tpu.vector_load %arg11[%parallel_loop3A_306, %parallel_loop3A_307, %parallel_loop3A_308] {strides = array<i32>} : memref<2x128x128xf32, #tpu.memory_space<vmem>>, vector<16xf32>,
        %parallel_loop3A_310 = arith.addf %parallel_loop3A_309, %get3A_9 : vector<16xf32>
        %parallel_loop3A_311 = vector.broadcast %parallel_loop3A_295 : f32 to vector<16xf32>
        %parallel_loop3A_312 = arith.mulf %parallel_loop3A_311, %sub3A_42 : vector<16xf32>
        %parallel_loop3A_313 = arith.addf %parallel_loop3A_310, %parallel_loop3A_312 : vector<16xf32>
        %parallel_loop3A_314 = arith.constant 1 : i32
        %parallel_loop3A_315 = arith.index_cast %parallel_loop3A_314 : i32 to index
        %parallel_loop3A_316 = arith.index_cast %parallel_loop3A_288 : i32 to index
        %parallel_loop3A_317 = arith.constant 32 : index
        %parallel_loop3A_318 = tpu.vector_load %arg11[%parallel_loop3A_315, %parallel_loop3A_316, %parallel_loop3A_317] {strides = array<i32>} : memref<2x128x128xf32, #tpu.memory_space<vmem>>, vector<16xf32>,
        %parallel_loop3A_319 = arith.addf %parallel_loop3A_318, %get3A_13 : vector<16xf32>
        %parallel_loop3A_320 = vector.broadcast %parallel_loop3A_295 : f32 to vector<16xf32>
        %parallel_loop3A_321 = arith.mulf %parallel_loop3A_320, %sub3A_47 : vector<16xf32>
        %parallel_loop3A_322 = arith.addf %parallel_loop3A_319, %parallel_loop3A_321 : vector<16xf32>
        %parallel_loop3A_323 = arith.constant 1 : i32
        %parallel_loop3A_324 = arith.index_cast %parallel_loop3A_323 : i32 to index
        %parallel_loop3A_325 = arith.index_cast %parallel_loop3A_288 : i32 to index
        %parallel_loop3A_326 = arith.constant 48 : index
        %parallel_loop3A_327 = tpu.vector_load %arg11[%parallel_loop3A_324, %parallel_loop3A_325, %parallel_loop3A_326] {strides = array<i32>} : memref<2x128x128xf32, #tpu.memory_space<vmem>>, vector<16xf32>,
        %parallel_loop3A_328 = arith.addf %parallel_loop3A_327, %get3A_17 : vector<16xf32>
        %parallel_loop3A_329 = vector.broadcast %parallel_loop3A_295 : f32 to vector<16xf32>
        %parallel_loop3A_330 = arith.mulf %parallel_loop3A_329, %sub3A_52 : vector<16xf32>
        %parallel_loop3A_331 = arith.addf %parallel_loop3A_328, %parallel_loop3A_330 : vector<16xf32>
        %parallel_loop3A_332 = arith.constant 1 : i32
        %parallel_loop3A_333 = arith.index_cast %parallel_loop3A_332 : i32 to index
        %parallel_loop3A_334 = arith.index_cast %parallel_loop3A_288 : i32 to index
        %parallel_loop3A_335 = arith.constant 64 : index
        %parallel_loop3A_336 = tpu.vector_load %arg11[%parallel_loop3A_333, %parallel_loop3A_334, %parallel_loop3A_335] {strides = array<i32>} : memref<2x128x128xf32, #tpu.memory_space<vmem>>, vector<16xf32>,
        %parallel_loop3A_337 = arith.addf %parallel_loop3A_336, %get3A_21 : vector<16xf32>
        %parallel_loop3A_338 = vector.broadcast %parallel_loop3A_295 : f32 to vector<16xf32>
        %parallel_loop3A_339 = arith.mulf %parallel_loop3A_338, %sub3A_57 : vector<16xf32>
        %parallel_loop3A_340 = arith.addf %parallel_loop3A_337, %parallel_loop3A_339 : vector<16xf32>
        %parallel_loop3A_341 = arith.constant 1 : i32
        %parallel_loop3A_342 = arith.index_cast %parallel_loop3A_341 : i32 to index
        %parallel_loop3A_343 = arith.index_cast %parallel_loop3A_288 : i32 to index
        %parallel_loop3A_344 = arith.constant 80 : index
        %parallel_loop3A_345 = tpu.vector_load %arg11[%parallel_loop3A_342, %parallel_loop3A_343, %parallel_loop3A_344] {strides = array<i32>} : memref<2x128x128xf32, #tpu.memory_space<vmem>>, vector<16xf32>,
        %parallel_loop3A_346 = arith.addf %parallel_loop3A_345, %get3A_25 : vector<16xf32>
        %parallel_loop3A_347 = vector.broadcast %parallel_loop3A_295 : f32 to vector<16xf32>
        %parallel_loop3A_348 = arith.mulf %parallel_loop3A_347, %sub3A_62 : vector<16xf32>
        %parallel_loop3A_349 = arith.addf %parallel_loop3A_346, %parallel_loop3A_348 : vector<16xf32>
        %parallel_loop3A_350 = arith.constant 1 : i32
        %parallel_loop3A_351 = arith.index_cast %parallel_loop3A_350 : i32 to index
        %parallel_loop3A_352 = arith.index_cast %parallel_loop3A_288 : i32 to index
        %parallel_loop3A_353 = arith.constant 96 : index
        %parallel_loop3A_354 = tpu.vector_load %arg11[%parallel_loop3A_351, %parallel_loop3A_352, %parallel_loop3A_353] {strides = array<i32>} : memref<2x128x128xf32, #tpu.memory_space<vmem>>, vector<16xf32>,
        %parallel_loop3A_355 = arith.addf %parallel_loop3A_354, %get3A_29 : vector<16xf32>
        %parallel_loop3A_356 = vector.broadcast %parallel_loop3A_295 : f32 to vector<16xf32>
        %parallel_loop3A_357 = arith.mulf %parallel_loop3A_356, %sub3A_67 : vector<16xf32>
        %parallel_loop3A_358 = arith.addf %parallel_loop3A_355, %parallel_loop3A_357 : vector<16xf32>
        %parallel_loop3A_359 = arith.constant 1 : i32
        %parallel_loop3A_360 = arith.index_cast %parallel_loop3A_359 : i32 to index
        %parallel_loop3A_361 = arith.index_cast %parallel_loop3A_288 : i32 to index
        %parallel_loop3A_362 = arith.constant 112 : index
        %parallel_loop3A_363 = tpu.vector_load %arg11[%parallel_loop3A_360, %parallel_loop3A_361, %parallel_loop3A_362] {strides = array<i32>} : memref<2x128x128xf32, #tpu.memory_space<vmem>>, vector<16xf32>,
        %parallel_loop3A_364 = arith.addf %parallel_loop3A_363, %get3A_33 : vector<16xf32>
        %parallel_loop3A_365 = vector.broadcast %parallel_loop3A_295 : f32 to vector<16xf32>
        %parallel_loop3A_366 = arith.mulf %parallel_loop3A_365, %sub3A_72 : vector<16xf32>
        %parallel_loop3A_367 = arith.addf %parallel_loop3A_364, %parallel_loop3A_366 : vector<16xf32>
        %parallel_loop3A_368 = arith.mulf %parallel_loop3A_304, %parallel_loop3A_304 : vector<16xf32>
        %parallel_loop3A_369 = arith.addf %parallel_loop3A_304, %parallel_loop3A_313 : vector<16xf32>
        %parallel_loop3A_370 = arith.mulf %parallel_loop3A_313, %parallel_loop3A_313 : vector<16xf32>
        %parallel_loop3A_371 = arith.addf %parallel_loop3A_368, %parallel_loop3A_370 : vector<16xf32>
        %parallel_loop3A_372 = arith.addf %parallel_loop3A_369, %parallel_loop3A_322 : vector<16xf32>
        %parallel_loop3A_373 = arith.mulf %parallel_loop3A_322, %parallel_loop3A_322 : vector<16xf32>
        %parallel_loop3A_374 = arith.addf %parallel_loop3A_371, %parallel_loop3A_373 : vector<16xf32>
        %parallel_loop3A_375 = arith.addf %parallel_loop3A_372, %parallel_loop3A_331 : vector<16xf32>
        %parallel_loop3A_376 = arith.mulf %parallel_loop3A_331, %parallel_loop3A_331 : vector<16xf32>
        %parallel_loop3A_377 = arith.addf %parallel_loop3A_374, %parallel_loop3A_376 : vector<16xf32>
        %parallel_loop3A_378 = arith.addf %parallel_loop3A_375, %parallel_loop3A_340 : vector<16xf32>
        %parallel_loop3A_379 = arith.mulf %parallel_loop3A_340, %parallel_loop3A_340 : vector<16xf32>
        %parallel_loop3A_380 = arith.addf %parallel_loop3A_377, %parallel_loop3A_379 : vector<16xf32>
        %parallel_loop3A_381 = arith.addf %parallel_loop3A_378, %parallel_loop3A_349 : vector<16xf32>
        %parallel_loop3A_382 = arith.mulf %parallel_loop3A_349, %parallel_loop3A_349 : vector<16xf32>
        %parallel_loop3A_383 = arith.addf %parallel_loop3A_380, %parallel_loop3A_382 : vector<16xf32>
        %parallel_loop3A_384 = arith.addf %parallel_loop3A_381, %parallel_loop3A_358 : vector<16xf32>
        %parallel_loop3A_385 = arith.mulf %parallel_loop3A_358, %parallel_loop3A_358 : vector<16xf32>
        %parallel_loop3A_386 = arith.addf %parallel_loop3A_383, %parallel_loop3A_385 : vector<16xf32>
        %parallel_loop3A_387 = arith.addf %parallel_loop3A_384, %parallel_loop3A_367 : vector<16xf32>
        %parallel_loop3A_388 = arith.mulf %parallel_loop3A_367, %parallel_loop3A_367 : vector<16xf32>
        %parallel_loop3A_389 = arith.addf %parallel_loop3A_386, %parallel_loop3A_388 : vector<16xf32>
        %parallel_loop3A_390 = vector.shape_cast %xor3A_106 : vector<16xi32> to vector<16x1xi32>
        %parallel_loop3A_391 = vector.shape_cast %parallel_loop3A_390 : vector<16x1xi32> to vector<16xi32>
        %parallel_loop3A_392 = tpu.dynamic_gather %parallel_loop3A_387[%parallel_loop3A_391] in [0] : vector<16xf32>, vector<16xi32> -> vector<16xf32>
        %parallel_loop3A_393 = arith.addf %parallel_loop3A_387, %parallel_loop3A_392 : vector<16xf32>
        %parallel_loop3A_394 = vector.shape_cast %xor3A_109 : vector<16xi32> to vector<16x1xi32>
        %parallel_loop3A_395 = vector.shape_cast %parallel_loop3A_394 : vector<16x1xi32> to vector<16xi32>
        %parallel_loop3A_396 = tpu.dynamic_gather %parallel_loop3A_393[%parallel_loop3A_395] in [0] : vector<16xf32>, vector<16xi32> -> vector<16xf32>
        %parallel_loop3A_397 = arith.addf %parallel_loop3A_393, %parallel_loop3A_396 : vector<16xf32>
        %parallel_loop3A_398 = vector.shape_cast %xor3A_112 : vector<16xi32> to vector<16x1xi32>
        %parallel_loop3A_399 = vector.shape_cast %parallel_loop3A_398 : vector<16x1xi32> to vector<16xi32>
        %parallel_loop3A_400 = tpu.dynamic_gather %parallel_loop3A_397[%parallel_loop3A_399] in [0] : vector<16xf32>, vector<16xi32> -> vector<16xf32>
        %parallel_loop3A_401 = arith.addf %parallel_loop3A_397, %parallel_loop3A_400 : vector<16xf32>
        %parallel_loop3A_402 = vector.shape_cast %xor3A_115 : vector<16xi32> to vector<16x1xi32>
        %parallel_loop3A_403 = vector.shape_cast %parallel_loop3A_402 : vector<16x1xi32> to vector<16xi32>
        %parallel_loop3A_404 = tpu.dynamic_gather %parallel_loop3A_401[%parallel_loop3A_403] in [0] : vector<16xf32>, vector<16xi32> -> vector<16xf32>
        %parallel_loop3A_405 = arith.addf %parallel_loop3A_401, %parallel_loop3A_404 : vector<16xf32>
        %parallel_loop3A_406 = arith.constant 7.812500e-03 : f32
        %parallel_loop3A_407 = vector.broadcast %parallel_loop3A_406 : f32 to vector<16xf32>
        %parallel_loop3A_408 = arith.mulf %parallel_loop3A_405, %parallel_loop3A_407 : vector<16xf32>
        %parallel_loop3A_409 = vector.shape_cast %xor3A_106 : vector<16xi32> to vector<16x1xi32>
        %parallel_loop3A_410 = vector.shape_cast %parallel_loop3A_409 : vector<16x1xi32> to vector<16xi32>
        %parallel_loop3A_411 = tpu.dynamic_gather %parallel_loop3A_389[%parallel_loop3A_410] in [0] : vector<16xf32>, vector<16xi32> -> vector<16xf32>
        %parallel_loop3A_412 = arith.addf %parallel_loop3A_389, %parallel_loop3A_411 : vector<16xf32>
        %parallel_loop3A_413 = vector.shape_cast %xor3A_109 : vector<16xi32> to vector<16x1xi32>
        %parallel_loop3A_414 = vector.shape_cast %parallel_loop3A_413 : vector<16x1xi32> to vector<16xi32>
        %parallel_loop3A_415 = tpu.dynamic_gather %parallel_loop3A_412[%parallel_loop3A_414] in [0] : vector<16xf32>, vector<16xi32> -> vector<16xf32>
        %parallel_loop3A_416 = arith.addf %parallel_loop3A_412, %parallel_loop3A_415 : vector<16xf32>
        %parallel_loop3A_417 = vector.shape_cast %xor3A_112 : vector<16xi32> to vector<16x1xi32>
        %parallel_loop3A_418 = vector.shape_cast %parallel_loop3A_417 : vector<16x1xi32> to vector<16xi32>
        %parallel_loop3A_419 = tpu.dynamic_gather %parallel_loop3A_416[%parallel_loop3A_418] in [0] : vector<16xf32>, vector<16xi32> -> vector<16xf32>
        %parallel_loop3A_420 = arith.addf %parallel_loop3A_416, %parallel_loop3A_419 : vector<16xf32>
        %parallel_loop3A_421 = vector.shape_cast %xor3A_115 : vector<16xi32> to vector<16x1xi32>
        %parallel_loop3A_422 = vector.shape_cast %parallel_loop3A_421 : vector<16x1xi32> to vector<16xi32>
        %parallel_loop3A_423 = tpu.dynamic_gather %parallel_loop3A_420[%parallel_loop3A_422] in [0] : vector<16xf32>, vector<16xi32> -> vector<16xf32>
        %parallel_loop3A_424 = arith.addf %parallel_loop3A_420, %parallel_loop3A_423 : vector<16xf32>
        %parallel_loop3A_425 = arith.constant 7.812500e-03 : f32
        %parallel_loop3A_426 = vector.broadcast %parallel_loop3A_425 : f32 to vector<16xf32>
        %parallel_loop3A_427 = arith.mulf %parallel_loop3A_424, %parallel_loop3A_426 : vector<16xf32>
        %parallel_loop3A_428 = arith.mulf %parallel_loop3A_408, %parallel_loop3A_408 : vector<16xf32>
        %parallel_loop3A_429 = arith.subf %parallel_loop3A_427, %parallel_loop3A_428 : vector<16xf32>
        %parallel_loop3A_430 = arith.constant 9.99999996E-13 : f32
        %parallel_loop3A_431 = vector.broadcast %parallel_loop3A_430 : f32 to vector<16xf32>
        %parallel_loop3A_432 = arith.addf %parallel_loop3A_429, %parallel_loop3A_431 : vector<16xf32>
        %parallel_loop3A_433 = vector.bitcast %parallel_loop3A_432 : vector<16xf32> to vector<16xi32>
        %parallel_loop3A_434 = arith.constant 1 : i32
        %parallel_loop3A_435 = vector.broadcast %parallel_loop3A_434 : i32 to vector<16xi32>
        %parallel_loop3A_436 = arith.shrsi %parallel_loop3A_433, %parallel_loop3A_435 : vector<16xi32>
        %parallel_loop3A_437 = arith.constant 1597463007 : i32
        %parallel_loop3A_438 = vector.broadcast %parallel_loop3A_437 : i32 to vector<16xi32>
        %parallel_loop3A_439 = arith.subi %parallel_loop3A_438, %parallel_loop3A_436 : vector<16xi32>
        %parallel_loop3A_440 = vector.bitcast %parallel_loop3A_439 : vector<16xi32> to vector<16xf32>
        %parallel_loop3A_441 = arith.constant 5.000000e-01 : f32
        %parallel_loop3A_442 = vector.broadcast %parallel_loop3A_441 : f32 to vector<16xf32>
        %parallel_loop3A_443 = arith.mulf %parallel_loop3A_442, %parallel_loop3A_432 : vector<16xf32>
        %parallel_loop3A_444 = arith.mulf %parallel_loop3A_443, %parallel_loop3A_440 : vector<16xf32>
        %parallel_loop3A_445 = arith.mulf %parallel_loop3A_444, %parallel_loop3A_440 : vector<16xf32>
        %parallel_loop3A_446 = arith.constant 1.500000e+00 : f32
        %parallel_loop3A_447 = vector.broadcast %parallel_loop3A_446 : f32 to vector<16xf32>
        %parallel_loop3A_448 = arith.subf %parallel_loop3A_447, %parallel_loop3A_445 : vector<16xf32>
        %parallel_loop3A_449 = arith.mulf %parallel_loop3A_440, %parallel_loop3A_448 : vector<16xf32>
        %parallel_loop3A_450 = arith.constant 5.000000e-01 : f32
        %parallel_loop3A_451 = vector.broadcast %parallel_loop3A_450 : f32 to vector<16xf32>
        %parallel_loop3A_452 = arith.mulf %parallel_loop3A_451, %parallel_loop3A_432 : vector<16xf32>
        %parallel_loop3A_453 = arith.mulf %parallel_loop3A_452, %parallel_loop3A_449 : vector<16xf32>
        %parallel_loop3A_454 = arith.mulf %parallel_loop3A_453, %parallel_loop3A_449 : vector<16xf32>
        %parallel_loop3A_455 = arith.constant 1.500000e+00 : f32
        %parallel_loop3A_456 = vector.broadcast %parallel_loop3A_455 : f32 to vector<16xf32>
        %parallel_loop3A_457 = arith.subf %parallel_loop3A_456, %parallel_loop3A_454 : vector<16xf32>
        %parallel_loop3A_458 = arith.mulf %parallel_loop3A_449, %parallel_loop3A_457 : vector<16xf32>
        %parallel_loop3A_459 = arith.constant 5.000000e-01 : f32
        %parallel_loop3A_460 = vector.broadcast %parallel_loop3A_459 : f32 to vector<16xf32>
        %parallel_loop3A_461 = arith.mulf %parallel_loop3A_460, %parallel_loop3A_432 : vector<16xf32>
        %parallel_loop3A_462 = arith.mulf %parallel_loop3A_461, %parallel_loop3A_458 : vector<16xf32>
        %parallel_loop3A_463 = arith.mulf %parallel_loop3A_462, %parallel_loop3A_458 : vector<16xf32>
        %parallel_loop3A_464 = arith.constant 1.500000e+00 : f32
        %parallel_loop3A_465 = vector.broadcast %parallel_loop3A_464 : f32 to vector<16xf32>
        %parallel_loop3A_466 = arith.subf %parallel_loop3A_465, %parallel_loop3A_463 : vector<16xf32>
        %parallel_loop3A_467 = arith.mulf %parallel_loop3A_458, %parallel_loop3A_466 : vector<16xf32>
        %parallel_loop3A_468 = arith.subf %parallel_loop3A_304, %parallel_loop3A_408 : vector<16xf32>
        %parallel_loop3A_469 = arith.mulf %parallel_loop3A_468, %parallel_loop3A_467 : vector<16xf32>
        %parallel_loop3A_470 = arith.mulf %parallel_loop3A_469, %get3A_74 : vector<16xf32>
        %parallel_loop3A_471 = arith.addf %parallel_loop3A_470, %get3A_90 : vector<16xf32>
        %parallel_loop3A_472 = arith.constant 1 : i32
        %parallel_loop3A_473 = arith.index_cast %parallel_loop3A_472 : i32 to index
        %parallel_loop3A_474 = arith.index_cast %parallel_loop3A_288 : i32 to index
        %parallel_loop3A_475 = arith.constant 0 : index
        %parallel_loop3A_476 = tpu.vector_load %arg12[%parallel_loop3A_473, %parallel_loop3A_474, %parallel_loop3A_475] {strides = array<i32>} : memref<2x128x128xf32, #tpu.memory_space<vmem>>, vector<16xf32>,
        tpu.vector_store %arg12[%parallel_loop3A_473, %parallel_loop3A_474, %parallel_loop3A_475], %parallel_loop3A_471 {strides = array<i32>} : memref<2x128x128xf32, #tpu.memory_space<vmem>>, vector<16xf32>,
        %parallel_loop3A_477 = arith.subf %parallel_loop3A_313, %parallel_loop3A_408 : vector<16xf32>
        %parallel_loop3A_478 = arith.mulf %parallel_loop3A_477, %parallel_loop3A_467 : vector<16xf32>
        %parallel_loop3A_479 = arith.mulf %parallel_loop3A_478, %get3A_76 : vector<16xf32>
        %parallel_loop3A_480 = arith.addf %parallel_loop3A_479, %get3A_92 : vector<16xf32>
        %parallel_loop3A_481 = arith.constant 1 : i32
        %parallel_loop3A_482 = arith.index_cast %parallel_loop3A_481 : i32 to index
        %parallel_loop3A_483 = arith.index_cast %parallel_loop3A_288 : i32 to index
        %parallel_loop3A_484 = arith.constant 16 : index
        %parallel_loop3A_485 = tpu.vector_load %arg12[%parallel_loop3A_482, %parallel_loop3A_483, %parallel_loop3A_484] {strides = array<i32>} : memref<2x128x128xf32, #tpu.memory_space<vmem>>, vector<16xf32>,
        tpu.vector_store %arg12[%parallel_loop3A_482, %parallel_loop3A_483, %parallel_loop3A_484], %parallel_loop3A_480 {strides = array<i32>} : memref<2x128x128xf32, #tpu.memory_space<vmem>>, vector<16xf32>,
        %parallel_loop3A_486 = arith.subf %parallel_loop3A_322, %parallel_loop3A_408 : vector<16xf32>
        %parallel_loop3A_487 = arith.mulf %parallel_loop3A_486, %parallel_loop3A_467 : vector<16xf32>
        %parallel_loop3A_488 = arith.mulf %parallel_loop3A_487, %get3A_78 : vector<16xf32>
        %parallel_loop3A_489 = arith.addf %parallel_loop3A_488, %get3A_94 : vector<16xf32>
        %parallel_loop3A_490 = arith.constant 1 : i32
        %parallel_loop3A_491 = arith.index_cast %parallel_loop3A_490 : i32 to index
        %parallel_loop3A_492 = arith.index_cast %parallel_loop3A_288 : i32 to index
        %parallel_loop3A_493 = arith.constant 32 : index
        %parallel_loop3A_494 = tpu.vector_load %arg12[%parallel_loop3A_491, %parallel_loop3A_492, %parallel_loop3A_493] {strides = array<i32>} : memref<2x128x128xf32, #tpu.memory_space<vmem>>, vector<16xf32>,
        tpu.vector_store %arg12[%parallel_loop3A_491, %parallel_loop3A_492, %parallel_loop3A_493], %parallel_loop3A_489 {strides = array<i32>} : memref<2x128x128xf32, #tpu.memory_space<vmem>>, vector<16xf32>,
        %parallel_loop3A_495 = arith.subf %parallel_loop3A_331, %parallel_loop3A_408 : vector<16xf32>
        %parallel_loop3A_496 = arith.mulf %parallel_loop3A_495, %parallel_loop3A_467 : vector<16xf32>
        %parallel_loop3A_497 = arith.mulf %parallel_loop3A_496, %get3A_80 : vector<16xf32>
        %parallel_loop3A_498 = arith.addf %parallel_loop3A_497, %get3A_96 : vector<16xf32>
        %parallel_loop3A_499 = arith.constant 1 : i32
        %parallel_loop3A_500 = arith.index_cast %parallel_loop3A_499 : i32 to index
        %parallel_loop3A_501 = arith.index_cast %parallel_loop3A_288 : i32 to index
        %parallel_loop3A_502 = arith.constant 48 : index
        %parallel_loop3A_503 = tpu.vector_load %arg12[%parallel_loop3A_500, %parallel_loop3A_501, %parallel_loop3A_502] {strides = array<i32>} : memref<2x128x128xf32, #tpu.memory_space<vmem>>, vector<16xf32>,
        tpu.vector_store %arg12[%parallel_loop3A_500, %parallel_loop3A_501, %parallel_loop3A_502], %parallel_loop3A_498 {strides = array<i32>} : memref<2x128x128xf32, #tpu.memory_space<vmem>>, vector<16xf32>,
        %parallel_loop3A_504 = arith.subf %parallel_loop3A_340, %parallel_loop3A_408 : vector<16xf32>
        %parallel_loop3A_505 = arith.mulf %parallel_loop3A_504, %parallel_loop3A_467 : vector<16xf32>
        %parallel_loop3A_506 = arith.mulf %parallel_loop3A_505, %get3A_82 : vector<16xf32>
        %parallel_loop3A_507 = arith.addf %parallel_loop3A_506, %get3A_98 : vector<16xf32>
        %parallel_loop3A_508 = arith.constant 1 : i32
        %parallel_loop3A_509 = arith.index_cast %parallel_loop3A_508 : i32 to index
        %parallel_loop3A_510 = arith.index_cast %parallel_loop3A_288 : i32 to index
        %parallel_loop3A_511 = arith.constant 64 : index
        %parallel_loop3A_512 = tpu.vector_load %arg12[%parallel_loop3A_509, %parallel_loop3A_510, %parallel_loop3A_511] {strides = array<i32>} : memref<2x128x128xf32, #tpu.memory_space<vmem>>, vector<16xf32>,
        tpu.vector_store %arg12[%parallel_loop3A_509, %parallel_loop3A_510, %parallel_loop3A_511], %parallel_loop3A_507 {strides = array<i32>} : memref<2x128x128xf32, #tpu.memory_space<vmem>>, vector<16xf32>,
        %parallel_loop3A_513 = arith.subf %parallel_loop3A_349, %parallel_loop3A_408 : vector<16xf32>
        %parallel_loop3A_514 = arith.mulf %parallel_loop3A_513, %parallel_loop3A_467 : vector<16xf32>
        %parallel_loop3A_515 = arith.mulf %parallel_loop3A_514, %get3A_84 : vector<16xf32>
        %parallel_loop3A_516 = arith.addf %parallel_loop3A_515, %get3A_100 : vector<16xf32>
        %parallel_loop3A_517 = arith.constant 1 : i32
        %parallel_loop3A_518 = arith.index_cast %parallel_loop3A_517 : i32 to index
        %parallel_loop3A_519 = arith.index_cast %parallel_loop3A_288 : i32 to index
        %parallel_loop3A_520 = arith.constant 80 : index
        %parallel_loop3A_521 = tpu.vector_load %arg12[%parallel_loop3A_518, %parallel_loop3A_519, %parallel_loop3A_520] {strides = array<i32>} : memref<2x128x128xf32, #tpu.memory_space<vmem>>, vector<16xf32>,
        tpu.vector_store %arg12[%parallel_loop3A_518, %parallel_loop3A_519, %parallel_loop3A_520], %parallel_loop3A_516 {strides = array<i32>} : memref<2x128x128xf32, #tpu.memory_space<vmem>>, vector<16xf32>,
        %parallel_loop3A_522 = arith.subf %parallel_loop3A_358, %parallel_loop3A_408 : vector<16xf32>
        %parallel_loop3A_523 = arith.mulf %parallel_loop3A_522, %parallel_loop3A_467 : vector<16xf32>
        %parallel_loop3A_524 = arith.mulf %parallel_loop3A_523, %get3A_86 : vector<16xf32>
        %parallel_loop3A_525 = arith.addf %parallel_loop3A_524, %get3A_102 : vector<16xf32>
        %parallel_loop3A_526 = arith.constant 1 : i32
        %parallel_loop3A_527 = arith.index_cast %parallel_loop3A_526 : i32 to index
        %parallel_loop3A_528 = arith.index_cast %parallel_loop3A_288 : i32 to index
        %parallel_loop3A_529 = arith.constant 96 : index
        %parallel_loop3A_530 = tpu.vector_load %arg12[%parallel_loop3A_527, %parallel_loop3A_528, %parallel_loop3A_529] {strides = array<i32>} : memref<2x128x128xf32, #tpu.memory_space<vmem>>, vector<16xf32>,
        tpu.vector_store %arg12[%parallel_loop3A_527, %parallel_loop3A_528, %parallel_loop3A_529], %parallel_loop3A_525 {strides = array<i32>} : memref<2x128x128xf32, #tpu.memory_space<vmem>>, vector<16xf32>,
        %parallel_loop3A_531 = arith.subf %parallel_loop3A_367, %parallel_loop3A_408 : vector<16xf32>
        %parallel_loop3A_532 = arith.mulf %parallel_loop3A_531, %parallel_loop3A_467 : vector<16xf32>
        %parallel_loop3A_533 = arith.mulf %parallel_loop3A_532, %get3A_88 : vector<16xf32>
        %parallel_loop3A_534 = arith.addf %parallel_loop3A_533, %get3A_104 : vector<16xf32>
        %parallel_loop3A_535 = arith.constant 1 : i32
        %parallel_loop3A_536 = arith.index_cast %parallel_loop3A_535 : i32 to index
        %parallel_loop3A_537 = arith.index_cast %parallel_loop3A_288 : i32 to index
        %parallel_loop3A_538 = arith.constant 112 : index
        %parallel_loop3A_539 = tpu.vector_load %arg12[%parallel_loop3A_536, %parallel_loop3A_537, %parallel_loop3A_538] {strides = array<i32>} : memref<2x128x128xf32, #tpu.memory_space<vmem>>, vector<16xf32>,
        tpu.vector_store %arg12[%parallel_loop3A_536, %parallel_loop3A_537, %parallel_loop3A_538], %parallel_loop3A_534 {strides = array<i32>} : memref<2x128x128xf32, #tpu.memory_space<vmem>>, vector<16xf32>,
      } {sc.loop_unroll_factor = 4 : i64, sc.parallel_access}
      %mul3A_262 = arith.constant 128 : i32
      %mul3A_263 = arith.muli %add3A_238, %mul3A_262 : i32
      %add3A_264 = arith.addi %mul3A_2, %mul3A_263 : i32
      %dma_start3A_265 = arith.constant 1 : i32
      %dma_start3A_266 = arith.constant 1 : i32
      %dma_start3A_267 = arith.constant 0 : i32
      %dma_start3A_268 = arith.constant 0 : i32
      %dma_start3A_269 = tpu.memref_slice %arg12[%dma_start3A_265, %dma_start3A_267, %dma_start3A_268] : memref<2x128x128xf32, #tpu.memory_space<vmem>> -> memref<1x128x128xf32, #tpu.memory_space<vmem>>
      %dma_start3A_270 = tpu.memref_squeeze %dma_start3A_269 : memref<1x128x128xf32, #tpu.memory_space<vmem>> -> memref<128x128xf32, #tpu.memory_space<vmem>>
      %dma_start3A_271 = arith.constant 0 : i32
      %dma_start3A_272 = tpu.memref_slice %arg8[%add3A_264, %dma_start3A_271] : memref<204800x128xf32, #tpu.memory_space<hbm>> -> memref<128x128xf32, #tpu.memory_space<hbm>>
      %dma_start3A_273 = tpu.memref_slice %arg17[%dma_start3A_266] : memref<2x!tpu.dma_semaphore, #tpu.memory_space<semaphore_mem>> -> memref<1x!tpu.dma_semaphore, #tpu.memory_space<semaphore_mem>>
      %dma_start3A_274 = tpu.memref_squeeze %dma_start3A_273 : memref<1x!tpu.dma_semaphore, #tpu.memory_space<semaphore_mem>> -> memref<!tpu.dma_semaphore, #tpu.memory_space<semaphore_mem>>
      %dma_start3A_275 = arith.constant 0 : i32
      %dma_start3A_276 = tpu.memref_slice %arg8[%add3A_264, %dma_start3A_275] : memref<204800x128xf32, #tpu.memory_space<hbm>> -> memref<128x128xf32, #tpu.memory_space<hbm>>
      %dma_start3A_277 = arith.constant 0 : i32
      %dma_start3A_278 = arith.constant 0 : i32
      %dma_start3A_279 = tpu.memref_slice %arg12[%dma_start3A_265, %dma_start3A_277, %dma_start3A_278] : memref<2x128x128xf32, #tpu.memory_space<vmem>> -> memref<1x128x128xf32, #tpu.memory_space<vmem>>
      %dma_start3A_280 = tpu.memref_squeeze %dma_start3A_279 : memref<1x128x128xf32, #tpu.memory_space<vmem>> -> memref<128x128xf32, #tpu.memory_space<vmem>>
      tpu.enqueue_dma source(%dma_start3A_280 : memref<128x128xf32, #tpu.memory_space<vmem>>) target(%dma_start3A_276 : memref<128x128xf32, #tpu.memory_space<hbm>>) target_semaphore(%dma_start3A_274 : memref<!tpu.dma_semaphore, #tpu.memory_space<semaphore_mem>>)
      %add3A_281 = arith.constant 1 : i32
      %add3A_282 = arith.addi %scan3A_188, %add3A_281 : i32
      %lt3A_283 = arith.constant 25 : i32
      %lt3A_284 = arith.cmpi slt, %add3A_282, %lt3A_283 : i32
      %convert_element_type3A_285 = arith.extui %lt3A_284 : i1 to i32
      %cond3A_286 = arith.constant 0 : i32
      %cond3A_287 = arith.cmpi ne, %convert_element_type3A_285, %cond3A_286 : i32
      scf.if %cond3A_287 {
        %add3A_288 = arith.constant 2 : i32
        %add3A_289 = arith.addi %add3A_238, %add3A_288 : i32
        %mul3A_290 = arith.constant 128 : i32
        %mul3A_291 = arith.muli %add3A_289, %mul3A_290 : i32
        %add3A_292 = arith.addi %mul3A_2, %mul3A_291 : i32
        %run_scoped3A_293 = arith.constant 1 : i32
        "tpu.region"() ({
          %run_scoped3A_310 = tpu.sem_alloc : memref<!tpu.dma_semaphore, #tpu.memory_space<semaphore_mem>>
          %dma_start3A_311 = arith.constant 0 : i32
          %dma_start3A_312 = tpu.memref_slice %arg9[%run_scoped3A_293, %dma_start3A_311] : memref<2x128xi32, #tpu.memory_space<vmem>> -> memref<1x128xi32, #tpu.memory_space<vmem>>
          %dma_start3A_313 = tpu.memref_squeeze %dma_start3A_312 : memref<1x128xi32, #tpu.memory_space<vmem>> -> memref<128xi32, #tpu.memory_space<vmem>>
          %dma_start3A_314 = tpu.memref_slice %arg2[%add3A_292] : memref<204800xi32, #tpu.memory_space<hbm>> -> memref<128xi32, #tpu.memory_space<hbm>>
          %dma_start3A_315 = arith.constant 0 : i32
          %dma_start3A_316 = tpu.memref_slice %arg9[%run_scoped3A_293, %dma_start3A_315] : memref<2x128xi32, #tpu.memory_space<vmem>> -> memref<1x128xi32, #tpu.memory_space<vmem>>
          %dma_start3A_317 = tpu.memref_squeeze %dma_start3A_316 : memref<1x128xi32, #tpu.memory_space<vmem>> -> memref<128xi32, #tpu.memory_space<vmem>>
          %dma_start3A_318 = tpu.memref_slice %arg2[%add3A_292] : memref<204800xi32, #tpu.memory_space<hbm>> -> memref<128xi32, #tpu.memory_space<hbm>>
          tpu.enqueue_dma source(%dma_start3A_318 : memref<128xi32, #tpu.memory_space<hbm>>) target(%dma_start3A_317 : memref<128xi32, #tpu.memory_space<vmem>>) target_semaphore(%run_scoped3A_310 : memref<!tpu.dma_semaphore, #tpu.memory_space<semaphore_mem>>)
          %dma_wait3A_319 = arith.constant 0 : i32
          %dma_wait3A_320 = tpu.memref_slice %arg9[%run_scoped3A_293, %dma_wait3A_319] : memref<2x128xi32, #tpu.memory_space<vmem>> -> memref<1x128xi32, #tpu.memory_space<vmem>>
          %dma_wait3A_321 = tpu.memref_squeeze %dma_wait3A_320 : memref<1x128xi32, #tpu.memory_space<vmem>> -> memref<128xi32, #tpu.memory_space<vmem>>
          %dma_wait3A_322 = tpu.memref_slice %arg2[%add3A_292] : memref<204800xi32, #tpu.memory_space<hbm>> -> memref<128xi32, #tpu.memory_space<hbm>>
          %dma_wait3A_323 = arith.constant 0 : i32
          %dma_wait3A_324 = tpu.memref_slice %arg9[%run_scoped3A_293, %dma_wait3A_323] : memref<2x128xi32, #tpu.memory_space<vmem>> -> memref<1x128xi32, #tpu.memory_space<vmem>>
          %dma_wait3A_325 = tpu.memref_squeeze %dma_wait3A_324 : memref<1x128xi32, #tpu.memory_space<vmem>> -> memref<128xi32, #tpu.memory_space<vmem>>
          %dma_wait3A_326 = tpu.memref_slice %arg2[%add3A_292] : memref<204800xi32, #tpu.memory_space<hbm>> -> memref<128xi32, #tpu.memory_space<hbm>>
          tpu.wait_dma2 semaphore(%run_scoped3A_310 : memref<!tpu.dma_semaphore, #tpu.memory_space<semaphore_mem>>) src(%dma_wait3A_326 : memref<128xi32, #tpu.memory_space<hbm>>) dst(%dma_wait3A_325 : memref<128xi32, #tpu.memory_space<vmem>>)
          tpu.yield
        }) : () -> ()
        %run_scoped3A_294 = arith.constant 1 : i32
        "tpu.region"() ({
          %run_scoped3A_310 = tpu.sem_alloc : memref<!tpu.dma_semaphore, #tpu.memory_space<semaphore_mem>>
          %dma_start3A_311 = arith.constant 0 : i32
          %dma_start3A_312 = tpu.memref_slice %arg10[%run_scoped3A_294, %dma_start3A_311] : memref<2x144xi32, #tpu.memory_space<vmem>> -> memref<1x128xi32, #tpu.memory_space<vmem>>
          %dma_start3A_313 = tpu.memref_squeeze %dma_start3A_312 : memref<1x128xi32, #tpu.memory_space<vmem>> -> memref<128xi32, #tpu.memory_space<vmem>>
          %dma_start3A_314 = tpu.memref_slice %arg3[%add3A_292] : memref<204800xi32, #tpu.memory_space<hbm>> -> memref<128xi32, #tpu.memory_space<hbm>>
          %dma_start3A_315 = arith.constant 0 : i32
          %dma_start3A_316 = tpu.memref_slice %arg10[%run_scoped3A_294, %dma_start3A_315] : memref<2x144xi32, #tpu.memory_space<vmem>> -> memref<1x128xi32, #tpu.memory_space<vmem>>
          %dma_start3A_317 = tpu.memref_squeeze %dma_start3A_316 : memref<1x128xi32, #tpu.memory_space<vmem>> -> memref<128xi32, #tpu.memory_space<vmem>>
          %dma_start3A_318 = tpu.memref_slice %arg3[%add3A_292] : memref<204800xi32, #tpu.memory_space<hbm>> -> memref<128xi32, #tpu.memory_space<hbm>>
          tpu.enqueue_dma source(%dma_start3A_318 : memref<128xi32, #tpu.memory_space<hbm>>) target(%dma_start3A_317 : memref<128xi32, #tpu.memory_space<vmem>>) target_semaphore(%run_scoped3A_310 : memref<!tpu.dma_semaphore, #tpu.memory_space<semaphore_mem>>)
          %dma_wait3A_319 = arith.constant 0 : i32
          %dma_wait3A_320 = tpu.memref_slice %arg10[%run_scoped3A_294, %dma_wait3A_319] : memref<2x144xi32, #tpu.memory_space<vmem>> -> memref<1x128xi32, #tpu.memory_space<vmem>>
          %dma_wait3A_321 = tpu.memref_squeeze %dma_wait3A_320 : memref<1x128xi32, #tpu.memory_space<vmem>> -> memref<128xi32, #tpu.memory_space<vmem>>
          %dma_wait3A_322 = tpu.memref_slice %arg3[%add3A_292] : memref<204800xi32, #tpu.memory_space<hbm>> -> memref<128xi32, #tpu.memory_space<hbm>>
          %dma_wait3A_323 = arith.constant 0 : i32
          %dma_wait3A_324 = tpu.memref_slice %arg10[%run_scoped3A_294, %dma_wait3A_323] : memref<2x144xi32, #tpu.memory_space<vmem>> -> memref<1x128xi32, #tpu.memory_space<vmem>>
          %dma_wait3A_325 = tpu.memref_squeeze %dma_wait3A_324 : memref<1x128xi32, #tpu.memory_space<vmem>> -> memref<128xi32, #tpu.memory_space<vmem>>
          %dma_wait3A_326 = tpu.memref_slice %arg3[%add3A_292] : memref<204800xi32, #tpu.memory_space<hbm>> -> memref<128xi32, #tpu.memory_space<hbm>>
          tpu.wait_dma2 semaphore(%run_scoped3A_310 : memref<!tpu.dma_semaphore, #tpu.memory_space<semaphore_mem>>) src(%dma_wait3A_326 : memref<128xi32, #tpu.memory_space<hbm>>) dst(%dma_wait3A_325 : memref<128xi32, #tpu.memory_space<vmem>>)
          tpu.yield
        }) : () -> ()
        %dma_start3A_295 = arith.constant 1 : i32
        %dma_start3A_296 = arith.constant 1 : i32
        %dma_start3A_297 = arith.constant 1 : i32
        %dma_start3A_298 = arith.constant 0 : i32
        %dma_start3A_299 = arith.constant 0 : i32
        %dma_start3A_300 = tpu.memref_slice %arg11[%dma_start3A_296, %dma_start3A_298, %dma_start3A_299] : memref<2x128x128xf32, #tpu.memory_space<vmem>> -> memref<1x128x128xf32, #tpu.memory_space<vmem>>
        %dma_start3A_301 = tpu.memref_squeeze %dma_start3A_300 : memref<1x128x128xf32, #tpu.memory_space<vmem>> -> memref<128x128xf32, #tpu.memory_space<vmem>>
        %dma_start3A_302 = arith.constant 0 : i32
        %dma_start3A_303 = tpu.memref_slice %arg9[%dma_start3A_295, %dma_start3A_302] : memref<2x128xi32, #tpu.memory_space<vmem>> -> memref<1x128xi32, #tpu.memory_space<vmem>>
        %dma_start3A_304 = tpu.memref_squeeze %dma_start3A_303 : memref<1x128xi32, #tpu.memory_space<vmem>> -> memref<128xi32, #tpu.memory_space<vmem>>
        %dma_start3A_305 = arith.constant 0 : i32
        %dma_start3A_306 = arith.constant 0 : i32
        %dma_start3A_307 = tpu.memref_slice %arg4[%dma_start3A_305, %dma_start3A_306] : memref<100000x128xf32, #tpu.memory_space<hbm>> -> memref<100000x128xf32, #tpu.memory_space<hbm>>
        %dma_start3A_308 = tpu.memref_slice %arg16[%dma_start3A_297] : memref<2x!tpu.dma_semaphore, #tpu.memory_space<semaphore_mem>> -> memref<1x!tpu.dma_semaphore, #tpu.memory_space<semaphore_mem>>
        %dma_start3A_309 = tpu.memref_squeeze %dma_start3A_308 : memref<1x!tpu.dma_semaphore, #tpu.memory_space<semaphore_mem>> -> memref<!tpu.dma_semaphore, #tpu.memory_space<semaphore_mem>>
        tpu.enqueue_indirect_dma source(%dma_start3A_307 : memref<100000x128xf32, #tpu.memory_space<hbm>>) target(%dma_start3A_301 : memref<128x128xf32, #tpu.memory_space<vmem>>) offsets(%dma_start3A_304 : memref<128xi32, #tpu.memory_space<vmem>>) semaphore(%dma_start3A_309 : memref<!tpu.dma_semaphore, #tpu.memory_space<semaphore_mem>>)
      } else {
      }
    }
    %scan3A_156 = arith.constant 25 : i32
    %dma_wait3A = arith.constant 0 : i32
    %dma_wait3A_157 = arith.constant 0 : i32
    %dma_wait3A_158 = arith.constant 0 : i32
    %dma_wait3A_159 = arith.constant 0 : i32
    %dma_wait3A_160 = tpu.memref_slice %arg12[%dma_wait3A, %dma_wait3A_158, %dma_wait3A_159] : memref<2x128x128xf32, #tpu.memory_space<vmem>> -> memref<1x128x128xf32, #tpu.memory_space<vmem>>
    %dma_wait3A_161 = tpu.memref_squeeze %dma_wait3A_160 : memref<1x128x128xf32, #tpu.memory_space<vmem>> -> memref<128x128xf32, #tpu.memory_space<vmem>>
    %dma_wait3A_162 = arith.constant 0 : i32
    %dma_wait3A_163 = tpu.memref_slice %arg8[%mul3A_2, %dma_wait3A_162] : memref<204800x128xf32, #tpu.memory_space<hbm>> -> memref<128x128xf32, #tpu.memory_space<hbm>>
    %dma_wait3A_164 = tpu.memref_slice %arg17[%dma_wait3A_157] : memref<2x!tpu.dma_semaphore, #tpu.memory_space<semaphore_mem>> -> memref<1x!tpu.dma_semaphore, #tpu.memory_space<semaphore_mem>>
    %dma_wait3A_165 = tpu.memref_squeeze %dma_wait3A_164 : memref<1x!tpu.dma_semaphore, #tpu.memory_space<semaphore_mem>> -> memref<!tpu.dma_semaphore, #tpu.memory_space<semaphore_mem>>
    %dma_wait3A_166 = arith.constant 0 : i32
    %dma_wait3A_167 = tpu.memref_slice %arg8[%mul3A_2, %dma_wait3A_166] : memref<204800x128xf32, #tpu.memory_space<hbm>> -> memref<128x128xf32, #tpu.memory_space<hbm>>
    %dma_wait3A_168 = arith.constant 0 : i32
    %dma_wait3A_169 = arith.constant 0 : i32
    %dma_wait3A_170 = tpu.memref_slice %arg12[%dma_wait3A, %dma_wait3A_168, %dma_wait3A_169] : memref<2x128x128xf32, #tpu.memory_space<vmem>> -> memref<1x128x128xf32, #tpu.memory_space<vmem>>
    %dma_wait3A_171 = tpu.memref_squeeze %dma_wait3A_170 : memref<1x128x128xf32, #tpu.memory_space<vmem>> -> memref<128x128xf32, #tpu.memory_space<vmem>>
    tpu.wait_dma2 semaphore(%dma_wait3A_165 : memref<!tpu.dma_semaphore, #tpu.memory_space<semaphore_mem>>) src(%dma_wait3A_171 : memref<128x128xf32, #tpu.memory_space<vmem>>) dst(%dma_wait3A_167 : memref<128x128xf32, #tpu.memory_space<hbm>>)
    %dma_wait3A_172 = arith.constant 1 : i32
    %dma_wait3A_173 = arith.constant 1 : i32
    %dma_wait3A_174 = arith.constant 0 : i32
    %dma_wait3A_175 = arith.constant 0 : i32
    %dma_wait3A_176 = tpu.memref_slice %arg12[%dma_wait3A_172, %dma_wait3A_174, %dma_wait3A_175] : memref<2x128x128xf32, #tpu.memory_space<vmem>> -> memref<1x128x128xf32, #tpu.memory_space<vmem>>
    %dma_wait3A_177 = tpu.memref_squeeze %dma_wait3A_176 : memref<1x128x128xf32, #tpu.memory_space<vmem>> -> memref<128x128xf32, #tpu.memory_space<vmem>>
    %dma_wait3A_178 = arith.constant 0 : i32
    %dma_wait3A_179 = tpu.memref_slice %arg8[%mul3A_2, %dma_wait3A_178] : memref<204800x128xf32, #tpu.memory_space<hbm>> -> memref<128x128xf32, #tpu.memory_space<hbm>>
    %dma_wait3A_180 = tpu.memref_slice %arg17[%dma_wait3A_173] : memref<2x!tpu.dma_semaphore, #tpu.memory_space<semaphore_mem>> -> memref<1x!tpu.dma_semaphore, #tpu.memory_space<semaphore_mem>>
    %dma_wait3A_181 = tpu.memref_squeeze %dma_wait3A_180 : memref<1x!tpu.dma_semaphore, #tpu.memory_space<semaphore_mem>> -> memref<!tpu.dma_semaphore, #tpu.memory_space<semaphore_mem>>
    %dma_wait3A_182 = arith.constant 0 : i32
    %dma_wait3A_183 = tpu.memref_slice %arg8[%mul3A_2, %dma_wait3A_182] : memref<204800x128xf32, #tpu.memory_space<hbm>> -> memref<128x128xf32, #tpu.memory_space<hbm>>
    %dma_wait3A_184 = arith.constant 0 : i32
    %dma_wait3A_185 = arith.constant 0 : i32
    %dma_wait3A_186 = tpu.memref_slice %arg12[%dma_wait3A_172, %dma_wait3A_184, %dma_wait3A_185] : memref<2x128x128xf32, #tpu.memory_space<vmem>> -> memref<1x128x128xf32, #tpu.memory_space<vmem>>
    %dma_wait3A_187 = tpu.memref_squeeze %dma_wait3A_186 : memref<1x128x128xf32, #tpu.memory_space<vmem>> -> memref<128x128xf32, #tpu.memory_space<vmem>>
    tpu.wait_dma2 semaphore(%dma_wait3A_181 : memref<!tpu.dma_semaphore, #tpu.memory_space<semaphore_mem>>) src(%dma_wait3A_187 : memref<128x128xf32, #tpu.memory_space<vmem>>) dst(%dma_wait3A_183 : memref<128x128xf32, #tpu.memory_space<hbm>>)
    return
  }
}

</mosaic_0001>

<sc_bundles>
// kernel: kernel.3.cloned.1.call-start
scs
__scs_entry_jumppad:
0x0: {  	(pc) =	sbr.rel $0x88, $3  }
0x1: {  	(tag) =	ssettag $0x0;
	lr =	simm.s32 $0x1  }
0x2: {  	[smem:$0x3F9B] =	sst lr;
	_ =	strace $0xD0000000  }
0x3: {  	_ = 	snop  }
0x4: {  	_ = 	snop  }
0x5: {  	_ = 	snop  }
0x6: {  	_ = 	snop  }
0x7: {  	_ = 	snop  }
__scs_overlays_trampoline_lowered:
0x8: {  	[smem:$0x3FAA] =	sst s0  }
0x9: {  	[smem:$0x3FAB] =	sst s1  }
0xa: {  	[smem:$0x3FAC] =	sst s2  }
0xb: {  	[smem:$0x3FAD] =	sst s3  }
0xc: {  	[smem:$0x3FAE] =	sst s4  }
0xd: {  	[smem:$0x3FAF] =	sst s5  }
0xe: {  	[smem:$0x3FB0] =	sst s6  }
0xf: {  	[smem:$0x3FB1] =	sst s7  }
0x10: {  	[smem:$0x3FB2] =	sst s8  }
0x11: {  	[smem:$0x3FB3] =	sst s9;
	s0 =	simm.s32 @!p0 $0x0  }
0x12: {  	s1 =	sld [smem:$0x3F99];
	s0 =	simm.s32 @p0 $0x1  }
0x13: {  	[smem:$0x3FB4] =	sst s0;
	s0 =	simm.s32 @!p1 $0x0  }
0x14: {  	s2 =	sld [smem:$0x3F98];
	s0 =	simm.s32 @p1 $0x1  }
0x15: {  	[smem:$0x3FB5] =	sst s0;
	s0 =	simm.s32 @!p2 $0x0  }
0x16: {  	s3 =	sld [smem:$0x3FDB];
	s0 =	simm.s32 @p2 $0x1  }
0x17: {  	s4 =	simm.s32 $0x1BF5;
	[smem:$0x3FB7] =	sst s0  }
0x18: {  	s0 =	sld [smem:$0x3F9A];
	_ =	swait.ge [sflag:s4], $0x0  }
0x19: {  	s7 =	sld [smem:$0x3F9B]  }
0x1a: {  	s8 =	sadd.s32 $0xFFFFE003, lr  }
0x1b: {  	s9 =	sadd.s32 $0xFFFFFEF7, lr;
	s5 =	simm.s32 $0xFFFFFFFF;
	p2 =	slt.u32 s8, $0xFFFFF086  }
0x1c: {  	p1 =	slt.u32 s9, $0xF7A;
	s5 =	simm.s32 @!p2 $0x0  }
0x1d: {  	s5 =	simm.s32 @p1 $0x1;
	p0 =	seq.s32 s7, s2  }
0x1e: {  	s7 =	smul.u32 @!p0 $0xF7A, s2;
	p2 =	seq.s32 @!p0 s5, $0x0  }
0x1f: {  	s9 =	smul.u32 $0xF7A, s1;
	s8 =	simm.s32 @!p0 $0x1BF5;
	p2 =	por !p2, p0  }
0x20: {  	[sflag:s8] =	ssyncset.s32 @!p0 $0xFFFFF086;
	s6 =	sadd.s32 @!p0 s3, s7;
	s7 =	simm.s32 @!p0 $0x108  }
0x21: {  	s3 =	sadd.s32 s3, s9;
	s6 =	sadd.s32 @!p0 $0x88, s6;
	s7 =	simm.s32 @p2 $0x1082  }
0x22: {  	[simem:s7], [sflag:s8] =	dma.local @!p0 [hbm:s6], $0xF7A  }
0x23: {  	s9 =	sor.u32 $0xD0000000, s2;
	s6 =	simm.s32 $0x108;
	_ =	swait.ge @!p0 [sflag:s8], $0x0  }
0x24: {  	s3 =	sadd.s32 $0x88, s3;
	s6 =	simm.s32 @!p1 $0x1082;
	[sflag:s4] =	ssyncset.s32 $0xFFFFF086  }
0x25: {  	[simem:s6], [sflag:s4] =	dma.local [hbm:s3], $0xF7A  }
0x26: {  	[smem:$0x3F9B] =	sst s1;
	(tag) =	ssettag s2;
	_ =	strace s9  }
0x27: {  	s1 =	sld [smem:$0x3FAB]  }
0x28: {  	s2 =	sld [smem:$0x3FAC]  }
0x29: {  	s4 =	sld [smem:$0x3FAE]  }
0x2a: {  	p0 =	seq.s32 s5, $0x0;
	s5 =	sld [smem:$0x3FAF]  }
0x2b: {  	s6 =	sld [smem:$0x3FB0]  }
0x2c: {  	s7 =	sld [smem:$0x3FB1]  }
0x2d: {  	s3 =	simm.s32 $0x108;
	s8 =	sld [smem:$0x3FB2]  }
0x2e: {  	s3 =	simm.s32 @!p0 $0x1082;
	s9 =	sld [smem:$0x3FB3]  }
0x2f: {  	lr =	sadd.s32 s0, s3;
	s0 =	sld [smem:$0x3FAA]  }
0x30: {  	s3 =	sld [smem:$0x3FAD]  }
0x31: {  	[smem:$0x3FB6] =	sst s10  }
0x32: {  	s10 =	sld [smem:$0x3FB4];
	_ =	sdelay $0x3  }
0x33: {  	p0 =	seq.s32 s10, $0x1;
	s10 =	sld [smem:$0x3FB6];
	_ =	sdelay $0x3  }
0x34: {  	[smem:$0x3FB6] =	sst s10  }
0x35: {  	s10 =	sld [smem:$0x3FB5];
	_ =	sdelay $0x3  }
0x36: {  	p1 =	seq.s32 s10, $0x1;
	s10 =	sld [smem:$0x3FB6];
	_ =	sdelay $0x3  }
0x37: {  	[smem:$0x3FB6] =	sst s10  }
0x38: {  	s10 =	sld [smem:$0x3FB7]  }
0x39: {  	_ = 	snop;
	(pc) =	sbr.ind lr, $3  }
0x3a: {  	_ = 	snop  }
0x3b: {  	_ = 	snop  }
0x3c: {  	p2 =	seq.s32 s10, $0x1;
	s10 =	sld [smem:$0x3FB6]  }
0x3d: {  	_ =	shalt  }
0x3e: {  	_ =	shalt  }
0x3f: {  	_ =	shalt  }
0x40: {  	_ =	shalt  }
0x41: {  	_ =	shalt  }
0x42: {  	_ =	shalt  }
0x43: {  	_ =	shalt  }
0x44: {  	_ =	shalt  }
0x45: {  	_ =	shalt  }
0x46: {  	_ =	shalt  }
0x47: {  	_ =	shalt  }
0x48: {  	_ =	shalt  }
0x49: {  	_ =	shalt  }
0x4a: {  	_ =	shalt  }
0x4b: {  	_ =	shalt  }
0x4c: {  	_ =	shalt  }
0x4d: {  	_ =	shalt  }
0x4e: {  	_ =	shalt  }
0x4f: {  	_ =	shalt  }
0x50: {  	_ =	shalt  }
0x51: {  	_ =	shalt  }
0x52: {  	_ =	shalt  }
0x53: {  	_ =	shalt  }
0x54: {  	_ =	shalt  }
0x55: {  	_ =	shalt  }
0x56: {  	_ =	shalt  }
0x57: {  	_ =	shalt  }
0x58: {  	_ =	shalt  }
0x59: {  	_ =	shalt  }
0x5a: {  	_ =	shalt  }
0x5b: {  	_ =	shalt  }
0x5c: {  	_ =	shalt  }
0x5d: {  	_ =	shalt  }
0x5e: {  	_ =	shalt  }
0x5f: {  	_ =	shalt  }
0x60: {  	_ =	shalt  }
0x61: {  	_ =	shalt  }
0x62: {  	_ =	shalt  }
0x63: {  	_ =	shalt  }
0x64: {  	_ =	shalt  }
0x65: {  	_ =	shalt  }
0x66: {  	_ =	shalt  }
0x67: {  	_ =	shalt  }
0x68: {  	_ =	shalt  }
0x69: {  	_ =	shalt  }
0x6a: {  	_ =	shalt  }
0x6b: {  	_ =	shalt  }
0x6c: {  	_ =	shalt  }
0x6d: {  	_ =	shalt  }
0x6e: {  	_ =	shalt  }
0x6f: {  	_ =	shalt  }
0x70: {  	_ =	shalt  }
0x71: {  	_ =	shalt  }
0x72: {  	_ =	shalt  }
0x73: {  	_ =	shalt  }
0x74: {  	_ =	shalt  }
0x75: {  	_ =	shalt  }
0x76: {  	_ =	shalt  }
0x77: {  	_ =	shalt  }
0x78: {  	_ =	shalt  }
0x79: {  	_ =	shalt  }
0x7a: {  	_ =	shalt  }
0x7b: {  	_ =	shalt  }
0x7c: {  	_ =	shalt  }
0x7d: {  	_ =	shalt  }
0x7e: {  	_ =	shalt  }
0x7f: {  	_ =	shalt  }
0x80: {  	_ =	shalt  }
0x81: {  	_ =	shalt  }
0x82: {  	_ =	shalt  }
0x83: {  	_ =	shalt  }
0x84: {  	_ =	shalt  }
0x85: {  	_ =	shalt  }
0x86: {  	_ =	shalt  }
0x87: {  	_ =	shalt  }
.Lfunc_end0:
.L_simem_size_0:
called_computation_lowered:
.L_overlay_start_0:
0x88: {  	s2 =	sld [smem:$0x3FD9]  }
0x89: {  	s3 =	sld [smem:$0x3FFE];
	_ =	sdelay $0x1  }
0x8a: {  	s1 =	srdreg.scid  }
0x8b: {  	s0 =	sand.u32 $0x1, s1  }
0x8c: {  	s17 =	sshll.u32 s0, $0xA;
	s2 =	sadd.s32 s3, s2  }
0x8d: {  	s2 =	sadd.s32 s2, s17  }
0x8e: {  	[smem:$0x3FC2] =	sst s2  }
0x8f: {  	_ = 	snop  }
0x90: {  	s2 =	sld [smem:$0x3FC7]  }
0x91: {  	s18 =	sld [smem:$0x3FC6]  }
0x92: {  	s4 =	sld [smem:$0x3FC5]  }
0x93: {  	s5 =	sld [smem:$0x3FC4]  }
0x94: {  	s6 =	sld [smem:$0x3FD0];
	(tm) =	ssettm $0x1  }
0x95: {  	s7 =	sld [smem:$0x3FFB];
	_ =	sdelay $0x3  }
0x96: {  	_ =	strace s7  }
0x97: {  	s7 =	sld [smem:$0x3FFC];
	_ =	sdelay $0x3  }
0x98: {  	_ =	strace s7  }
0x99: {  	s7 =	sld [smem:$0x3FFD];
	_ =	sdelay $0x3  }
0x9a: {  	_ =	strace s7  }
0x9b: {  	_ =	strace $0x8FFFFFFF  }
0x9c: {  	s19 =	sld [smem:$0x3FDB];
	_ =	sdelay $0x1  }
0x9d: {  	s8 =	simm.s32 $_scs_section_size  }
0x9e: {  	s9 =	simm.s32 $_size__tile_overlayer_lowered;
	s10 =	simm.s32 $_tile_overlayer_lowered  }
0x9f: {  	s22 =	simm.s32 $0x1BFF;
	s21 =	sshll.u32 s10, $0x1;
	s7 =	sadd.s32 s8, s19  }
0xa0: {  	s11 =	simm.s32 $0x0;
	s20 =	sshll.u32 s9, $0x1;
	s9 =	sadd.s32 s21, s7  }
0xa1: {  	[timem:s11], [sflag:s22] =	dma.local [hbm:s9], s20  }
0xa2: {  	_ =	swait.ge [sflag:s22], s20  }
0xa3: {  	s8 =	ssub.s32 $0x0, s20;
	[sflag:s22] =	ssyncset.done $0x0  }
0xa4: {  	[sflag:s22] =	ssyncadd.s32 s8;
	_ =	sdelay $0x1  }
0xa5: {  	s23 =	simm.s32 $0x1B8B  }
0xa6: {  	_ =	swait.ge [sflag:s23], $0x1  }
0xa7: {  	[sflag:s23] =	ssyncset.done $0x0  }
0xa8: {  	s25 =	simm.s32 $0x1B8E;
	s24 =	sld [smem:$0x3FFE];
	[sflag:s23] =	ssyncadd.s32 $0xFFFFFFFF  }
0xa9: {  	s26 =	simm.s32 $execute0_lowered;
	[smem:$0x3FD2] =	sst s25  }
0xaa: {  	s9 =	sshll.u32 s26, $0x1;
	_ =	strace $0x80000046;
	[dreg:$0x1] =	wrdreg $0xFFFFFFFF  }
0xab: {  	s28 =	simm.s32 $_size_execute0_lowered;
	s7 =	sadd.s32 s7, s9;
	[dreg:$0x0] =	wrdreg $0x0  }
0xac: {  	s9 =	sshll.u32 s28, $0x1;
	[dreg:$0x2] =	wrdreg s7  }
0xad: {  	[dreg:$0x3] =	wrdreg s9  }
0xae: {  	[dreg:$0x4] =	wrdreg $0xC0  }
0xaf: {  	_ =	task [dreg:s11], $0x5FFFF  }
0xb0: {  	[dreg:$0x1] =	wrdreg $0xFFFFFFFF  }
0xb1: {  	[dreg:$0x0] =	wrdreg $0x60  }
0xb2: {  	[dreg:$0x2] =	wrdreg s24  }
0xb3: {  	[dreg:$0x3] =	wrdreg s2  }
0xb4: {  	[dreg:$0x4] =	wrdreg s18  }
0xb5: {  	[dreg:$0x5] =	wrdreg s4  }
0xb6: {  	[dreg:$0x6] =	wrdreg s5  }
0xb7: {  	[dreg:$0x7] =	wrdreg s6  }
0xb8: {  	[dreg:$0x8] =	wrdreg $0x9  }
0xb9: {  	_ =	task.clear_ibuf [dreg:s11], $0x9FFFF;
	_ =	strace $0x90000046  }
0xba: {  	s29 =	simm.s32 $0x9;
	_ =	strace $0x80000048  }
0xbb: {  	_ =	swait.ge [sflag:s29], $0x1  }
0xbc: {  	[sflag:s29] =	ssyncadd.s32 $0xFFFFFFFF  }
0xbd: {  	_ =	strace $0x90000048  }
0xbe: {  	_ =	sfence  }
0xbf: {  	s30 =	sld [smem:$0x0];
	_ =	sdelay $0x2  }
0xc0: {  	s31 =	sshll.u32 s1, $0xD;
	s1 =	sshrl.u32 s1, $0x2  }
0xc1: {  	s3 =	sand.u32 $0x4000, s31;
	s1 =	sadd.s32 s1, s30  }
0xc2: {  	s0 =	sor.u32 s3, s0;
	s1 =	sshll.u32 s1, $0x11  }
0xc3: {  	s0 =	sor.u32 s1, s0  }
0xc4: {  	s0 =	sadd.s32 $0x8F2B, s0  }
0xc5: {  	[sflag:s0] =	ssyncadd.remote.s32 $0x1  }
0xc6: {  	_ =	sfence.sel $0xFFFF  }
0xc7: {  	[dreg:$0x0] =	wrdreg $0xFFFFFFFF;
	(pc) =	sbr.abs _section_cstart, $3  }
0xc8: {  	[dreg:$0x1] =	wrdreg $0xFFFFFFFF  }
0xc9: {  	_ =	task.clear_ibuf [dreg:s11], $0x2FFFF;
	_ =	strace $0x9FFFFFFF  }
0xca: {  	(tm) =	ssettm $0x7FFFFFFF  }
0xcb: {  	_ =	shalt  }
tec
execute0_lowered:
.L_overlay_start_1:
0x0: {  	(tag) =	ssettag $0x1  }
0x1: {  	s0 =	rddreg [dreg:$0x0]  }
0x2: {  	s1 =	rddreg [dreg:$0x1]  }
0x3: {  	s6 =	rddreg [dreg:$0x5];
	s2 =	srdreg.scid;
	v0 =	vimm.s32 $0xFEDCBA98;
	v1 =	vimm.s32 $0x76543210;
	v2 =	vimm.s32 $0xBA98FEDC  }
0x4: {  	s3 =	stileid.u32;
	s7 =	simm.s32 $0x0;
	v3 =	vimm.s32 $0x32107654;
	v4 =	vimm.s32 $0xDCFE98BA;
	v5 =	vimm.s32 $0x54761032;
	s20 =	simm.s32 $0x5  }
0x5: {  	v6 =	vimm.s32 $0xEFCDAB89;
	v7 =	vimm.s32 $0x67452301;
	s23 =	simm.s32 $0x100;
	s29 =	simm.s32 $0x1;
	s30 =	simm.s32 $0x8300;
	v0 =	vunpack.c.l.s4.s8 v0  }
0x6: {  	s31 =	simm.s32 $0x2;
	s2 =	sand.u32 $0x1, s2;
	s3 =	sshll.u32 s3, $0x1;
	v1 =	vunpack.c.l.s4.s8 v1;
	v2 =	vunpack.c.l.s4.s8 v2;
	v3 =	vunpack.c.l.s4.s8 v3  }
0x7: {  	[smem:$0x7FF] =	sst s7;
	s8 =	sadd.s32 $0x400, s0;
	v4 =	vunpack.c.l.s4.s8 v4;
	v5 =	vunpack.c.l.s4.s8 v5;
	v6 =	vunpack.c.l.s4.s8 v6;
	s3 =	sor.u32 s2, s3  }
0x8: {  	s9 =	sadd.s32 $0x6800, s0;
	v7 =	vunpack.c.l.s4.s8 v7;
	s24 =	ssub.s32 $0x2, s2;
	s4 =	smul.u32 $0x1900, s3;
	v0 =	vunpack.c.0.s8.s32 v0;
	v2 =	vunpack.c.0.s8.s32 v2  }
0x9: {  	_ =	strace $0x80000047;
	s2 =	sshrl.u32 s24, $0x1;
	s14 =	smul.u32 $0xC8000, s3;
	v3 =	vunpack.c.0.s8.s32 v3;
	v4 =	vunpack.c.0.s8.s32 v4;
	v1 =	vunpack.c.0.s8.s32 v1  }
0xa: {  	v5 =	vunpack.c.0.s8.s32 v5;
	v6 =	vunpack.c.0.s8.s32 v6;
	s3 =	simm.s32 $0x0;
	s0 =	ssub.s32 s24, s2;
	s24 =	simm.s32 $0x80;
	v0 =	vand.u32 $0xF, v0  }
0xb: {  	v7 =	vunpack.c.0.s8.s32 v7;
	s5 =	sshrl.u32 s4, $0x3;
	s15 =	sadd.s32 $0x100, s4;
	s0 =	smax.u32 s0, $0x1;
	v2 =	vcombine.low v3, v2;
	v24 =	vcombine.low v0, v1  }
0xc: {  	s16 =	sor.u32 $0x80, s4;
	v3 =	vcombine.low v5, v4;
	s25 =	sadd.s32 s8, s5;
	[dreg:$0xb] =	wrdreg s0  }
0xd: {  	v4 =	vcombine.low v7, v6;
	s26 =	sor.u32 $0x10, s5;
	s5 =	sadd.s32 s9, s5;
	[dreg:$0x7] =	wrdreg s25;
	v44 =	vand.u32 $0xF, v2;
	[tilespmem:$0x1FFC0] =	vst v24  }
0xe: {  	s17 =	sadd.s32 $0x180, s4;
	[dreg:$0x8] =	wrdreg s5;
	s28 =	sadd.s32 s8, s26;
	v3 =	vand.u32 $0xF, v3;
	[tilespmem:$0x1FFD0] =	vst v44  }
0xf: {  	s4 =	simm.s32 $0xC300;
	s2 =	sadd.s32 s9, s26;
	v1 =	vand.u32 $0xF, v4;
	[dreg:$0x9] =	wrdreg s28;
	[tilespmem:$0x1FFE0] =	vst v3  }
0x10: {  	s0 =	simm.s32 $0x4;
	s25 =	simm.s32 $0x300;
	[dreg:$0xa] =	wrdreg s2;
	[tilespmem:$0x1FFF0] =	vst v1  }
.LBB2_1:
0x11: {  	s2 =	rddreg [dreg:$0x2];
	s5 =	simm.s32 $0x10300  }
0x12: {  	[tilespmem:s5], [sflag:$0x5] =	stream.linear.gather [hbm4b:s2+s7], $0x100, $0x38;
	[tilespmem:$0x10500] =	vst v63  }
0x13: {  	_ =	swait.ge [sflag:s20], $0x100  }
0x14: {  	[sflag:s20] =	ssyncset.done $0x0  }
0x15: {  	[sflag:s20] =	ssyncadd.s32 $0xFFFFFF00  }
0x16: {  	s11 =	simm.s32 $0x10400;
	s10 =	rddreg [dreg:$0x3]  }
0x17: {  	[tilespmem:s11], [sflag:$0x5] =	stream.linear.gather [hbm4b:s10+s7], $0x80, $0x38;
	[tilespmem:$0x10500] =	vst v63  }
0x18: {  	_ =	swait.ge [sflag:s20], $0x80  }
0x19: {  	[sflag:s20] =	ssyncset.done $0x0  }
0x1a: {  	[sflag:s20] =	ssyncadd.s32 $0xFFFFFF80  }
0x1b: {  	s13 =	simm.s32 $0x10480;
	s12 =	rddreg [dreg:$0x4]  }
0x1c: {  	[tilespmem:s13], [sflag:$0x5] =	stream.linear.gather [hbm4b:s12+s7], $0x80, $0x38;
	[tilespmem:$0x10500] =	vst v63  }
0x1d: {  	_ =	swait.ge [sflag:s20], $0x80  }
0x1e: {  	[sflag:s20] =	ssyncset.done $0x0  }
0x1f: {  	[sflag:s20] =	ssyncadd.s32 $0xFFFFFF80  }
0x20: {  	v32 =	vld [tilespmem:$0x10300]  }
0x21: {  	v33 =	vld [tilespmem:$0x10310]  }
0x22: {  	v34 =	vld [tilespmem:$0x10320]  }
0x23: {  	v25 =	vld [tilespmem:$0x10330]  }
0x24: {  	v26 =	vld [tilespmem:$0x10340]  }
0x25: {  	v27 =	vld [tilespmem:$0x10350]  }
0x26: {  	v28 =	vld [tilespmem:$0x10360]  }
0x27: {  	v29 =	vld [tilespmem:$0x10370]  }
0x28: {  	v4 =	vld [tilespmem:$0x10380]  }
0x29: {  	v5 =	vld [tilespmem:$0x10390]  }
0x2a: {  	v6 =	vld [tilespmem:$0x103A0]  }
0x2b: {  	v7 =	vld [tilespmem:$0x103B0]  }
0x2c: {  	v8 =	vld [tilespmem:$0x103C0]  }
0x2d: {  	v9 =	vld [tilespmem:$0x103D0]  }
0x2e: {  	v10 =	vld [tilespmem:$0x103E0]  }
0x2f: {  	v11 =	vld [tilespmem:$0x103F0]  }
0x30: {  	v31 =	vld [tilespmem:$0x10400]  }
0x31: {  	v0 =	vld [tilespmem:$0x10470]  }
0x32: {  	v35 =	vld [tilespmem:$0x10410]  }
0x33: {  	v50 =	vld [tilespmem:$0x10420]  }
0x34: {  	v61 =	vld [tilespmem:$0x10430]  }
0x35: {  	v12 =	vld [tilespmem:$0x10440]  }
0x36: {  	[tilespmem:$0x1FDC0] =	vst v0;
	v0 =	vld [tilespmem:$0x104A0]  }
0x37: {  	v55 =	vld [tilespmem:$0x10450]  }
0x38: {  	v37 =	vld [tilespmem:$0x10460]  }
0x39: {  	v57 =	vld [tilespmem:$0x10480]  }
0x3a: {  	v58 =	vld [tilespmem:$0x10490]  }
0x3b: {  	[tilespmem:$0x1FDD0] =	vst v0;
	v0 =	vld [tilespmem:$0x104F0]  }
0x3c: {  	v13 =	vld [tilespmem:$0x104B0]  }
0x3d: {  	v14 =	vld [tilespmem:$0x104C0]  }
0x3e: {  	s18 =	rddreg [dreg:$0x7];
	v16 =	vld [tilespmem:$0x104D0]  }
0x3f: {  	v15 =	vld [tilespmem:$0x104E0];
	[tilespmem:s7], [sflag:$0x5] =	stream.linear.gather [hbm4b:s18+s7], $0x80, $0x38  }
0x40: {  	[tilespmem:$0x1FDE0] =	vst v0  }
0x41: {  	_ =	swait.ge [sflag:s20], $0x80  }
0x42: {  	[sflag:s20] =	ssyncset.done $0x0  }
0x43: {  	s19 =	rddreg [dreg:$0x8];
	[sflag:s20] =	ssyncadd.s32 $0xFFFFFF80  }
0x44: {  	[tilespmem:s23], [sflag:$0x5] =	stream.linear.gather [hbm4b:s19+s7], $0x80, $0x38;
	[tilespmem:$0x10500] =	vst v63  }
0x45: {  	_ =	swait.ge [sflag:s20], $0x80  }
0x46: {  	[sflag:s20] =	ssyncset.done $0x0  }
0x47: {  	[sflag:s20] =	ssyncadd.s32 $0xFFFFFF80  }
0x48: {  	[tilespmem:s25], [sflag:$0x1] =	stream.indirect.gather [hbm4b:s1+s24], $0x80, s7, s24, $0xb8;
	[tilespmem:$0x10500] =	vst v63  }
0x49: {  	s21 =	rddreg [dreg:$0x9]  }
0x4a: {  	[tilespmem:s24], [sflag:$0x5] =	stream.linear.gather [hbm4b:s21+s7], $0x80, $0x38;
	[tilespmem:$0x10500] =	vst v63  }
0x4b: {  	_ =	swait.ge [sflag:s20], $0x80  }
0x4c: {  	[sflag:s20] =	ssyncset.done $0x0  }
0x4d: {  	s26 =	simm.s32 $0x180;
	s22 =	rddreg [dreg:$0xa];
	[sflag:s20] =	ssyncadd.s32 $0xFFFFFF80  }
0x4e: {  	v0 =	vsub.f32 v4, v32;
	[tilespmem:s26], [sflag:$0x5] =	stream.linear.gather [hbm4b:s22+s7], $0x80, $0x38;
	[tilespmem:$0x10500] =	vst v63  }
0x4f: {  	v4 =	vsub.f32 v10, v28;
	_ =	swait.ge [sflag:s20], $0x80  }
0x50: {  	[tilespmem:$0x1FDF0] =	vst v0  }
0x51: {  	[tilespmem:$0x1FE00] =	vst v4  }
0x52: {  	[tilespmem:$0x1FE20] =	vst v61  }
0x53: {  	[tilespmem:$0x1FE30] =	vst v55  }
0x54: {  	[tilespmem:$0x1FE40] =	vst v37  }
0x55: {  	[tilespmem:$0x1FE50] =	vst v16  }
0x56: {  	[tilespmem:$0x1FE60] =	vst v15  }
0x57: {  	[tilespmem:$0x1FE70] =	vst v31  }
0x58: {  	[tilespmem:$0x1FE80] =	vst v35  }
0x59: {  	[tilespmem:$0x1FE90] =	vst v50  }
0x5a: {  	[tilespmem:$0x1FEA0] =	vst v12  }
0x5b: {  	[tilespmem:$0x1FEB0] =	vst v57  }
0x5c: {  	[tilespmem:$0x1FEC0] =	vst v58  }
0x5d: {  	v47 =	vsub.f32 v5, v33;
	[tilespmem:$0x1FED0] =	vst v13  }
0x5e: {  	v38 =	vsub.f32 v6, v34;
	[tilespmem:$0x1FEE0] =	vst v14  }
0x5f: {  	v43 =	vsub.f32 v7, v25;
	[tilespmem:$0x1FEF0] =	vst v47  }
0x60: {  	[tilespmem:$0x1FF00] =	vst v38  }
0x61: {  	v48 =	vsub.f32 v8, v26;
	[tilespmem:$0x1FF10] =	vst v43  }
0x62: {  	[tilespmem:$0x1FF20] =	vst v25  }
0x63: {  	[tilespmem:$0x1FF30] =	vst v48  }
0x64: {  	[tilespmem:$0x1FF40] =	vst v26  }
0x65: {  	[tilespmem:$0x1FF50] =	vst v27  }
0x66: {  	[tilespmem:$0x1FF60] =	vst v28  }
0x67: {  	[tilespmem:$0x1FF70] =	vst v29  }
0x68: {  	[tilespmem:$0x1FF80] =	vst v32  }
0x69: {  	v59 =	vsub.f32 v9, v27;
	[tilespmem:$0x1FF90] =	vst v33  }
0x6a: {  	[sflag:s20] =	ssyncset.done $0x0;
	[tilespmem:$0x1FFA0] =	vst v34  }
0x6b: {  	s28 =	simm.s32 $0x4300;
	v4 =	vsub.f32 v11, v29;
	[tilespmem:$0x1FFB0] =	vst v59;
	[sflag:s20] =	ssyncadd.s32 $0xFFFFFF80  }
0x6c: {  	[tilespmem:s28], [sflag:$0x2] =	stream.indirect.gather [hbm4b:s1+s24], $0x80, s24, s24, $0xb8;
	[tilespmem:$0x10500] =	vst v63  }
0x6d: {  	s26 =	simm.s32 $0x0;
	[tilespmem:$0x1FE10] =	vst v4  }
.LBB2_2:
0x6e: {  	_ =	swait.ge [sflag:s29], $0x4000  }
0x6f: {  	p0 =	seq.s32 s26, $0x0;
	[sflag:s29] =	ssyncset.done $0x0  }
0x70: {  	s2 =	simm.s32 @!p0 $0x3;
	[sflag:s29] =	ssyncadd.s32 $0xFFFFC000  }
0x71: {  	_ =	swait.ge @!p0 [sflag:s2], $0x4000  }
0x72: {  	[sflag:s2] =	ssyncset.done @!p0 $0x0  }
0x73: {  	s19 =	simm.s32 $0x102;
	[sflag:s2] =	ssyncadd.s32 @!p0 $0xFFFFC000  }
0x74: {  	v4 =	vld [tilespmem:s19+$0x1];
	_ =	sdelay $0x4  }
0x75: {  	(v2sf) =	vpush v4, $0x0;
	_ =	sdelay $0x6  }
0x76: {  	v4 =	vld [tilespmem:s19+$0xFFFFFFFF];
	_ =	sdelay $0x2  }
0x77: {  	v5 =	vld [tilespmem:s19+$0x0]  }
0x78: {  	v30 =	vld [tilespmem:$0x1FDF0]  }
0x79: {  	s5 =	simm.s32 $0x400;
	v6 =	vld [tilespmem:s19+$0xFFFFFFFE];
	(v2sf) =	vpush v4, $0x0  }
0x7a: {  	v7 =	vld [tilespmem:s5+$0x80]  }
0x7b: {  	v4 =	vld [tilespmem:s5+$0x90]  }
0x7c: {  	(v2sf) =	vpush v5, $0x0;
	s21 =	spop (v2sf)  }
0x7d: {  	v5 =	vld [tilespmem:s5+$0xA0];
	s2 =	scvt.s32.f32 s21;
	_ =	sdelay $0x1  }
0x7e: {  	v7 =	vadd.f32 v7, v32;
	(v2sf) =	vpush v6, $0x0;
	v6 =	vld [tilespmem:s5+$0xB0];
	v8 =	vmul.f32 s2, v30  }
0x7f: {  	v4 =	vadd.f32 v4, v33;
	v9 =	vmul.f32 s2, v47  }
0x80: {  	v10 =	vld [tilespmem:s5+$0xC0];
	v13 =	vadd.f32 v8, v7  }
0x81: {  	v5 =	vadd.f32 v5, v34;
	v11 =	vmul.f32 s2, v38;
	v14 =	vadd.f32 v9, v4  }
0x82: {  	[tilespmem:$0x1F980] =	vst v13  }
0x83: {  	v12 =	vadd.f32 v11, v5;
	v5 =	vadd.f32 v6, v25;
	v6 =	vmul.f32 s2, v43;
	[tilespmem:$0x1F990] =	vst v14  }
0x84: {  	v8 =	vmul.f32 v13, v13;
	v9 =	vadd.f32 v14, v13;
	v11 =	vmul.f32 v14, v14;
	v4 =	vld [tilespmem:s5+$0xD0]  }
0x85: {  	v62 =	vld [tilespmem:$0x1FE00];
	v46 =	vadd.f32 v6, v5;
	v5 =	vadd.f32 v10, v26;
	v6 =	vmul.f32 s2, v48;
	[tilespmem:$0x1F9A0] =	vst v12  }
0x86: {  	v7 =	vld [tilespmem:s5+$0xE0];
	v8 =	vadd.f32 v11, v8;
	v9 =	vadd.f32 v9, v12;
	v11 =	vmul.f32 v12, v12  }
0x87: {  	s10 =	spop (v2sf);
	v12 =	vadd.f32 v5, v6  }
0x88: {  	v42 =	vld [tilespmem:$0x1FE10];
	s10 =	scvt.s32.f32 s10;
	v6 =	vadd.f32 v8, v11;
	v8 =	vadd.f32 v9, v46;
	v9 =	vmul.f32 v46, v46  }
0x89: {  	v10 =	vld [tilespmem:s5+$0xF0];
	v5 =	vmul.f32 s2, v59;
	[tilespmem:$0x1F9B0] =	vst v12;
	v4 =	vadd.f32 v4, v27  }
0x8a: {  	s12 =	spop (v2sf);
	v13 =	vmul.f32 s10, v47;
	v11 =	vld [tilespmem:s5+$0xFFFFFF80];
	v6 =	vadd.f32 v6, v9  }
0x8b: {  	s12 =	scvt.s32.f32 s12;
	v9 =	vld [tilespmem:s5+$0xFFFFFF00];
	v49 =	vadd.f32 v4, v5;
	v4 =	vadd.f32 v7, v28;
	v5 =	vmul.f32 s2, v62  }
0x8c: {  	v2 =	vmovc v43;
	v36 =	vmul.f32 s10, v38;
	v7 =	vadd.f32 v8, v12;
	v8 =	vmul.f32 v12, v12  }
0x8d: {  	s22 =	spop (v2sf);
	v63 =	vmul.f32 s10, v2;
	v18 =	vmul.f32 s12, v30;
	v17 =	vld [tilespmem:s5+$0x10];
	v45 =	vadd.f32 v4, v5  }
0x8e: {  	s11 =	scvt.s32.f32 s22;
	v43 =	vld [tilespmem:s5+$0xFFFFFFD0];
	v4 =	vadd.f32 v10, v29;
	v5 =	vmul.f32 s2, v42;
	v6 =	vadd.f32 v6, v8  }
0x8f: {  	v10 =	vld [tilespmem:s5+$0xFFFFFF10];
	v7 =	vadd.f32 v7, v49;
	v8 =	vmul.f32 v49, v49;
	v11 =	vadd.f32 v11, v32  }
0x90: {  	v15 =	vmul.f32 s11, v30;
	v9 =	vadd.f32 v9, v32;
	v14 =	vadd.f32 v4, v5;
	v4 =	vld [tilespmem:s5+$0xFFFFFF90]  }
0x91: {  	v5 =	vadd.f32 v6, v8;
	v6 =	vadd.f32 v7, v45;
	v7 =	vmul.f32 v45, v45;
	v8 =	vld [tilespmem:s5+$0x0]  }
0x92: {  	v16 =	vmul.f32 s11, v47;
	v17 =	vadd.f32 v17, v33;
	v9 =	vadd.f32 v15, v9  }
0x93: {  	v15 =	vld [tilespmem:s5+$0x20];
	v5 =	vadd.f32 v5, v7;
	v6 =	vadd.f32 v6, v14;
	v7 =	vmul.f32 v14, v14  }
0x94: {  	v12 =	vmul.f32 s10, v30;
	v43 =	vadd.f32 v43, v27;
	v10 =	vadd.f32 v10, v33  }
0x95: {  	v5 =	vadd.f32 v5, v7;
	v7 =	vperm.xlane v6, v24;
	v4 =	vadd.f32 v4, v33  }
0x96: {  	v19 =	vmul.f32 s12, v47;
	v21 =	vld [tilespmem:s5+$0xFFFFFF20];
	v22 =	vadd.f32 v8, v32;
	v8 =	vadd.f32 v16, v10  }
0x97: {  	v20 =	vmul.f32 s11, v38;
	v23 =	vld [tilespmem:s5+$0xFFFFFFA0];
	v10 =	vadd.f32 v12, v11;
	v6 =	vadd.f32 v6, v7  }
0x98: {  	v7 =	vperm.xlane v5, v24;
	v15 =	vadd.f32 v15, v34;
	v11 =	vadd.f32 v13, v4  }
0x99: {  	v4 =	vadd.f32 v18, v22;
	v13 =	vmul.f32 v9, v9;
	v16 =	vperm.xlane v6, v44  }
0x9a: {  	v5 =	vadd.f32 v5, v7;
	v39 =	vadd.f32 v11, v10;
	v40 =	vmul.f32 v11, v11  }
0x9b: {  	v41 =	vmul.f32 v4, v4;
	v7 =	vadd.f32 v6, v16;
	v6 =	vadd.f32 v19, v17  }
0x9c: {  	v61 =	vld [tilespmem:s5+$0x40];
	v12 =	vperm.xlane v5, v44;
	v16 =	vadd.f32 v21, v34;
	v17 =	vadd.f32 v23, v34  }
0x9d: {  	v19 =	vmul.f32 v8, v8;
	v21 =	vadd.f32 v8, v9;
	v23 =	vmul.f32 v10, v10  }
0x9e: {  	v56 =	vld [tilespmem:s5+$0xFFFFFFB0];
	v18 =	vperm.xlane v7, v3;
	v5 =	vadd.f32 v5, v12;
	v12 =	vadd.f32 v20, v16  }
0x9f: {  	v22 =	vld [tilespmem:s5+$0xFFFFFF30];
	v58 =	vadd.f32 v6, v4;
	v51 =	vmul.f32 v6, v6;
	v19 =	vadd.f32 v19, v13  }
0xa0: {  	v23 =	vadd.f32 v40, v23;
	v18 =	vadd.f32 v7, v18;
	v7 =	vperm.xlane v5, v3  }
0xa1: {  	v37 =	vmul.f32 s12, v38;
	v40 =	vadd.f32 v61, v26;
	v21 =	vadd.f32 v21, v12  }
0xa2: {  	v0 =	vmovc v24;
	v57 =	vld [tilespmem:s5+$0x30];
	v60 =	vmul.f32 v12, v12;
	v41 =	vadd.f32 v51, v41;
	v20 =	vadd.f32 v5, v7  }
0xa3: {  	v24 =	vmovc v1;
	v16 =	vperm.xlane v18, v1;
	v7 =	vadd.f32 v36, v17;
	v5 =	vadd.f32 v37, v15  }
0xa4: {  	v1 =	vmovc v28;
	v28 =	vmovc v3;
	v17 =	vmul.f32 s11, v2;
	v15 =	vadd.f32 v22, v25;
	v22 =	vadd.f32 v56, v25  }
0xa5: {  	v3 =	vmovc v48;
	v19 =	vadd.f32 v19, v60;
	v16 =	vadd.f32 v18, v16;
	v18 =	vperm.xlane v20, v24  }
0xa6: {  	v60 =	vld [tilespmem:s5+$0x50];
	v51 =	vmul.f32 s11, v3;
	v39 =	vadd.f32 v39, v7;
	v15 =	vadd.f32 v17, v15  }
0xa7: {  	v53 =	vmul.f32 $7.812500000e-03, v16;
	v16 =	vadd.f32 v20, v18;
	v20 =	vadd.f32 v57, v25;
	v57 =	vld [tilespmem:s5+$0xFFFFFFC0]  }
0xa8: {  	v52 =	vmul.f32 v7, v7;
	v48 =	vadd.f32 v58, v5;
	v17 =	vadd.f32 v63, v22  }
0xa9: {  	v56 =	vld [tilespmem:s5+$0xFFFFFF40];
	v21 =	vadd.f32 v21, v15;
	v13 =	vmul.f32 $7.812500000e-03, v16;
	v16 =	vmul.f32 v53, v53  }
0xaa: {  	v63 =	vmul.f32 s10, v3;
	v23 =	vadd.f32 v23, v52;
	v39 =	vadd.f32 v39, v17  }
0xab: {  	v55 =	vld [tilespmem:s5+$0xFFFFFF50];
	v18 =	vmul.f32 s12, v2;
	v52 =	vadd.f32 v60, v27;
	v13 =	vsub.f32 v13, v16  }
0xac: {  	v14 =	vsub.f32 v14, v53;
	v16 =	vmul.f32 v5, v5;
	v38 =	vadd.f32 v57, v26  }
0xad: {  	v57 =	vmul.f32 v17, v17;
	v22 =	vadd.f32 $9.999999960e-13, v13;
	v13 =	vadd.f32 v18, v20  }
0xae: {  	v18 =	vmul.f32 s12, v3;
	v20 =	vadd.f32 v56, v26;
	v56 =	vmul.f32 v15, v15  }
0xaf: {  	v16 =	vadd.f32 v41, v16;
	v58 =	vshra.s32 v22, $0x1;
	v22 =	vmul.f32 $5.000000000e-01, v22  }
0xb0: {  	v41 =	vadd.f32 v55, v27;
	v57 =	vadd.f32 v23, v57;
	v54 =	vsub.s32 $0x5F3759DF, v58  }
0xb1: {  	v20 =	vadd.f32 v20, v51;
	v51 =	vmul.f32 v13, v13;
	v37 =	vmul.f32 v54, v22  }
0xb2: {  	v60 =	vld [tilespmem:s5+$0x60];
	v48 =	vadd.f32 v48, v13;
	v18 =	vadd.f32 v40, v18;
	v58 =	vmul.f32 s11, v59  }
0xb3: {  	v19 =	vadd.f32 v19, v56;
	v56 =	vld [tilespmem:s5+$0xFFFFFFE0];
	v51 =	vadd.f32 v16, v51;
	v61 =	vmul.f32 v54, v37  }
0xb4: {  	v40 =	vmul.f32 s12, v59;
	v23 =	vadd.f32 v41, v58;
	v41 =	vadd.f32 v48, v18  }
0xb5: {  	v55 =	vmul.f32 v20, v20;
	v37 =	vadd.f32 v38, v63;
	v63 =	vsub.f32 $1.500000000e+00, v61  }
0xb6: {  	v48 =	vmul.f32 v18, v18;
	v38 =	vmul.f32 s10, v59;
	v59 =	vadd.f32 v21, v20  }
0xb7: {  	v55 =	vadd.f32 v19, v55;
	v19 =	vadd.f32 v60, v1;
	v36 =	vmul.f32 v54, v63;
	v54 =	vld [tilespmem:s5+$0xFFFFFF60]  }
0xb8: {  	v56 =	vadd.f32 v56, v1;
	v60 =	vmul.f32 v23, v23;
	v48 =	vadd.f32 v51, v48  }
0xb9: {  	v61 =	vmul.f32 v37, v37;
	v39 =	vadd.f32 v39, v37;
	v21 =	vmul.f32 v36, v22  }
0xba: {  	v58 =	vmul.f32 s12, v62;
	v59 =	vadd.f32 v59, v23;
	v55 =	vadd.f32 v55, v60  }
0xbb: {  	v57 =	vadd.f32 v57, v61;
	v16 =	vmul.f32 v21, v36;
	v21 =	vadd.f32 v43, v38  }
0xbc: {  	v38 =	vadd.f32 v52, v40;
	v43 =	vmul.f32 s11, v62;
	v52 =	vld [tilespmem:s5+$0xFFFFFF70];
	v40 =	vadd.f32 v54, v1  }
0xbd: {  	v54 =	vmul.f32 s10, v62;
	v16 =	vsub.f32 $1.500000000e+00, v16;
	v61 =	vadd.f32 v39, v21  }
0xbe: {  	v62 =	vld [tilespmem:s5+$0xFFFFFFF0];
	v63 =	vmul.f32 v21, v21;
	v41 =	vadd.f32 v41, v38;
	v40 =	vadd.f32 v40, v43  }
0xbf: {  	v39 =	vadd.f32 v56, v54;
	v43 =	vmul.f32 v38, v38;
	v54 =	vmul.f32 s11, v42  }
0xc0: {  	v56 =	vmul.f32 s10, v42;
	v16 =	vmul.f32 v16, v36;
	v57 =	vadd.f32 v57, v63  }
0xc1: {  	v36 =	vld [tilespmem:s5+$0x70];
	[tilespmem:$0x1FB00] =	vst v14;
	v51 =	vadd.f32 v52, v29;
	v14 =	vmul.f32 v40, v40;
	v60 =	vadd.f32 v61, v39  }
0xc2: {  	v43 =	vadd.f32 v48, v43;
	v1 =	vmul.f32 v16, v22;
	v22 =	vadd.f32 v19, v58  }
0xc3: {  	v61 =	vmul.f32 v39, v39;
	v52 =	vadd.f32 v62, v29;
	v58 =	vadd.f32 v59, v40  }
0xc4: {  	v51 =	vadd.f32 v51, v54;
	v14 =	vadd.f32 v55, v14  }
0xc5: {  	v48 =	vadd.f32 v57, v61;
	v56 =	vadd.f32 v52, v56  }
0xc6: {  	v59 =	vmul.f32 s12, v42;
	v41 =	vadd.f32 v41, v22;
	v36 =	vadd.f32 v36, v29  }
0xc7: {  	v62 =	vmul.f32 v22, v22;
	v63 =	vmul.f32 v51, v51;
	v57 =	vadd.f32 v60, v56  }
0xc8: {  	v19 =	vmul.f32 v1, v16;
	v52 =	vadd.f32 v36, v59;
	v36 =	vadd.f32 v58, v51  }
0xc9: {  	v61 =	vmul.f32 v56, v56;
	v43 =	vadd.f32 v43, v62;
	v14 =	vadd.f32 v14, v63  }
0xca: {  	v41 =	vadd.f32 v41, v52;
	v62 =	vmul.f32 v52, v52;
	v63 =	vperm.xlane v36, v0  }
0xcb: {  	v48 =	vadd.f32 v48, v61;
	v60 =	vperm.xlane v57, v0;
	v61 =	vperm.xlane v14, v0  }
0xcc: {  	v43 =	vadd.f32 v43, v62;
	v62 =	vperm.xlane v41, v0;
	v36 =	vadd.f32 v36, v63  }
0xcd: {  	v55 =	vadd.f32 v57, v60;
	v63 =	vperm.xlane v48, v0;
	v14 =	vadd.f32 v14, v61  }
0xce: {  	v41 =	vadd.f32 v41, v62;
	v54 =	vperm.xlane v43, v0;
	v58 =	vperm.xlane v36, v44  }
0xcf: {  	v1 =	vmovc v42;
	v59 =	vperm.xlane v55, v44;
	v48 =	vadd.f32 v48, v63;
	v57 =	vperm.xlane v14, v44  }
0xd0: {  	v42 =	vmovc v0;
	v0 =	vperm.xlane v41, v44;
	v43 =	vadd.f32 v43, v54;
	v36 =	vadd.f32 v36, v58  }
0xd1: {  	v54 =	vadd.f32 v55, v59;
	v55 =	vperm.xlane v48, v44;
	v14 =	vadd.f32 v14, v57  }
0xd2: {  	v41 =	vadd.f32 v41, v0;
	v0 =	vperm.xlane v43, v44;
	v58 =	vperm.xlane v36, v28  }
0xd3: {  	v59 =	vperm.xlane v54, v28;
	v48 =	vadd.f32 v48, v55;
	v55 =	vperm.xlane v14, v28  }
0xd4: {  	v60 =	vperm.xlane v41, v28;
	v43 =	vadd.f32 v43, v0;
	v36 =	vadd.f32 v36, v58  }
0xd5: {  	v54 =	vadd.f32 v54, v59;
	v0 =	vperm.xlane v48, v28;
	v14 =	vadd.f32 v14, v55  }
0xd6: {  	v61 =	vmovc v44;
	v41 =	vadd.f32 v41, v60;
	v44 =	vperm.xlane v43, v28;
	v58 =	vperm.xlane v36, v24  }
0xd7: {  	v59 =	vperm.xlane v54, v24;
	v48 =	vadd.f32 v48, v0;
	v0 =	vperm.xlane v14, v24  }
0xd8: {  	v60 =	vperm.xlane v41, v24;
	v43 =	vadd.f32 v43, v44;
	v36 =	vadd.f32 v36, v58  }
0xd9: {  	v54 =	vadd.f32 v54, v59;
	v44 =	vperm.xlane v48, v24;
	v14 =	vadd.f32 v14, v0  }
0xda: {  	v41 =	vadd.f32 v41, v60;
	v60 =	vperm.xlane v43, v24;
	v58 =	vmul.f32 $7.812500000e-03, v36  }
0xdb: {  	v54 =	vmul.f32 $7.812500000e-03, v54;
	v62 =	vadd.f32 v48, v44;
	v14 =	vmul.f32 $7.812500000e-03, v14  }
0xdc: {  	v59 =	vmul.f32 $7.812500000e-03, v41;
	v63 =	vmul.f32 v58, v58  }
0xdd: {  	v41 =	vadd.f32 v43, v60;
	v55 =	vsub.f32 v9, v58;
	v9 =	vmul.f32 $7.812500000e-03, v62  }
0xde: {  	v57 =	vmul.f32 v54, v54;
	v62 =	vsub.f32 v8, v58;
	v8 =	vsub.f32 v14, v63  }
0xdf: {  	s10 =	simm.s32 $0x106;
	[tilespmem:$0x1F9C0] =	vst v55;
	v14 =	vmul.f32 $7.812500000e-03, v41;
	v63 =	vmul.f32 v59, v59  }
0xe0: {  	v9 =	vsub.f32 v9, v57;
	v60 =	vld [tilespmem:s10+$0x1];
	v8 =	vadd.f32 $9.999999960e-13, v8  }
0xe1: {  	v43 =	vsub.f32 v12, v58;
	v12 =	vsub.f32 v14, v63  }
0xe2: {  	v9 =	vadd.f32 $9.999999960e-13, v9;
	v44 =	vshra.s32 v8, $0x1;
	v14 =	vmul.f32 $5.000000000e-01, v8  }
0xe3: {  	v48 =	vsub.f32 v15, v58;
	v8 =	vadd.f32 $9.999999960e-13, v12;
	v55 =	vsub.s32 $0x5F3759DF, v44  }
0xe4: {  	v12 =	vshra.s32 v9, $0x1;
	v15 =	vmul.f32 $5.000000000e-01, v9;
	v9 =	vmul.f32 v55, v14  }
0xe5: {  	[tilespmem:$0x1F9F0] =	vst v48;
	v48 =	vsub.f32 v10, v54;
	v57 =	vsub.s32 $0x5F3759DF, v12;
	(v2sf) =	vpush v60, $0x0  }
0xe6: {  	[tilespmem:$0x1F9D0] =	vst v62;
	v60 =	vshra.s32 v8, $0x1;
	v12 =	vmul.f32 $5.000000000e-01, v8;
	v62 =	vmul.f32 v55, v9  }
0xe7: {  	v8 =	vmul.f32 v57, v15;
	v60 =	vsub.s32 $0x5F3759DF, v60;
	v9 =	vsub.f32 v20, v58  }
0xe8: {  	[tilespmem:$0x1F9E0] =	vst v43;
	v20 =	vsub.f32 v23, v58;
	v23 =	vmul.f32 v60, v12;
	v43 =	vsub.f32 $1.500000000e+00, v62  }
0xe9: {  	v63 =	vmul.f32 v57, v8;
	v8 =	vsub.f32 v51, v58;
	v51 =	vsub.f32 v11, v54  }
0xea: {  	v36 =	vsub.f32 v40, v58;
	[tilespmem:$0x1FA00] =	vst v48;
	v58 =	vmul.f32 v55, v43;
	v55 =	vsub.f32 v7, v54  }
0xeb: {  	v10 =	vmul.f32 v60, v23;
	[tilespmem:$0x1FA10] =	vst v51;
	v62 =	vsub.f32 v17, v54  }
0xec: {  	v23 =	vsub.f32 $1.500000000e+00, v63;
	v63 =	vsub.f32 v37, v54;
	[tilespmem:$0x1FA20] =	vst v55  }
0xed: {  	v37 =	vsub.f32 v21, v54;
	v7 =	vsub.f32 $1.500000000e+00, v10;
	v10 =	vld [tilespmem:s10+$0xFFFFFFFF];
	[tilespmem:$0x1FA30] =	vst v62  }
0xee: {  	v40 =	vsub.f32 v39, v54;
	[tilespmem:$0x1FA40] =	vst v63  }
0xef: {  	v41 =	vsub.f32 v56, v54;
	v17 =	vld [tilespmem:s10+$0x0];
	[tilespmem:$0x1FA50] =	vst v37  }
0xf0: {  	v43 =	vsub.f32 v4, v59;
	[tilespmem:$0x1FA60] =	vst v40  }
0xf1: {  	v44 =	vsub.f32 v6, v59;
	v11 =	vmul.f32 v58, v14;
	v21 =	vld [tilespmem:s10+$0xFFFFFFFE];
	[tilespmem:$0x1FA70] =	vst v41  }
0xf2: {  	s21 =	simm.s32 $0x600;
	v48 =	vsub.f32 v5, v59;
	[tilespmem:$0x1FA80] =	vst v43  }
0xf3: {  	v4 =	vmul.f32 v11, v58;
	v11 =	vld [tilespmem:s21+$0x80];
	[tilespmem:$0x1FA90] =	vst v44  }
0xf4: {  	v51 =	vsub.f32 v13, v59;
	[tilespmem:$0x1FAA0] =	vst v48  }
0xf5: {  	v54 =	vsub.f32 v18, v59;
	v5 =	vld [tilespmem:s21+$0x90]  }
0xf6: {  	v55 =	vsub.f32 v38, v59;
	[tilespmem:$0x1FAB0] =	vst v51;
	s11 =	spop (v2sf)  }
0xf7: {  	v56 =	vsub.f32 v22, v59;
	v6 =	vld [tilespmem:s21+$0xA0];
	[tilespmem:$0x1FAC0] =	vst v54;
	s2 =	scvt.s32.f32 s11  }
0xf8: {  	v39 =	vld [tilespmem:$0x1FF00];
	[tilespmem:$0x1FAD0] =	vst v55  }
0xf9: {  	[tilespmem:$0x1FAE0] =	vst v56;
	(v2sf) =	vpush v10, $0x0;
	v11 =	vadd.f32 v11, v32;
	v13 =	vmul.f32 s2, v30  }
0xfa: {  	v10 =	vld [tilespmem:s21+$0xB0];
	(v2sf) =	vpush v17, $0x0;
	v5 =	vadd.f32 v5, v33;
	v17 =	vmul.f32 s2, v47  }
0xfb: {  	v62 =	vadd.f32 v13, v11  }
0xfc: {  	v18 =	vld [tilespmem:s21+$0xC0];
	v22 =	vadd.f32 v17, v5  }
0xfd: {  	(v2sf) =	vpush v21, $0x0;
	v21 =	vmul.f32 s2, v39;
	v6 =	vadd.f32 v6, v34;
	[tilespmem:$0x1FB80] =	vst v62  }
0xfe: {  	v40 =	vld [tilespmem:$0x1FFB0];
	[tilespmem:$0x1FB90] =	vst v22  }
0xff: {  	v63 =	vadd.f32 v21, v6;
	v6 =	vadd.f32 v10, v25;
	v10 =	vmul.f32 s2, v2;
	v5 =	vld [tilespmem:s21+$0xD0]  }
0x100: {  	v13 =	vmul.f32 v62, v62;
	v17 =	vadd.f32 v22, v62;
	v21 =	vmul.f32 v22, v22;
	v11 =	vld [tilespmem:s21+$0xE0]  }
0x101: {  	v22 =	vadd.f32 v10, v6;
	v6 =	vadd.f32 v18, v26;
	v10 =	vmul.f32 s2, v3;
	v18 =	vld [tilespmem:s21+$0xF0]  }
0x102: {  	[tilespmem:$0x1FBA0] =	vst v63;
	v13 =	vadd.f32 v21, v13;
	v17 =	vadd.f32 v17, v63;
	v21 =	vmul.f32 v63, v63;
	v63 =	vld [tilespmem:$0x1FF60]  }
0x103: {  	v0 =	vadd.f32 v6, v10  }
0x104: {  	v10 =	vadd.f32 v13, v21;
	v13 =	vadd.f32 v17, v22;
	v17 =	vmul.f32 v22, v22  }
0x105: {  	v6 =	vmul.f32 s2, v40;
	v5 =	vadd.f32 v5, v27  }
0x106: {  	v10 =	vadd.f32 v10, v17  }
0x107: {  	v21 =	vadd.f32 v5, v6;
	v5 =	vadd.f32 v11, v63;
	v11 =	vmul.f32 v0, v0  }
0x108: {  	v38 =	vld [tilespmem:$0x1FE00]  }
0x109: {  	v10 =	vadd.f32 v10, v11;
	v11 =	vld [tilespmem:$0x1F980];
	_ =	sdelay $0x3  }
0x10a: {  	v6 =	vmul.f32 s2, v38  }
0x10b: {  	v11 =	vsub.f32 v11, v53  }
0x10c: {  	[tilespmem:$0x1FBB0] =	vst v22;
	v22 =	vadd.f32 v5, v6;
	v5 =	vadd.f32 v18, v29;
	v6 =	vmul.f32 s2, v1  }
0x10d: {  	v46 =	vsub.f32 v46, v53;
	v17 =	vmul.f32 v21, v21;
	[tilespmem:$0x1FB10] =	vst v11;
	v11 =	vld [tilespmem:$0x1F990]  }
0x10e: {  	v41 =	vsub.f32 v52, v59;
	v43 =	vadd.f32 v5, v6  }
0x10f: {  	v44 =	vld [tilespmem:$0x1F9A0];
	v5 =	vadd.f32 v10, v17;
	v6 =	vmul.f32 v22, v22;
	v10 =	vmul.f32 v57, v23  }
0x110: {  	v19 =	vsub.f32 $1.500000000e+00, v19;
	[tilespmem:$0x1FAF0] =	vst v41;
	v13 =	vadd.f32 v13, v0  }
0x111: {  	[tilespmem:$0x1FBC0] =	vst v0;
	s12 =	spop (v2sf);
	v5 =	vadd.f32 v5, v6;
	v6 =	vmul.f32 v43, v43;
	v18 =	vmul.f32 v10, v15  }
0x112: {  	v4 =	vsub.f32 $1.500000000e+00, v4;
	v51 =	vmul.f32 v19, v16;
	s18 =	scvt.s32.f32 s12;
	[tilespmem:$0x1FBD0] =	vst v21;
	v11 =	vsub.f32 v11, v53  }
0x113: {  	v48 =	vld [tilespmem:$0x1F9B0];
	s13 =	spop (v2sf);
	v13 =	vadd.f32 v13, v21;
	[tilespmem:$0x1FBE0] =	vst v22;
	v5 =	vadd.f32 v5, v6;
	v18 =	vmul.f32 v18, v10  }
0x114: {  	v4 =	vmul.f32 v4, v58;
	v0 =	vsub.f32 v44, v53;
	s10 =	scvt.s32.f32 s13;
	v37 =	vmul.f32 s18, v47;
	[tilespmem:$0x1FB20] =	vst v11  }
0x115: {  	s19 =	spop (v2sf);
	v13 =	vadd.f32 v13, v22;
	v22 =	vperm.xlane v5, v42;
	v18 =	vsub.f32 $1.500000000e+00, v18;
	v16 =	vld [tilespmem:s21+$0xFFFFFF00];
	[tilespmem:$0x1FB70] =	vst v43  }
0x116: {  	v52 =	vsub.f32 v49, v53;
	s22 =	scvt.s32.f32 s19;
	v62 =	vmul.f32 s10, v30;
	v17 =	vmul.f32 v60, v7;
	[tilespmem:$0x1FB30] =	vst v0  }
0x117: {  	v23 =	vmul.f32 s18, v30;
	v5 =	vadd.f32 v5, v22;
	v18 =	vmul.f32 v18, v10;
	[tilespmem:$0x1FB40] =	vst v46;
	v11 =	vmovc v43  }
0x118: {  	v54 =	vmul.f32 s22, v30;
	v0 =	vsub.f32 v48, v53;
	v7 =	vld [tilespmem:s21+$0xFFFFFF10];
	v13 =	vadd.f32 v13, v11  }
0x119: {  	v60 =	vperm.xlane v5, v61;
	v15 =	vmul.f32 v18, v15;
	v19 =	vld [tilespmem:s21+$0xFFFFFF80];
	[tilespmem:$0x1FB60] =	vst v52  }
0x11a: {  	v41 =	vmul.f32 s22, v2;
	[tilespmem:$0x1FB50] =	vst v0;
	v21 =	vperm.xlane v13, v42  }
0x11b: {  	v5 =	vadd.f32 v5, v60;
	v60 =	vmul.f32 s22, v39;
	v15 =	vmul.f32 v15, v18;
	v6 =	vld [tilespmem:s21+$0xFFFFFF90]  }
0x11c: {  	v53 =	vsub.f32 v45, v53;
	v45 =	vmul.f32 s10, v2;
	v22 =	vld [tilespmem:s21+$0x10];
	v13 =	vadd.f32 v13, v21  }
0x11d: {  	v11 =	vmovc v42;
	v42 =	vld [tilespmem:s21+$0x0];
	v16 =	vadd.f32 v16, v32;
	v21 =	vmul.f32 s22, v47;
	v7 =	vadd.f32 v7, v33  }
0x11e: {  	v15 =	vsub.f32 $1.500000000e+00, v15;
	v19 =	vadd.f32 v19, v32;
	v55 =	vperm.xlane v13, v61  }
0x11f: {  	v43 =	vmul.f32 s18, v2;
	v58 =	vadd.f32 v54, v16;
	v57 =	vadd.f32 v21, v7;
	v7 =	vld [tilespmem:s21+$0xFFFFFFA0]  }
0x120: {  	v16 =	vmul.f32 s10, v47;
	v6 =	vadd.f32 v6, v33;
	v21 =	vld [tilespmem:s21+$0x20];
	v13 =	vadd.f32 v13, v55  }
0x121: {  	v46 =	vadd.f32 v23, v19;
	v19 =	vperm.xlane v5, v28;
	v22 =	vadd.f32 v22, v33  }
0x122: {  	v42 =	vadd.f32 v42, v32;
	v30 =	vadd.f32 v37, v6;
	v6 =	vperm.xlane v13, v28  }
0x123: {  	v23 =	vmul.f32 s18, v39;
	v5 =	vadd.f32 v5, v19;
	v55 =	vadd.f32 v16, v22  }
0x124: {  	v48 =	vmovc v61;
	v61 =	vld [tilespmem:s21+$0xFFFFFF20];
	v19 =	vmul.f32 v58, v58;
	v7 =	vadd.f32 v7, v34;
	v6 =	vadd.f32 v13, v6  }
0x125: {  	v22 =	vperm.xlane v5, v24;
	v16 =	vadd.f32 v21, v34;
	v13 =	vmul.f32 s10, v39  }
0x126: {  	v0 =	vadd.f32 v62, v42;
	v44 =	vadd.f32 v23, v7;
	v23 =	vld [tilespmem:s21+$0xFFFFFF30];
	v21 =	vperm.xlane v6, v24  }
0x127: {  	v5 =	vadd.f32 v5, v22;
	v52 =	vadd.f32 v13, v16;
	v13 =	vmul.f32 v57, v57  }
0x128: {  	v16 =	vmul.f32 v46, v46;
	v6 =	vadd.f32 v6, v21;
	v21 =	vmul.f32 v30, v30  }
0x129: {  	v61 =	vadd.f32 v61, v34;
	v22 =	vmul.f32 v55, v55;
	v13 =	vadd.f32 v13, v19;
	v19 =	vld [tilespmem:s21+$0xFFFFFFB0]  }
0x12a: {  	v5 =	vmul.f32 $7.812500000e-03, v5;
	v42 =	vmul.f32 $7.812500000e-03, v6;
	v16 =	vadd.f32 v21, v16  }
0x12b: {  	v7 =	vmovc v0;
	v6 =	vld [tilespmem:s21+$0x30];
	v21 =	vmul.f32 v0, v0;
	v23 =	vadd.f32 v23, v25;
	v0 =	vmul.f32 v17, v12  }
0x12c: {  	v47 =	vadd.f32 v60, v61;
	v39 =	vmul.f32 v44, v44;
	v62 =	vmul.f32 v42, v42  }
0x12d: {  	v10 =	vadd.f32 v22, v21;
	v41 =	vadd.f32 v41, v23;
	v22 =	vmul.f32 v0, v17;
	v23 =	vld [tilespmem:s21+$0xFFFFFF40]  }
0x12e: {  	v37 =	vld [tilespmem:s21+$0xFFFFFFC0];
	v2 =	vmul.f32 v47, v47;
	v16 =	vadd.f32 v16, v39;
	v19 =	vadd.f32 v19, v25  }
0x12f: {  	v0 =	vld [tilespmem:s21+$0x40];
	v21 =	vsub.f32 v5, v62;
	v22 =	vsub.f32 $1.500000000e+00, v22;
	v56 =	vmul.f32 v41, v41  }
0x130: {  	v6 =	vadd.f32 v6, v25;
	v62 =	vadd.f32 v43, v19;
	v19 =	vmul.f32 v52, v52  }
0x131: {  	v43 =	vmul.f32 s18, v3;
	v17 =	vmul.f32 v22, v17;
	v22 =	vadd.f32 v13, v2  }
0x132: {  	v49 =	vld [tilespmem:s21+$0x50];
	v45 =	vadd.f32 v45, v6;
	v13 =	vadd.f32 v23, v26;
	v23 =	vmul.f32 s22, v3  }
0x133: {  	v19 =	vadd.f32 v10, v19;
	v10 =	vmul.f32 v4, v14;
	v14 =	vadd.f32 v37, v26;
	v37 =	vld [tilespmem:s21+$0xFFFFFFD0]  }
0x134: {  	v60 =	vadd.f32 v0, v26;
	v0 =	vmul.f32 v62, v62;
	v39 =	vadd.f32 v13, v23;
	v23 =	vld [tilespmem:s21+$0xFFFFFF50]  }
0x135: {  	v54 =	vadd.f32 v14, v43;
	v14 =	vmul.f32 v10, v4;
	v2 =	vmul.f32 v45, v45  }
0x136: {  	v61 =	vmul.f32 s10, v3;
	v3 =	vld [tilespmem:$0x1F9D0];
	v22 =	vadd.f32 v22, v56;
	v56 =	vadd.f32 v16, v0  }
0x137: {  	v18 =	vmul.f32 v15, v18;
	v14 =	vsub.f32 $1.500000000e+00, v14;
	v15 =	vadd.f32 v19, v2  }
0x138: {  	v16 =	vmul.f32 s22, v40;
	v19 =	vadd.f32 v37, v27;
	v37 =	vadd.f32 v49, v27  }
0x139: {  	v49 =	vmul.f32 s18, v40;
	v4 =	vmul.f32 v14, v4;
	v14 =	vadd.f32 v23, v27  }
0x13a: {  	v23 =	vld [tilespmem:s21+$0xFFFFFF60]  }
0x13b: {  	v3 =	vmul.f32 v4, v3;
	v16 =	vadd.f32 v14, v16;
	v14 =	vadd.f32 v19, v49;
	v19 =	vld [tilespmem:s21+$0xFFFFFFE0]  }
0x13c: {  	v49 =	vld [tilespmem:s21+$0x60]  }
0x13d: {  	[tilespmem:$0x1FBF0] =	vst v3;
	v3 =	vld [tilespmem:$0x1F9E0];
	_ =	sdelay $0x4  }
0x13e: {  	v3 =	vmul.f32 v4, v3  }
0x13f: {  	v43 =	vadd.f32 v60, v61;
	v60 =	vld [tilespmem:$0x1F9C0]  }
0x140: {  	[tilespmem:$0x1FC00] =	vst v3;
	v3 =	vld [tilespmem:$0x1F9F0]  }
0x141: {  	v2 =	vmul.f32 v54, v54;
	v40 =	vmul.f32 s10, v40  }
0x142: {  	v61 =	vmul.f32 s22, v38;
	v0 =	vmul.f32 v39, v39  }
0x143: {  	v40 =	vadd.f32 v37, v40;
	v37 =	vadd.f32 v56, v2;
	v56 =	vmul.f32 v43, v43  }
0x144: {  	v22 =	vadd.f32 v22, v0;
	v27 =	vmul.f32 v4, v60;
	v23 =	vadd.f32 v23, v63  }
0x145: {  	v56 =	vadd.f32 v15, v56;
	v60 =	vmul.f32 v16, v16;
	v3 =	vmul.f32 v4, v3  }
0x146: {  	v15 =	vmul.f32 s18, v38;
	v59 =	vadd.f32 v23, v61;
	v23 =	vadd.f32 v49, v63  }
0x147: {  	v49 =	vmul.f32 s10, v38;
	v38 =	vmul.f32 v4, v8;
	v8 =	vadd.f32 v22, v60;
	v60 =	vld [tilespmem:$0x1FA00];
	[tilespmem:$0x1FC10] =	vst v3  }
0x148: {  	v3 =	vmul.f32 v4, v20;
	v20 =	vld [tilespmem:s21+$0xFFFFFF70];
	_ =	sdelay $0x2  }
0x149: {  	v61 =	vld [tilespmem:$0x1FA10]  }
0x14a: {  	v26 =	vmul.f32 v4, v9;
	v36 =	vmul.f32 v4, v36;
	v9 =	vadd.f32 v19, v63  }
0x14b: {  	v63 =	vmul.f32 s22, v1;
	v0 =	vmul.f32 v18, v60;
	v60 =	vld [tilespmem:$0x1FA20];
	v20 =	vadd.f32 v20, v29  }
0x14c: {  	[tilespmem:$0x1FC20] =	vst v36  }
0x14d: {  	[tilespmem:$0x1FC30] =	vst v38;
	v13 =	vadd.f32 v20, v63;
	v63 =	vld [tilespmem:$0x1FA40]  }
0x14e: {  	v22 =	vld [tilespmem:s21+$0xFFFFFFF0];
	[tilespmem:$0x1FC40] =	vst v0;
	v0 =	vmul.f32 v18, v61  }
0x14f: {  	v36 =	vld [tilespmem:$0x1FA50]  }
0x150: {  	v19 =	vadd.f32 v9, v15;
	v15 =	vadd.f32 v23, v49;
	v23 =	vld [tilespmem:s21+$0x70];
	[tilespmem:$0x1FC50] =	vst v0;
	v0 =	vmul.f32 v18, v60  }
0x151: {  	v38 =	vld [tilespmem:$0x1FA60]  }
0x152: {  	[tilespmem:$0x1FC60] =	vst v0;
	v0 =	vmul.f32 v18, v63  }
0x153: {  	v9 =	vmul.f32 v14, v14;
	v4 =	vmul.f32 v40, v40  }
0x154: {  	[tilespmem:$0x1FC70] =	vst v0;
	v0 =	vmul.f32 v18, v36  }
0x155: {  	v12 =	vmul.f32 v17, v12;
	v9 =	vadd.f32 v37, v9;
	v37 =	vadd.f32 v56, v4  }
0x156: {  	v56 =	vmul.f32 s10, v1;
	v23 =	vadd.f32 v23, v29;
	[tilespmem:$0x1FC80] =	vst v0;
	v0 =	vmul.f32 v18, v38;
	v38 =	vld [tilespmem:$0x1FA70]  }
0x157: {  	v12 =	vmul.f32 v12, v17;
	v61 =	vld [tilespmem:$0x1FA30]  }
0x158: {  	v23 =	vadd.f32 v23, v56;
	v56 =	vld [tilespmem:$0x1FA80]  }
0x159: {  	v12 =	vsub.f32 $1.500000000e+00, v12  }
0x15a: {  	v60 =	vld [tilespmem:$0x1FA90]  }
0x15b: {  	v17 =	vmul.f32 v12, v17;
	[tilespmem:$0x1FC90] =	vst v0;
	v0 =	vmul.f32 v18, v38  }
0x15c: {  	v49 =	vmul.f32 v18, v61;
	v61 =	vld [tilespmem:$0x1FAA0];
	v20 =	vadd.f32 v22, v29;
	v22 =	vmul.f32 s18, v1  }
0x15d: {  	v36 =	vadd.f32 v57, v58;
	[tilespmem:$0x1FCA0] =	vst v0;
	v0 =	vmul.f32 v17, v56  }
0x15e: {  	v4 =	vmul.f32 v19, v19;
	v22 =	vadd.f32 v20, v22;
	v56 =	vld [tilespmem:$0x1FAB0]  }
0x15f: {  	v20 =	vmul.f32 v59, v59;
	v18 =	vadd.f32 v36, v47;
	[tilespmem:$0x1FCB0] =	vst v0;
	v0 =	vmul.f32 v17, v60  }
0x160: {  	v5 =	vadd.f32 v9, v4;
	v9 =	vadd.f32 $9.999999960e-13, v21;
	v60 =	vld [tilespmem:$0x1FAC0]  }
0x161: {  	v8 =	vadd.f32 v8, v20;
	v18 =	vadd.f32 v18, v41;
	[tilespmem:$0x1FCC0] =	vst v0;
	v0 =	vmul.f32 v17, v61  }
0x162: {  	v21 =	vmul.f32 $5.000000000e-01, v9;
	v20 =	vadd.f32 v30, v46;
	v63 =	vadd.f32 v55, v7;
	v61 =	vld [tilespmem:$0x1FAD0]  }
0x163: {  	v1 =	vshra.s32 v9, $0x1;
	v9 =	vadd.f32 v18, v39;
	[tilespmem:$0x1FCD0] =	vst v0;
	v0 =	vmul.f32 v17, v56  }
0x164: {  	v18 =	vadd.f32 v20, v44;
	v20 =	vadd.f32 v63, v52;
	v63 =	vld [tilespmem:$0x1FAE0]  }
0x165: {  	[tilespmem:$0x1FCE0] =	vst v0;
	v0 =	vmul.f32 v17, v60;
	_ =	sdelay $0x1  }
0x166: {  	v36 =	vsub.s32 $0x5F3759DF, v1;
	[tilespmem:$0x1FCF0] =	vst v0;
	v0 =	vmul.f32 v17, v61  }
0x167: {  	v38 =	vmul.f32 v36, v21  }
0x168: {  	v9 =	vadd.f32 v9, v16;
	[tilespmem:$0x1FD00] =	vst v0;
	v0 =	vmul.f32 v17, v63;
	v63 =	vld [tilespmem:$0x1FAF0]  }
0x169: {  	v38 =	vmul.f32 v36, v38;
	v18 =	vadd.f32 v18, v62  }
0x16a: {  	v20 =	vadd.f32 v20, v45;
	v9 =	vadd.f32 v9, v59  }
0x16b: {  	v38 =	vsub.f32 $1.500000000e+00, v38;
	v18 =	vadd.f32 v18, v54;
	v56 =	vmul.f32 v13, v13  }
0x16c: {  	v20 =	vadd.f32 v20, v43;
	v9 =	vadd.f32 v9, v13  }
0x16d: {  	v8 =	vadd.f32 v8, v56;
	[tilespmem:$0x1FD10] =	vst v0;
	v0 =	vmul.f32 v17, v63;
	v17 =	vadd.f32 v18, v14  }
0x16e: {  	v12 =	vmul.f32 v36, v38;
	v56 =	vperm.xlane v9, v11;
	v18 =	vadd.f32 v20, v40  }
0x16f: {  	v36 =	vmul.f32 v23, v23;
	v61 =	vperm.xlane v8, v11;
	v17 =	vadd.f32 v17, v19  }
0x170: {  	v9 =	vadd.f32 v9, v56;
	v20 =	vmul.f32 v15, v15;
	v18 =	vadd.f32 v18, v15  }
0x171: {  	v8 =	vadd.f32 v8, v61;
	v63 =	vmul.f32 v22, v22;
	v17 =	vadd.f32 v17, v22  }
0x172: {  	[tilespmem:$0x1FD20] =	vst v0;
	v20 =	vadd.f32 v37, v20;
	v0 =	vperm.xlane v9, v48;
	v18 =	vadd.f32 v18, v23  }
0x173: {  	v5 =	vadd.f32 v5, v63;
	v63 =	vperm.xlane v8, v48;
	v1 =	vperm.xlane v17, v11  }
0x174: {  	v20 =	vadd.f32 v20, v36;
	v9 =	vadd.f32 v9, v0;
	v56 =	vperm.xlane v18, v11  }
0x175: {  	v0 =	vperm.xlane v5, v11;
	v8 =	vadd.f32 v8, v63;
	v17 =	vadd.f32 v17, v1  }
0x176: {  	v38 =	vperm.xlane v9, v28;
	v18 =	vadd.f32 v18, v56;
	v1 =	vperm.xlane v20, v11  }
0x177: {  	v5 =	vadd.f32 v5, v0;
	v61 =	vperm.xlane v8, v28;
	v56 =	vperm.xlane v17, v48  }
0x178: {  	v9 =	vadd.f32 v9, v38;
	v60 =	vperm.xlane v18, v48;
	v20 =	vadd.f32 v20, v1  }
0x179: {  	v63 =	vperm.xlane v5, v48;
	v8 =	vadd.f32 v8, v61;
	v17 =	vadd.f32 v17, v56  }
0x17a: {  	v38 =	vperm.xlane v9, v24;
	v18 =	vadd.f32 v18, v60;
	v0 =	vperm.xlane v20, v48  }
0x17b: {  	v5 =	vadd.f32 v5, v63;
	v48 =	vperm.xlane v8, v24;
	v1 =	vperm.xlane v17, v28  }
0x17c: {  	v9 =	vadd.f32 v9, v38;
	v60 =	vperm.xlane v18, v28;
	v20 =	vadd.f32 v20, v0  }
0x17d: {  	v61 =	vld [tilespmem:$0x1FB10];
	v56 =	vperm.xlane v5, v28;
	v8 =	vadd.f32 v8, v48;
	v17 =	vadd.f32 v17, v1  }
0x17e: {  	v18 =	vadd.f32 v18, v60;
	v60 =	vmul.f32 $7.812500000e-03, v9;
	v9 =	vperm.xlane v20, v28  }
0x17f: {  	v53 =	vmul.f32 v51, v53;
	v63 =	vld [tilespmem:$0x1FB20];
	v5 =	vadd.f32 v5, v56;
	v8 =	vmul.f32 $7.812500000e-03, v8  }
0x180: {  	v0 =	vperm.xlane v17, v24;
	v9 =	vadd.f32 v20, v9;
	v20 =	vmul.f32 v60, v60  }
0x181: {  	v48 =	vperm.xlane v5, v24;
	v1 =	vperm.xlane v18, v24  }
0x182: {  	v28 =	vmul.f32 v51, v61;
	v4 =	vadd.f32 v17, v0;
	v8 =	vsub.f32 v8, v20  }
0x183: {  	v37 =	vld [tilespmem:$0x1FB40];
	v5 =	vadd.f32 v5, v48;
	v18 =	vadd.f32 v18, v1;
	v17 =	vperm.xlane v9, v24  }
0x184: {  	v36 =	vld [tilespmem:$0x1FB30];
	v0 =	vmul.f32 v51, v63;
	v4 =	vmul.f32 $7.812500000e-03, v4;
	v8 =	vadd.f32 $9.999999960e-13, v8  }
0x185: {  	v2 =	vmovc v7;
	v38 =	vld [tilespmem:$0x1FB50];
	v9 =	vadd.f32 v9, v17;
	v7 =	vmul.f32 $7.812500000e-03, v18;
	v18 =	vmul.f32 $7.812500000e-03, v5  }
0x186: {  	v56 =	vld [tilespmem:$0x1FB00];
	v17 =	vshra.s32 v8, $0x1;
	v11 =	vmul.f32 $5.000000000e-01, v8;
	v8 =	vmul.f32 v4, v4  }
0x187: {  	v48 =	vld [tilespmem:$0x1FB60];
	v9 =	vmul.f32 $7.812500000e-03, v9;
	v6 =	vmul.f32 v7, v7;
	v5 =	vsub.s32 $0x5F3759DF, v17  }
0x188: {  	[tilespmem:$0x1FD30] =	vst v0;
	v0 =	vmul.f32 v51, v37;
	v10 =	vsub.f32 v18, v8;
	v8 =	vmul.f32 v5, v11  }
0x189: {  	v24 =	vmul.f32 v51, v36;
	v36 =	vsub.f32 v58, v60;
	v9 =	vsub.f32 v9, v6  }
0x18a: {  	v37 =	vsub.f32 v57, v60;
	[tilespmem:$0x1FD40] =	vst v0;
	v0 =	vmul.f32 v51, v38;
	v8 =	vmul.f32 v5, v8  }
0x18b: {  	v20 =	vmul.f32 v51, v56;
	v10 =	vadd.f32 $9.999999960e-13, v10;
	v9 =	vadd.f32 $9.999999960e-13, v9  }
0x18c: {  	[tilespmem:$0x1FD50] =	vst v0;
	v6 =	vmul.f32 v12, v21;
	v0 =	vmul.f32 v51, v48;
	v8 =	vsub.f32 $1.500000000e+00, v8  }
0x18d: {  	v56 =	vshra.s32 v10, $0x1;
	v10 =	vmul.f32 $5.000000000e-01, v10;
	v61 =	vshra.s32 v9, $0x1  }
0x18e: {  	v9 =	vmul.f32 $5.000000000e-01, v9;
	v51 =	vsub.s32 $0x5F3759DF, v56;
	v5 =	vmul.f32 v5, v8  }
0x18f: {  	v6 =	vmul.f32 v6, v12;
	v8 =	vsub.s32 $0x5F3759DF, v61;
	v63 =	vmul.f32 v51, v10  }
0x190: {  	v38 =	vsub.f32 v62, v4;
	[tilespmem:$0x1FD70] =	vst v0;
	v0 =	vmul.f32 v8, v9;
	v1 =	vmul.f32 v5, v11  }
0x191: {  	[tilespmem:$0x1FD90] =	vst v53;
	v62 =	vsub.f32 v52, v7;
	v6 =	vsub.f32 $1.500000000e+00, v6;
	v53 =	vmul.f32 v51, v63  }
0x192: {  	v17 =	vsub.f32 v47, v60;
	v58 =	vmul.f32 v8, v0;
	v57 =	vmul.f32 v1, v5  }
0x193: {  	v18 =	vsub.f32 v16, v60;
	v6 =	vmul.f32 v6, v12;
	v53 =	vsub.f32 $1.500000000e+00, v53  }
0x194: {  	v52 =	vld [tilespmem:$0x1FB70];
	v16 =	vsub.f32 $1.500000000e+00, v58;
	v47 =	vsub.f32 $1.500000000e+00, v57  }
0x195: {  	v12 =	vsub.f32 v13, v60;
	v13 =	vmul.f32 v6, v21;
	v53 =	vmul.f32 v51, v53  }
0x196: {  	v8 =	vmul.f32 v8, v16;
	v16 =	vmul.f32 v47, v5  }
0x197: {  	v41 =	vsub.f32 v41, v60;
	v5 =	vmul.f32 v13, v6;
	v13 =	vmul.f32 v53, v10  }
0x198: {  	v39 =	vsub.f32 v39, v60;
	v48 =	vsub.f32 v14, v4  }
0x199: {  	v56 =	vsub.f32 v22, v4;
	v22 =	vsub.f32 v52, v42;
	v13 =	vmul.f32 v13, v53  }
0x19a: {  	v25 =	vld [tilespmem:$0x1FDC0];
	v61 =	vsub.f32 v2, v7;
	v21 =	vsub.f32 v46, v4  }
0x19b: {  	v52 =	vld [tilespmem:$0x1FBD0];
	v46 =	vsub.f32 v30, v4;
	v13 =	vsub.f32 $1.500000000e+00, v13  }
0x19c: {  	v63 =	vsub.f32 v45, v7;
	v0 =	vsub.f32 v59, v60;
	v58 =	vld [tilespmem:$0x1FBB0]  }
0x19d: {  	v60 =	vsub.f32 v15, v7;
	v14 =	vmul.f32 v16, v11;
	v13 =	vmul.f32 v13, v53;
	v53 =	vld [tilespmem:$0x1FB80]  }
0x19e: {  	v45 =	vld [tilespmem:$0x1FBC0];
	v59 =	vsub.f32 v23, v7;
	v15 =	vmul.f32 v27, v31;
	v57 =	vsub.f32 v19, v4  }
0x19f: {  	v51 =	vsub.f32 v55, v7;
	v55 =	vld [tilespmem:$0x1FBA0];
	v5 =	vsub.f32 $1.500000000e+00, v5;
	v14 =	vmul.f32 v14, v16  }
0x1a0: {  	v27 =	vld [tilespmem:$0x1FDE0];
	v47 =	vsub.f32 v44, v4;
	v44 =	vsub.f32 v54, v4;
	v4 =	vmul.f32 v8, v9  }
0x1a1: {  	[tilespmem:$0x1FDB0] =	vst v51;
	v54 =	vld [tilespmem:$0x1FB90];
	v51 =	vmul.f32 v5, v6;
	v6 =	vsub.f32 v40, v7;
	v14 =	vsub.f32 $1.500000000e+00, v14  }
0x1a2: {  	v4 =	vmul.f32 v4, v8;
	v40 =	vsub.f32 v53, v42;
	v53 =	vsub.f32 v58, v42;
	v58 =	vld [tilespmem:$0x1FBE0]  }
0x1a3: {  	v5 =	vsub.f32 v43, v7;
	v7 =	vmul.f32 v14, v16;
	v14 =	vmul.f32 v20, v25;
	v20 =	vld [tilespmem:$0x1FEB0]  }
0x1a4: {  	v55 =	vsub.f32 v55, v42  }
0x1a5: {  	v4 =	vsub.f32 $1.500000000e+00, v4;
	v14 =	vadd.f32 v14, v27  }
0x1a6: {  	s5 =	simm.s32 $0x8400;
	v43 =	vsub.f32 v54, v42;
	v54 =	vsub.f32 v45, v42;
	v45 =	vld [tilespmem:$0x1FC00]  }
0x1a7: {  	v8 =	vmul.f32 v4, v8;
	v4 =	vsub.f32 v52, v42;
	v52 =	vsub.f32 v58, v42;
	v42 =	vld [tilespmem:$0x1FBF0];
	[tilespmem:s5+$0xF0] =	vst v14  }
0x1a8: {  	v15 =	vadd.f32 v15, v20;
	v11 =	vld [tilespmem:$0x1FE20]  }
0x1a9: {  	v1 =	vld [tilespmem:$0x1FEC0]  }
0x1aa: {  	v10 =	vmul.f32 v13, v10;
	v58 =	vld [tilespmem:$0x1FC10];
	[tilespmem:s5+$0xFFFFFF00] =	vst v15  }
0x1ab: {  	v9 =	vmul.f32 v8, v9;
	v2 =	vld [tilespmem:$0x1FEA0]  }
0x1ac: {  	v10 =	vmul.f32 v10, v13;
	v16 =	vmul.f32 v42, v35;
	_ =	sdelay $0x1  }
0x1ad: {  	v9 =	vmul.f32 v9, v8;
	v10 =	vsub.f32 $1.500000000e+00, v10;
	v16 =	vadd.f32 v16, v1;
	_ =	sdelay $0x1  }
0x1ae: {  	v20 =	vsub.f32 $1.500000000e+00, v9;
	v9 =	vmul.f32 v10, v13;
	v13 =	vmul.f32 v26, v2;
	v26 =	vld [tilespmem:$0x1FDD0];
	[tilespmem:s5+$0xFFFFFF10] =	vst v16  }
0x1af: {  	v19 =	vmul.f32 v45, v50;
	v45 =	vld [tilespmem:$0x1FE30];
	_ =	sdelay $0x4  }
0x1b0: {  	v10 =	vmul.f32 v20, v8;
	v15 =	vadd.f32 v19, v26;
	v8 =	vmul.f32 v3, v45;
	v3 =	vld [tilespmem:$0x1FED0];
	_ =	sdelay $0x1  }
0x1b1: {  	[tilespmem:s5+$0xFFFFFF20] =	vst v15  }
0x1b2: {  	v14 =	vmul.f32 v58, v11;
	v29 =	vld [tilespmem:$0x1FEE0];
	_ =	sdelay $0x1  }
0x1b3: {  	v58 =	vld [tilespmem:$0x1FE40];
	v14 =	vadd.f32 v14, v3  }
0x1b4: {  	v15 =	vld [tilespmem:$0x1FC20]  }
0x1b5: {  	v16 =	vld [tilespmem:$0x1FC30];
	[tilespmem:s5+$0xFFFFFF30] =	vst v14  }
0x1b6: {  	v13 =	vadd.f32 v13, v29;
	v14 =	vld [tilespmem:$0x1FC40]  }
0x1b7: {  	v19 =	vld [tilespmem:$0x1FC50]  }
0x1b8: {  	v42 =	vld [tilespmem:$0x1FE50];
	[tilespmem:s5+$0xFFFFFF40] =	vst v13  }
0x1b9: {  	v30 =	vld [tilespmem:$0x1FE60];
	_ =	sdelay $0x2  }
0x1ba: {  	v15 =	vmul.f32 v15, v58  }
0x1bb: {  	v8 =	vadd.f32 v8, v42  }
0x1bc: {  	v15 =	vadd.f32 v15, v30  }
0x1bd: {  	v13 =	vld [tilespmem:$0x1FC60];
	[tilespmem:s5+$0xFFFFFF50] =	vst v8  }
0x1be: {  	v8 =	vld [tilespmem:$0x1FC70];
	[tilespmem:s5+$0xFFFFFF60] =	vst v15  }
0x1bf: {  	v15 =	vld [tilespmem:$0x1FEB0];
	_ =	sdelay $0x1  }
0x1c0: {  	v16 =	vmul.f32 v16, v25  }
0x1c1: {  	v14 =	vmul.f32 v14, v31  }
0x1c2: {  	v16 =	vadd.f32 v16, v27;
	v19 =	vmul.f32 v19, v35  }
0x1c3: {  	v20 =	vmul.f32 v7, v36;
	v36 =	vadd.f32 v14, v15  }
0x1c4: {  	[tilespmem:s5+$0xFFFFFF70] =	vst v16;
	v14 =	vmul.f32 v7, v17;
	v17 =	vadd.f32 v19, v1  }
0x1c5: {  	[tilespmem:s5+$0xFFFFFF80] =	vst v36  }
0x1c6: {  	v13 =	vmul.f32 v13, v50;
	[tilespmem:s5+$0xFFFFFF90] =	vst v17  }
0x1c7: {  	v23 =	vmul.f32 v49, v11;
	v15 =	vmul.f32 v7, v41;
	v41 =	vld [tilespmem:$0x1FC80]  }
0x1c8: {  	v36 =	vadd.f32 v13, v26  }
0x1c9: {  	v17 =	vadd.f32 v23, v3  }
0x1ca: {  	v12 =	vmul.f32 v7, v12;
	v49 =	vmul.f32 v7, v37;
	[tilespmem:s5+$0xFFFFFFA0] =	vst v36  }
0x1cb: {  	v16 =	vmul.f32 v7, v39;
	v19 =	vmul.f32 v7, v18;
	v37 =	vld [tilespmem:$0x1FC90];
	[tilespmem:s5+$0xFFFFFFB0] =	vst v17  }
0x1cc: {  	v13 =	vmul.f32 v7, v0;
	v7 =	vmul.f32 v41, v45;
	v41 =	vld [tilespmem:$0x1FCA0]  }
0x1cd: {  	v8 =	vmul.f32 v8, v2;
	_ =	sdelay $0x1  }
0x1ce: {  	v8 =	vadd.f32 v8, v29  }
0x1cf: {  	v39 =	vmov v45;
	v45 =	vld [tilespmem:$0x1FCB0];
	v18 =	vmul.f32 v37, v58;
	v7 =	vadd.f32 v7, v42  }
0x1d0: {  	[tilespmem:s5+$0xFFFFFFC0] =	vst v8;
	v17 =	vmul.f32 v41, v25  }
0x1d1: {  	v36 =	vld [tilespmem:$0x1FCC0];
	v18 =	vadd.f32 v18, v30;
	[tilespmem:s5+$0xFFFFFFD0] =	vst v7  }
0x1d2: {  	v41 =	vld [tilespmem:$0x1FCD0];
	v17 =	vadd.f32 v17, v27  }
0x1d3: {  	v37 =	vmov v42;
	v42 =	vld [tilespmem:$0x1FCE0];
	[tilespmem:s5+$0xFFFFFFE0] =	vst v18  }
0x1d4: {  	v23 =	vmul.f32 v45, v31;
	v45 =	vld [tilespmem:$0x1FCF0];
	[tilespmem:s5+$0xFFFFFFF0] =	vst v17  }
0x1d5: {  	v22 =	vmul.f32 v51, v22;
	v17 =	vld [tilespmem:$0x1FEB0];
	_ =	sdelay $0x1  }
0x1d6: {  	v22 =	vmul.f32 v22, v25;
	_ =	sdelay $0x1  }
0x1d7: {  	v22 =	vadd.f32 v22, v27;
	v8 =	vmul.f32 v36, v35  }
0x1d8: {  	s22 =	simm.s32 $0x8600;
	v17 =	vadd.f32 v23, v17  }
0x1d9: {  	v8 =	vadd.f32 v8, v1;
	[tilespmem:s22+$0xF0] =	vst v22  }
0x1da: {  	[tilespmem:s5+$0x0] =	vst v17  }
0x1db: {  	v22 =	vmul.f32 v9, v57;
	v23 =	vmul.f32 v9, v46;
	v57 =	vld [tilespmem:$0x1FEB0];
	[tilespmem:s5+$0x10] =	vst v8  }
0x1dc: {  	v46 =	vmul.f32 v9, v47;
	v47 =	vmul.f32 v9, v38;
	v38 =	vld [tilespmem:$0x1FD00]  }
0x1dd: {  	v7 =	vmul.f32 v41, v50  }
0x1de: {  	v36 =	vmul.f32 v42, v11;
	v42 =	vmul.f32 v9, v44  }
0x1df: {  	v44 =	vmul.f32 v9, v48;
	v18 =	vmul.f32 v45, v2;
	v7 =	vadd.f32 v7, v26  }
0x1e0: {  	v45 =	vmul.f32 v9, v21;
	v21 =	vmul.f32 v9, v56  }
0x1e1: {  	v18 =	vadd.f32 v18, v29;
	v9 =	vadd.f32 v36, v3;
	[tilespmem:s5+$0x20] =	vst v7;
	v8 =	vmul.f32 v38, v39  }
0x1e2: {  	v41 =	vld [tilespmem:$0x1FD10]  }
0x1e3: {  	v48 =	vld [tilespmem:$0x1FD20];
	[tilespmem:s5+$0x30] =	vst v9;
	v8 =	vadd.f32 v8, v37  }
0x1e4: {  	v56 =	vld [tilespmem:$0x1FD30];
	[tilespmem:s5+$0x40] =	vst v18  }
0x1e5: {  	v18 =	vmov v11;
	v11 =	vld [tilespmem:$0x1FD40];
	[tilespmem:s5+$0x50] =	vst v8  }
0x1e6: {  	v8 =	vld [tilespmem:$0x1FD50];
	_ =	sdelay $0x4  }
0x1e7: {  	v2 =	vmul.f32 v8, v2;
	v8 =	vld [tilespmem:$0x1FD70];
	_ =	sdelay $0x3  }
0x1e8: {  	v7 =	vmul.f32 v41, v58  }
0x1e9: {  	v17 =	vmul.f32 v48, v25;
	v48 =	vmul.f32 v8, v39  }
0x1ea: {  	v7 =	vadd.f32 v7, v30;
	[tilespmem:$0x1FD60] =	vst v2  }
0x1eb: {  	[tilespmem:$0x1FD80] =	vst v48  }
0x1ec: {  	[tilespmem:s5+$0x60] =	vst v7  }
0x1ed: {  	v7 =	vld [tilespmem:$0x1FD90];
	_ =	sdelay $0x4  }
0x1ee: {  	v9 =	vmul.f32 v28, v31;
	v58 =	vmul.f32 v7, v58  }
0x1ef: {  	v8 =	vadd.f32 v17, v27  }
0x1f0: {  	v17 =	vadd.f32 v9, v57;
	[tilespmem:$0x1FDA0] =	vst v58  }
0x1f1: {  	[tilespmem:s5+$0x70] =	vst v8  }
0x1f2: {  	[tilespmem:s5+$0x80] =	vst v17  }
0x1f3: {  	v17 =	vmul.f32 v10, v61;
	v61 =	vld [tilespmem:$0x1FDB0];
	_ =	sdelay $0x1  }
0x1f4: {  	v36 =	vmul.f32 v56, v35  }
0x1f5: {  	v38 =	vmul.f32 v24, v50;
	v56 =	vmul.f32 v11, v18  }
0x1f6: {  	v28 =	vmovc v29;
	v18 =	vadd.f32 v36, v1;
	v9 =	vmul.f32 v51, v55;
	v7 =	vmul.f32 v51, v40  }
0x1f7: {  	s28 =	simm.s32 $0x4;
	s19 =	sshll.u32 s26, $0x8;
	s10 =	simm.s32 $0x10A;
	v27 =	vmovc v3;
	v40 =	vadd.f32 v38, v26;
	v8 =	vmul.f32 v51, v43;
	v11 =	vmul.f32 v10, v61  }
.LBB2_3:
0x1f8: {  	v41 =	vld [tilespmem:s10+$0x1]  }
0x1f9: {  	v39 =	vld [tilespmem:s10+$0xFFFFFFFF]  }
0x1fa: {  	v0 =	vld [tilespmem:$0x1FD60]  }
0x1fb: {  	v55 =	vmul.f32 v10, v63;
	v63 =	vld [tilespmem:s10+$0x0]  }
0x1fc: {  	v25 =	vld [tilespmem:$0x1FE50]  }
0x1fd: {  	v1 =	vld [tilespmem:$0x1FD80]  }
0x1fe: {  	v36 =	vld [tilespmem:s10+$0xFFFFFFFE]  }
0x1ff: {  	v43 =	vmul.f32 v10, v62;
	v3 =	vld [tilespmem:$0x1FE20]  }
0x200: {  	v5 =	vmul.f32 v10, v5;
	v6 =	vmul.f32 v10, v6;
	v24 =	vld [tilespmem:$0x1FEA0]  }
0x201: {  	v53 =	vmul.f32 v51, v53;
	v54 =	vmul.f32 v51, v54;
	v62 =	vld [tilespmem:$0x1FE30]  }
0x202: {  	v4 =	vmul.f32 v51, v4;
	v51 =	vmul.f32 v51, v52;
	v2 =	vld [tilespmem:$0x1FE40]  }
0x203: {  	v26 =	vld [tilespmem:$0x1FDD0];
	[tilespmem:s5+$0x90] =	vst v18;
	v18 =	vadd.f32 v56, v27;
	v56 =	vmul.f32 v10, v60;
	v10 =	vmul.f32 v10, v59  }
0x204: {  	v61 =	vld [tilespmem:$0x1FDA0];
	[tilespmem:s5+$0xA0] =	vst v40;
	v14 =	vmul.f32 v14, v50;
	v11 =	vmul.f32 v11, v35;
	(v2sf) =	vpush v41, $0x0  }
0x205: {  	v29 =	vld [tilespmem:$0x1FEC0];
	v23 =	vmul.f32 v23, v35;
	v58 =	vmul.f32 v8, v35;
	[tilespmem:s5+$0xB0] =	vst v18  }
0x206: {  	v60 =	vld [tilespmem:$0x1FE60];
	v40 =	vmul.f32 v46, v50;
	v59 =	vmul.f32 v9, v50;
	v38 =	vadd.f32 v0, v28;
	[tilespmem:$0x1F8E0] =	vst v11  }
0x207: {  	v48 =	vld [tilespmem:$0x1FEB0];
	v15 =	vmul.f32 v15, v3;
	v16 =	vmul.f32 v16, v24;
	v18 =	vadd.f32 v1, v25;
	[tilespmem:$0x1F960] =	vst v58  }
0x208: {  	v19 =	vmul.f32 v19, v62;
	v13 =	vmul.f32 v13, v2;
	v0 =	vld [tilespmem:$0x1FDF0];
	v14 =	vadd.f32 v14, v26;
	[tilespmem:s5+$0xC0] =	vst v38  }
0x209: {  	v41 =	vmul.f32 v47, v3;
	(v2sf) =	vpush v39, $0x0;
	v9 =	vadd.f32 v40, v26;
	v1 =	vld [tilespmem:$0x1FEF0];
	[tilespmem:s5+$0xD0] =	vst v18  }
0x20a: {  	v46 =	vmul.f32 v56, v2;
	v56 =	vmul.f32 v7, v31;
	v58 =	vld [tilespmem:$0x1FE10];
	v15 =	vadd.f32 v15, v27;
	[tilespmem:s22+$0xFFFFFF20] =	vst v14  }
0x20b: {  	v11 =	vadd.f32 v19, v25;
	v19 =	vld [tilespmem:$0x1FFB0];
	v18 =	vmul.f32 v20, v31;
	[tilespmem:s22+$0xFFFFFFA0] =	vst v9;
	v37 =	vadd.f32 v61, v60  }
0x20c: {  	(v2sf) =	vpush v63, $0x0;
	v20 =	vmul.f32 v49, v35;
	v49 =	vld [tilespmem:$0x1FDC0];
	[tilespmem:s22+$0xFFFFFF30] =	vst v15;
	v15 =	vmul.f32 v43, v50  }
0x20d: {  	v63 =	vmul.f32 v45, v31;
	v45 =	vmul.f32 v6, v62;
	(v2sf) =	vpush v36, $0x0;
	v36 =	vld [tilespmem:$0x1FE00];
	[tilespmem:s5+$0xE0] =	vst v37  }
0x20e: {  	s21 =	sadd.s32 $0x200, s21;
	v13 =	vadd.f32 v13, v60;
	v18 =	vadd.f32 v18, v57;
	[tilespmem:$0x1F8F0] =	vst v15;
	v15 =	vmul.f32 v55, v3;
	v55 =	vld [tilespmem:$0x1FDE0]  }
0x20f: {  	[tilespmem:s22+$0xFFFFFF50] =	vst v11;
	v20 =	vadd.f32 v20, v29;
	v14 =	vmov v60;
	v60 =	vmul.f32 v53, v3;
	v6 =	vld [tilespmem:s21+$0x80]  }
0x210: {  	[tilespmem:s22+$0xFFFFFF00] =	vst v18;
	v18 =	vmul.f32 v42, v24;
	v42 =	vmul.f32 v44, v62;
	v7 =	vld [tilespmem:s21+$0x90]  }
0x211: {  	[tilespmem:s22+$0xFFFFFF10] =	vst v20;
	v20 =	vmul.f32 v22, v2;
	v8 =	vld [tilespmem:s21+$0xA0];
	v12 =	vmul.f32 v12, v49  }
0x212: {  	[tilespmem:s22+$0xFFFFFF60] =	vst v13;
	v47 =	vmul.f32 v10, v49;
	v10 =	vadd.f32 v63, v48;
	v63 =	vmul.f32 v51, v2;
	v2 =	vld [tilespmem:$0x1FF00]  }
0x213: {  	v3 =	vld [tilespmem:$0x1FF10];
	v22 =	vadd.f32 v16, v28;
	v44 =	vmul.f32 v5, v24;
	[tilespmem:$0x1F900] =	vst v15;
	v5 =	vadd.f32 v12, v55;
	s2 =	spop (v2sf)  }
0x214: {  	v37 =	vld [tilespmem:$0x1FF60];
	v16 =	vmul.f32 v17, v31;
	[tilespmem:s22+$0xFFFFFF80] =	vst v10;
	v10 =	vadd.f32 v18, v28;
	v12 =	vadd.f32 v20, v14;
	s18 =	scvt.s32.f32 s2  }
0x215: {  	v11 =	vld [tilespmem:s21+$0xB0];
	v6 =	vadd.f32 v6, v32;
	[tilespmem:s22+$0xFFFFFF70] =	vst v5;
	v5 =	vadd.f32 v23, v29  }
0x216: {  	v48 =	vld [tilespmem:$0x1FF20];
	[tilespmem:$0x1F8D0] =	vst v16;
	v7 =	vadd.f32 v7, v33;
	v14 =	vmul.f32 s18, v0;
	v15 =	vmul.f32 s18, v1  }
0x217: {  	v16 =	vld [tilespmem:s21+$0xC0];
	v8 =	vadd.f32 v8, v34;
	[tilespmem:s22+$0xFFFFFF90] =	vst v5;
	v5 =	vadd.f32 v41, v27;
	v17 =	vmul.f32 s18, v2  }
0x218: {  	[tilespmem:s22+$0xFFFFFFC0] =	vst v10;
	v23 =	vld [tilespmem:$0x1FF50];
	v53 =	vadd.f32 v14, v6;
	v13 =	vadd.f32 v15, v7  }
0x219: {  	v61 =	vmul.f32 v54, v24;
	v9 =	vadd.f32 v42, v25;
	[tilespmem:s22+$0xFFFFFFB0] =	vst v5;
	v54 =	vadd.f32 v17, v8;
	v17 =	vld [tilespmem:$0x1FF40]  }
0x21a: {  	v21 =	vmul.f32 v21, v49;
	[tilespmem:$0x1F8B0] =	vst v13;
	v14 =	vadd.f32 v13, v53;
	v15 =	vmul.f32 v13, v13;
	v13 =	vld [tilespmem:$0x1FF30]  }
0x21b: {  	v10 =	vld [tilespmem:s21+$0xFFFFFF80];
	[tilespmem:s22+$0xFFFFFFD0] =	vst v9  }
0x21c: {  	v5 =	vadd.f32 v21, v55;
	[tilespmem:s22+$0xFFFFFFE0] =	vst v12;
	v6 =	vld [tilespmem:s21+$0xD0]  }
0x21d: {  	v7 =	vld [tilespmem:s21+$0xFFFFFF90];
	v8 =	vadd.f32 v11, v48;
	v11 =	vmul.f32 s18, v3  }
0x21e: {  	v62 =	vmul.f32 v4, v62;
	[tilespmem:s22+$0xFFFFFFF0] =	vst v5;
	v5 =	vld [tilespmem:s21+$0xE0];
	v12 =	vmul.f32 v53, v53  }
0x21f: {  	v38 =	vld [tilespmem:$0x1FF70];
	v52 =	vadd.f32 v11, v8;
	v8 =	vadd.f32 v16, v17;
	v11 =	vmul.f32 s18, v13  }
0x220: {  	v12 =	vadd.f32 v15, v12;
	v14 =	vadd.f32 v14, v54;
	v15 =	vmul.f32 v54, v54;
	v16 =	vld [tilespmem:s21+$0xF0]  }
0x221: {  	[tilespmem:$0x1F950] =	vst v56;
	v6 =	vadd.f32 v6, v23;
	v56 =	vadd.f32 v8, v11;
	v8 =	vmul.f32 s18, v19  }
0x222: {  	[tilespmem:$0x1F930] =	vst v46;
	v46 =	vld [tilespmem:s21+$0x70];
	v12 =	vadd.f32 v12, v15;
	v14 =	vadd.f32 v14, v52;
	v15 =	vmul.f32 v52, v52  }
0x223: {  	[tilespmem:s22+$0xFFFFFF40] =	vst v22;
	v5 =	vadd.f32 v5, v37;
	v57 =	vadd.f32 v6, v8;
	v6 =	vmul.f32 s18, v36  }
0x224: {  	v4 =	vld [tilespmem:s21+$0xFFFFFF00];
	v12 =	vadd.f32 v12, v15;
	v14 =	vadd.f32 v14, v56;
	v15 =	vmul.f32 v56, v56  }
0x225: {  	v39 =	vld [tilespmem:s21+$0x10];
	[tilespmem:$0x1F940] =	vst v47;
	v47 =	vadd.f32 v5, v6;
	v5 =	vadd.f32 v16, v38;
	v6 =	vmul.f32 s18, v58  }
0x226: {  	v29 =	vld [tilespmem:s21+$0xFFFFFF10];
	s11 =	spop (v2sf);
	v12 =	vadd.f32 v12, v15;
	v14 =	vadd.f32 v14, v57;
	v16 =	vmul.f32 v57, v57  }
0x227: {  	v46 =	vadd.f32 v46, v38;
	s11 =	scvt.s32.f32 s11;
	s12 =	spop (v2sf);
	v15 =	vld [tilespmem:$0x1FFC0];
	v40 =	vadd.f32 v5, v6  }
0x228: {  	v31 =	vld [tilespmem:s21+$0x0];
	s12 =	scvt.s32.f32 s12;
	s13 =	spop (v2sf);
	v5 =	vadd.f32 v12, v16;
	v6 =	vadd.f32 v14, v47;
	v12 =	vmul.f32 v47, v47  }
0x229: {  	v25 =	vld [tilespmem:s21+$0x30];
	s13 =	scvt.s32.f32 s13;
	v18 =	vmul.f32 s11, v0;
	v9 =	vmul.f32 s11, v1;
	v4 =	vadd.f32 v4, v32  }
0x22a: {  	v28 =	vld [tilespmem:s21+$0x40];
	v22 =	vmul.f32 s12, v1;
	v5 =	vadd.f32 v5, v12;
	v12 =	vadd.f32 v6, v40  }
0x22b: {  	v26 =	vld [tilespmem:s21+$0xFFFFFF40];
	v51 =	vadd.f32 v29, v33;
	v20 =	vmul.f32 s13, v0;
	v21 =	vmul.f32 s13, v1  }
0x22c: {  	[tilespmem:$0x1F920] =	vst v45;
	v45 =	vld [tilespmem:s21+$0xFFFFFF60];
	v14 =	vmul.f32 s12, v0;
	v0 =	vadd.f32 v7, v33;
	v7 =	vperm.xlane v12, v15  }
0x22d: {  	v24 =	vld [tilespmem:s21+$0xFFFFFFB0];
	v1 =	vadd.f32 v31, v32;
	v31 =	vadd.f32 v39, v33;
	v6 =	vmul.f32 v40, v40  }
0x22e: {  	v43 =	vadd.f32 v20, v4;
	v4 =	vadd.f32 v12, v7;
	v7 =	vld [tilespmem:$0x1FFD0]  }
0x22f: {  	v27 =	vld [tilespmem:s21+$0xFFFFFFC0];
	v10 =	vadd.f32 v10, v32;
	v5 =	vadd.f32 v5, v6  }
0x230: {  	[tilespmem:$0x1F970] =	vst v59;
	v41 =	vadd.f32 v21, v51;
	v59 =	vadd.f32 v22, v31;
	v22 =	vld [tilespmem:s21+$0xFFFFFFF0]  }
0x231: {  	[tilespmem:$0x1FD80] =	vst v62;
	v25 =	vadd.f32 v25, v48;
	v62 =	vadd.f32 v18, v10;
	v11 =	vld [tilespmem:s21+$0xFFFFFF20];
	v12 =	vperm.xlane v5, v15  }
0x232: {  	v30 =	vmul.f32 s11, v2;
	v31 =	vadd.f32 v41, v43;
	v26 =	vadd.f32 v26, v17;
	v8 =	vld [tilespmem:s21+$0x20]  }
0x233: {  	[tilespmem:$0x1FDA0] =	vst v63;
	v63 =	vadd.f32 v9, v0;
	v6 =	vld [tilespmem:$0x1FFE0];
	v5 =	vadd.f32 v5, v12;
	v9 =	vperm.xlane v4, v7  }
0x234: {  	v29 =	vmul.f32 s13, v2;
	v28 =	vadd.f32 v28, v17;
	v24 =	vadd.f32 v24, v48  }
0x235: {  	v35 =	vld [tilespmem:s21+$0xFFFFFFA0];
	v27 =	vadd.f32 v27, v17;
	v4 =	vadd.f32 v4, v9;
	v9 =	vperm.xlane v5, v7  }
0x236: {  	v18 =	vmul.f32 s12, v2;
	v17 =	vadd.f32 v45, v37;
	v22 =	vadd.f32 v22, v38  }
0x237: {  	v50 =	vmul.f32 v59, v59;
	v10 =	vadd.f32 v11, v34;
	v9 =	vadd.f32 v5, v9;
	v5 =	vld [tilespmem:$0x1FFF0]  }
0x238: {  	[tilespmem:$0x1F910] =	vst v44;
	v11 =	vmul.f32 v41, v41;
	v8 =	vadd.f32 v8, v34;
	v44 =	vperm.xlane v4, v6  }
0x239: {  	[tilespmem:$0x1F8C0] =	vst v60;
	v33 =	vmul.f32 v62, v62;
	v10 =	vadd.f32 v29, v10;
	v60 =	vadd.f32 v14, v1  }
0x23a: {  	v16 =	vld [tilespmem:s21+$0xFFFFFFD0];
	v14 =	vadd.f32 v35, v34;
	v32 =	vadd.f32 v4, v44;
	v4 =	vperm.xlane v9, v6  }
0x23b: {  	[tilespmem:$0x1FD60] =	vst v61;
	v61 =	vld [tilespmem:s21+$0xFFFFFF30];
	v1 =	vmul.f32 s11, v3;
	v2 =	vmul.f32 v10, v10;
	v34 =	vadd.f32 v63, v62  }
0x23c: {  	v44 =	vadd.f32 v30, v14;
	v9 =	vadd.f32 v9, v4;
	v14 =	vperm.xlane v32, v5  }
0x23d: {  	v35 =	vmul.f32 v63, v63;
	v29 =	vadd.f32 v59, v60;
	v12 =	vmul.f32 v43, v43  }
0x23e: {  	v4 =	vadd.f32 v18, v8;
	v18 =	vperm.xlane v9, v5;
	v14 =	vadd.f32 v32, v14  }
0x23f: {  	v0 =	vmul.f32 v60, v60;
	v16 =	vadd.f32 v16, v23;
	v11 =	vadd.f32 v11, v12  }
0x240: {  	v32 =	vadd.f32 v61, v48;
	v9 =	vadd.f32 v9, v18;
	v61 =	vmul.f32 $7.812500000e-03, v14  }
0x241: {  	v12 =	vadd.f32 v31, v10;
	v31 =	vadd.f32 v35, v33;
	v35 =	vmul.f32 s13, v13  }
0x242: {  	v0 =	vadd.f32 v50, v0;
	v9 =	vmul.f32 $7.812500000e-03, v9;
	v14 =	vmul.f32 v61, v61  }
0x243: {  	v2 =	vadd.f32 v11, v2;
	v30 =	vmul.f32 s13, v3;
	v8 =	vmul.f32 s12, v3  }
0x244: {  	v33 =	vadd.f32 v34, v44;
	v34 =	vmul.f32 v4, v4;
	v50 =	vsub.f32 v9, v14  }
0x245: {  	v29 =	vadd.f32 v29, v4;
	v8 =	vadd.f32 v8, v25;
	v18 =	vmul.f32 v44, v44  }
0x246: {  	v48 =	vmul.f32 s11, v19;
	v0 =	vadd.f32 v0, v34;
	v25 =	vadd.f32 $9.999999960e-13, v50  }
0x247: {  	v42 =	vld [tilespmem:s21+$0xFFFFFF50];
	v31 =	vadd.f32 v31, v18;
	v18 =	vadd.f32 v26, v35;
	v26 =	vmul.f32 v8, v8  }
0x248: {  	v14 =	vadd.f32 v30, v32;
	v32 =	vshra.s32 v25, $0x1;
	v25 =	vmul.f32 $5.000000000e-01, v25  }
0x249: {  	v29 =	vadd.f32 v29, v8;
	v16 =	vadd.f32 v16, v48;
	v32 =	vsub.s32 $0x5F3759DF, v32  }
0x24a: {  	v48 =	vsub.f32 v40, v61;
	v0 =	vadd.f32 v0, v26;
	v11 =	vmul.f32 v32, v25  }
0x24b: {  	v39 =	vld [tilespmem:s21+$0x50];
	v9 =	vadd.f32 v1, v24;
	v1 =	vmul.f32 s11, v13;
	v24 =	vmul.f32 s12, v13  }
0x24c: {  	v13 =	vadd.f32 v42, v23;
	v30 =	vmul.f32 v14, v14;
	v34 =	vmul.f32 v32, v11  }
0x24d: {  	v50 =	vadd.f32 v12, v14;
	v3 =	vmul.f32 v9, v9;
	v12 =	vadd.f32 v27, v1  }
0x24e: {  	v33 =	vadd.f32 v33, v9;
	v27 =	vsub.f32 $1.500000000e+00, v34  }
0x24f: {  	v2 =	vadd.f32 v2, v30;
	v3 =	vadd.f32 v31, v3;
	v31 =	vmul.f32 v12, v12  }
0x250: {  	v21 =	vld [tilespmem:s21+$0xFFFFFFE0];
	v30 =	vadd.f32 v39, v23;
	v39 =	vadd.f32 v50, v18;
	v27 =	vmul.f32 v32, v27  }
0x251: {  	v35 =	vmul.f32 s13, v19;
	v33 =	vadd.f32 v33, v12;
	v3 =	vadd.f32 v3, v31  }
0x252: {  	v20 =	vld [tilespmem:s21+$0x60];
	v31 =	vmul.f32 v16, v16;
	v11 =	vadd.f32 v28, v24;
	v26 =	vmul.f32 v27, v25  }
0x253: {  	v24 =	vmul.f32 s12, v19;
	v28 =	vmul.f32 v18, v18;
	v19 =	vadd.f32 v13, v35  }
0x254: {  	v3 =	vadd.f32 v3, v31;
	v29 =	vadd.f32 v29, v11;
	v50 =	vmul.f32 v26, v27  }
0x255: {  	v13 =	vadd.f32 v30, v24;
	v24 =	vmul.f32 s13, v36;
	v30 =	vadd.f32 v21, v37  }
0x256: {  	v42 =	vmul.f32 v11, v11;
	v2 =	vadd.f32 v2, v28;
	v1 =	vsub.f32 $1.500000000e+00, v50  }
0x257: {  	v28 =	vmul.f32 v19, v19;
	v37 =	vadd.f32 v20, v37;
	v21 =	vadd.f32 v17, v24  }
0x258: {  	v51 =	vld [tilespmem:s21+$0xFFFFFF70];
	v32 =	vadd.f32 v39, v19;
	v0 =	vadd.f32 v0, v42;
	v1 =	vmul.f32 v1, v27  }
0x259: {  	v29 =	vadd.f32 v29, v13;
	v39 =	vmul.f32 v13, v13;
	v45 =	vmul.f32 v21, v21  }
0x25a: {  	v2 =	vadd.f32 v2, v28;
	v26 =	vmul.f32 s11, v36;
	v25 =	vmul.f32 v1, v25  }
0x25b: {  	v42 =	vmul.f32 s12, v58;
	v0 =	vadd.f32 v0, v39;
	v36 =	vmul.f32 s12, v36  }
0x25c: {  	v2 =	vadd.f32 v2, v45;
	v20 =	vadd.f32 v30, v26;
	v25 =	vmul.f32 v25, v1  }
0x25d: {  	v26 =	vmul.f32 s11, v58;
	v17 =	vadd.f32 v37, v36;
	v30 =	vadd.f32 v51, v38  }
0x25e: {  	v24 =	vmul.f32 s13, v58;
	v27 =	vadd.f32 v33, v16;
	v23 =	vsub.f32 $1.500000000e+00, v25  }
0x25f: {  	v58 =	vadd.f32 v46, v42;
	v28 =	vmul.f32 v20, v20;
	v22 =	vadd.f32 v22, v26  }
0x260: {  	v31 =	vmul.f32 v17, v17;
	v27 =	vadd.f32 v27, v20;
	v51 =	vmul.f32 v23, v1  }
0x261: {  	v3 =	vadd.f32 v3, v28;
	v28 =	vmul.f32 v22, v22;
	v23 =	vadd.f32 v30, v24  }
0x262: {  	v0 =	vadd.f32 v0, v31;
	v25 =	vadd.f32 v32, v21;
	v1 =	vmul.f32 v51, v48  }
0x263: {  	v27 =	vadd.f32 v27, v22;
	v24 =	vadd.f32 v29, v17;
	v26 =	vmul.f32 v23, v23  }
0x264: {  	v3 =	vadd.f32 v3, v28;
	v25 =	vadd.f32 v25, v23;
	v1 =	vmul.f32 v1, v49  }
0x265: {  	v24 =	vadd.f32 v24, v58;
	v2 =	vadd.f32 v2, v26;
	v26 =	vmul.f32 v58, v58  }
0x266: {  	v28 =	vperm.xlane v27, v15;
	v29 =	vperm.xlane v25, v15;
	v1 =	vadd.f32 v1, v55  }
0x267: {  	v38 =	vperm.xlane v2, v15;
	v0 =	vadd.f32 v0, v26;
	v26 =	vperm.xlane v24, v15  }
0x268: {  	s5 =	smov.u32 s22;
	s22 =	sadd.s32 $0x200, s22;
	v27 =	vadd.f32 v27, v28;
	v28 =	vperm.xlane v3, v15;
	v25 =	vadd.f32 v25, v29  }
0x269: {  	[tilespmem:s22+$0xF0] =	vst v1;
	v1 =	vadd.f32 v2, v38;
	v39 =	vadd.f32 v24, v26;
	v24 =	vperm.xlane v0, v15  }
0x26a: {  	v3 =	vadd.f32 v3, v28;
	v29 =	vperm.xlane v27, v7;
	v26 =	vperm.xlane v25, v7  }
0x26b: {  	v28 =	vperm.xlane v1, v7;
	v30 =	vperm.xlane v39, v7;
	v0 =	vadd.f32 v0, v24  }
0x26c: {  	v24 =	vadd.f32 v25, v26;
	v25 =	vadd.f32 v27, v29;
	v26 =	vperm.xlane v3, v7  }
0x26d: {  	v1 =	vadd.f32 v1, v28;
	v2 =	vadd.f32 v39, v30;
	v27 =	vperm.xlane v0, v7  }
0x26e: {  	v28 =	vperm.xlane v24, v6;
	v29 =	vperm.xlane v25, v6;
	v3 =	vadd.f32 v3, v26  }
0x26f: {  	v26 =	vperm.xlane v1, v6;
	v30 =	vperm.xlane v2, v6;
	v0 =	vadd.f32 v0, v27  }
0x270: {  	v24 =	vadd.f32 v24, v28;
	v25 =	vadd.f32 v25, v29;
	v27 =	vperm.xlane v3, v6  }
0x271: {  	v1 =	vadd.f32 v1, v26;
	v2 =	vadd.f32 v2, v30;
	v26 =	vperm.xlane v0, v6  }
0x272: {  	v28 =	vperm.xlane v24, v5;
	v29 =	vperm.xlane v25, v5;
	v3 =	vadd.f32 v3, v27  }
0x273: {  	v27 =	vperm.xlane v1, v5;
	v30 =	vperm.xlane v2, v5;
	v0 =	vadd.f32 v0, v26  }
0x274: {  	v24 =	vadd.f32 v24, v28;
	v25 =	vadd.f32 v25, v29;
	v26 =	vperm.xlane v3, v5  }
0x275: {  	v1 =	vadd.f32 v1, v27;
	v2 =	vadd.f32 v2, v30;
	v27 =	vperm.xlane v0, v5  }
0x276: {  	v24 =	vmul.f32 $7.812500000e-03, v24;
	v25 =	vmul.f32 $7.812500000e-03, v25;
	v3 =	vadd.f32 v3, v26  }
0x277: {  	v1 =	vmul.f32 $7.812500000e-03, v1;
	v2 =	vmul.f32 $7.812500000e-03, v2;
	v0 =	vadd.f32 v0, v27  }
0x278: {  	v26 =	vmul.f32 v24, v24;
	v27 =	vsub.f32 v43, v24;
	v3 =	vmul.f32 $7.812500000e-03, v3  }
0x279: {  	v28 =	vsub.f32 v41, v24;
	v6 =	vmul.f32 v25, v25;
	v29 =	vsub.f32 v14, v24  }
0x27a: {  	v0 =	vmul.f32 $7.812500000e-03, v0;
	v1 =	vsub.f32 v1, v26;
	v7 =	vmul.f32 v2, v2  }
0x27b: {  	v18 =	vsub.f32 v18, v24;
	v3 =	vsub.f32 v3, v6  }
0x27c: {  	v1 =	vadd.f32 $9.999999960e-13, v1;
	v0 =	vsub.f32 v0, v7  }
0x27d: {  	v26 =	vsub.f32 v10, v24;
	v3 =	vadd.f32 $9.999999960e-13, v3  }
0x27e: {  	v6 =	vshra.s32 v1, $0x1;
	v1 =	vmul.f32 $5.000000000e-01, v1;
	v0 =	vadd.f32 $9.999999960e-13, v0  }
0x27f: {  	v7 =	vshra.s32 v3, $0x1;
	v3 =	vmul.f32 $5.000000000e-01, v3;
	v6 =	vsub.s32 $0x5F3759DF, v6  }
0x280: {  	v7 =	vsub.s32 $0x5F3759DF, v7;
	v10 =	vshra.s32 v0, $0x1;
	v0 =	vmul.f32 $5.000000000e-01, v0  }
0x281: {  	v14 =	vmul.f32 v6, v1;
	v30 =	vmul.f32 v7, v3;
	v10 =	vsub.s32 $0x5F3759DF, v10  }
0x282: {  	v19 =	vsub.f32 v19, v24;
	v21 =	vsub.f32 v21, v24;
	v31 =	vmul.f32 v10, v0  }
0x283: {  	v23 =	vsub.f32 v23, v24;
	v14 =	vmul.f32 v6, v14;
	v24 =	vmul.f32 v7, v30  }
0x284: {  	v31 =	vmul.f32 v10, v31  }
0x285: {  	v14 =	vsub.f32 $1.500000000e+00, v14;
	v24 =	vsub.f32 $1.500000000e+00, v24  }
0x286: {  	v5 =	vsub.f32 $1.500000000e+00, v31  }
0x287: {  	v6 =	vmul.f32 v6, v14;
	v7 =	vmul.f32 v7, v24  }
0x288: {  	v24 =	vsub.f32 v9, v25;
	v9 =	vmul.f32 v10, v5  }
0x289: {  	v5 =	vmul.f32 v6, v1;
	v10 =	vmul.f32 v7, v3  }
0x28a: {  	v40 =	vsub.f32 v63, v25;
	v31 =	vsub.f32 v12, v25;
	v12 =	vmul.f32 v9, v0  }
0x28b: {  	v63 =	vsub.f32 v8, v2;
	v5 =	vmul.f32 v5, v6;
	v10 =	vmul.f32 v10, v7  }
0x28c: {  	v30 =	vsub.f32 v62, v25;
	v62 =	vsub.f32 v4, v2  }
0x28d: {  	v12 =	vmul.f32 v12, v9;
	v4 =	vsub.f32 $1.500000000e+00, v5;
	v8 =	vsub.f32 $1.500000000e+00, v10  }
0x28e: {  	v5 =	vsub.f32 v11, v2  }
0x28f: {  	v10 =	vsub.f32 $1.500000000e+00, v12;
	v11 =	vmul.f32 v4, v6;
	v12 =	vmul.f32 v8, v7;
	v4 =	vld [tilespmem:$0x1F8B0];
	_ =	sdelay $0x1  }
0x290: {  	v42 =	vmul.f32 v12, v3;
	v3 =	vsub.f32 v53, v61;
	_ =	sdelay $0x1  }
0x291: {  	v7 =	vmul.f32 v51, v3;
	v3 =	vld [tilespmem:$0x1F8D0]  }
0x292: {  	v8 =	vsub.f32 v4, v61;
	v4 =	vsub.f32 v57, v61;
	v57 =	vld [tilespmem:$0x1FEB0];
	_ =	sdelay $0x3  }
0x293: {  	v1 =	vmul.f32 v11, v1  }
0x294: {  	v3 =	vadd.f32 v3, v57  }
0x295: {  	v37 =	vld [tilespmem:$0x1FDD0];
	v1 =	vmul.f32 v1, v11  }
0x296: {  	[tilespmem:s5+$0x0] =	vst v3;
	v3 =	vld [tilespmem:$0x1F8F0]  }
0x297: {  	v9 =	vmul.f32 v10, v9;
	v1 =	vsub.f32 $1.500000000e+00, v1  }
0x298: {  	v43 =	vld [tilespmem:$0x1F8E0]  }
0x299: {  	v41 =	vsub.f32 v44, v25;
	v44 =	vld [tilespmem:$0x1F900];
	v0 =	vmul.f32 v9, v0;
	v1 =	vmul.f32 v1, v11  }
0x29a: {  	v35 =	vsub.f32 v20, v25;
	v11 =	vld [tilespmem:$0x1FEC0]  }
0x29b: {  	v0 =	vmul.f32 v0, v9;
	v20 =	vmul.f32 v1, v27;
	v27 =	vld [tilespmem:$0x1FED0];
	v3 =	vadd.f32 v3, v37  }
0x29c: {  	v49 =	vmul.f32 v1, v28;
	v28 =	vld [tilespmem:$0x1FEE0]  }
0x29d: {  	v0 =	vsub.f32 $1.500000000e+00, v0;
	[tilespmem:s5+$0x20] =	vst v3;
	v3 =	vld [tilespmem:$0x1F910]  }
0x29e: {  	v45 =	vld [tilespmem:$0x1F920];
	v50 =	vsub.f32 v60, v2;
	v36 =	vsub.f32 v59, v2  }
0x29f: {  	v46 =	vld [tilespmem:$0x1FE50];
	v60 =	vsub.f32 v17, v2;
	v10 =	vmul.f32 v0, v9;
	v0 =	vadd.f32 v43, v11  }
0x2a0: {  	v59 =	vsub.f32 v58, v2;
	v6 =	vsub.f32 v13, v2;
	v2 =	vmul.f32 v42, v12  }
0x2a1: {  	v48 =	vld [tilespmem:$0x1F940];
	v13 =	vsub.f32 v54, v61;
	[tilespmem:s5+$0x10] =	vst v0;
	v0 =	vadd.f32 v44, v27  }
0x2a2: {  	v33 =	vld [tilespmem:$0x1FF90];
	v2 =	vsub.f32 $1.500000000e+00, v2;
	v3 =	vadd.f32 v3, v28  }
0x2a3: {  	v53 =	vsub.f32 v52, v61;
	v52 =	vsub.f32 v47, v61;
	v47 =	vld [tilespmem:$0x1F930];
	[tilespmem:s5+$0x30] =	vst v0  }
0x2a4: {  	v8 =	vmul.f32 v51, v8;
	v2 =	vmul.f32 v2, v12;
	v0 =	vadd.f32 v45, v46;
	[tilespmem:s5+$0x40] =	vst v3;
	v3 =	vld [tilespmem:$0x1FE60]  }
0x2a5: {  	v34 =	vsub.f32 v16, v25;
	v58 =	vld [tilespmem:$0x1F960];
	v9 =	vmul.f32 v51, v13;
	v14 =	vmul.f32 v1, v26  }
0x2a6: {  	v15 =	vmul.f32 v1, v29;
	v16 =	vmul.f32 v1, v18;
	[tilespmem:s5+$0x50] =	vst v0;
	v0 =	vadd.f32 v48, v55;
	v55 =	vld [tilespmem:$0x1F950]  }
0x2a7: {  	s28 =	sadd.s32 $0x4, s28;
	v32 =	vld [tilespmem:$0x1FF80];
	v25 =	vsub.f32 v22, v25;
	v19 =	vmul.f32 v1, v19;
	v13 =	vmul.f32 v1, v21  }
0x2a8: {  	p1 =	slt.u32 s28, $0x7C;
	v54 =	vsub.f32 v56, v61;
	v61 =	vld [tilespmem:$0x1F970];
	v12 =	vmul.f32 v1, v23;
	v23 =	vmul.f32 v2, v40  }
.Ltmp0:
0x2a9: {  	v56 =	vld [tilespmem:$0x1F8C0];
	v42 =	vmul.f32 v2, v31;
	v22 =	vmul.f32 v2, v35;
	v1 =	vadd.f32 v47, v3;
	(pc) =	sbr.rel @p1 .LBB2_3-.Ltmp0, $4  }
0x2aa: {  	v31 =	vld [tilespmem:$0x1FE70];
	v21 =	vmul.f32 v2, v25;
	v17 =	vmul.f32 v10, v50  }
0x2ab: {  	v35 =	vld [tilespmem:$0x1FE80];
	v18 =	vadd.f32 v58, v11;
	v11 =	vmul.f32 v10, v36;
	[tilespmem:s5+$0x60] =	vst v1;
	v1 =	vadd.f32 v55, v57  }
0x2ac: {  	v50 =	vld [tilespmem:$0x1FE90];
	v44 =	vmul.f32 v2, v34;
	v45 =	vmul.f32 v2, v30;
	[tilespmem:s5+$0x70] =	vst v0  }
0x2ad: {  	s10 =	sadd.s32 $0x4, s10;
	v40 =	vadd.f32 v61, v37;
	v34 =	vld [tilespmem:$0x1FFA0];
	v46 =	vmul.f32 v2, v41;
	v47 =	vmul.f32 v2, v24;
	[tilespmem:s5+$0x80] =	vst v1  }
0x2ae: {  	v55 =	vld [tilespmem:$0x1FFB0]  }
0x2af: {  	v38 =	vld [tilespmem:$0x1FF30]  }
0x2b0: {  	v61 =	vld [tilespmem:$0x1FF10]  }
0x2b1: {  	v43 =	vld [tilespmem:$0x1FF00]  }
0x2b2: {  	v41 =	vld [tilespmem:$0x1FEF0]  }
0x2b3: {  	v30 =	vld [tilespmem:$0x1FF70]  }
0x2b4: {  	v29 =	vld [tilespmem:$0x1FF60]  }
0x2b5: {  	v37 =	vmov v28;
	v28 =	vld [tilespmem:$0x1FF50]  }
0x2b6: {  	v26 =	vld [tilespmem:$0x1FF40]  }
0x2b7: {  	v25 =	vld [tilespmem:$0x1FF20]  }
0x2b8: {  	v36 =	vmov v27;
	v27 =	vld [tilespmem:$0x1FFF0]  }
0x2b9: {  	v24 =	vld [tilespmem:$0x1FFE0]  }
0x2ba: {  	v58 =	vld [tilespmem:$0x1FFD0]  }
0x2bb: {  	v48 =	vld [tilespmem:$0x1FFC0];
	[tilespmem:s5+$0x90] =	vst v18  }
0x2bc: {  	[tilespmem:s5+$0xA0] =	vst v40  }
0x2bd: {  	v1 =	vld [tilespmem:$0x1FD60];
	_ =	sdelay $0x2  }
0x2be: {  	v0 =	vadd.f32 v56, v36;
	_ =	sdelay $0x1  }
0x2bf: {  	[tilespmem:s5+$0xB0] =	vst v0;
	v1 =	vadd.f32 v1, v37  }
0x2c0: {  	v39 =	vld [tilespmem:$0x1FE50]  }
0x2c1: {  	v0 =	vld [tilespmem:$0x1FD80];
	[tilespmem:s5+$0xC0] =	vst v1  }
0x2c2: {  	v18 =	vld [tilespmem:$0x1FE60]  }
0x2c3: {  	v1 =	vld [tilespmem:$0x1FDA0];
	_ =	sdelay $0x3  }
0x2c4: {  	v0 =	vadd.f32 v0, v39  }
0x2c5: {  	v1 =	vadd.f32 v1, v18  }
0x2c6: {  	[tilespmem:s5+$0xD0] =	vst v0  }
0x2c7: {  	[tilespmem:s5+$0xE0] =	vst v1  }
0x2c8: {  	v2 =	vmul.f32 v20, v31;
	v3 =	vmul.f32 v49, v35;
	v49 =	vld [tilespmem:$0x1FE20];
	_ =	sdelay $0x1  }
0x2c9: {  	v2 =	vadd.f32 v2, v57  }
0x2ca: {  	v40 =	vld [tilespmem:$0x1FEC0]  }
0x2cb: {  	v56 =	vld [tilespmem:$0x1FEA0];
	[tilespmem:s22+$0xFFFFFF00] =	vst v2  }
0x2cc: {  	v1 =	vmul.f32 v15, v49;
	v15 =	vld [tilespmem:$0x1FDD0];
	_ =	sdelay $0x2  }
0x2cd: {  	v20 =	vmul.f32 v14, v50;
	_ =	sdelay $0x1  }
0x2ce: {  	v0 =	vadd.f32 v20, v15;
	v20 =	vld [tilespmem:$0x1FE30];
	_ =	sdelay $0x1  }
0x2cf: {  	v3 =	vadd.f32 v3, v40;
	_ =	sdelay $0x1  }
0x2d0: {  	v14 =	vmul.f32 v16, v56;
	[tilespmem:s22+$0xFFFFFF10] =	vst v3  }
0x2d1: {  	v1 =	vadd.f32 v1, v36;
	v2 =	vmul.f32 v19, v20;
	v19 =	vld [tilespmem:$0x1FE40]  }
0x2d2: {  	v47 =	vmul.f32 v47, v49;
	[tilespmem:s22+$0xFFFFFF20] =	vst v0;
	v0 =	vadd.f32 v14, v37  }
0x2d3: {  	v14 =	vld [tilespmem:$0x1FDC0];
	[tilespmem:s22+$0xFFFFFF30] =	vst v1;
	v16 =	vadd.f32 v2, v39;
	v2 =	vmul.f32 v45, v31  }
0x2d4: {  	v5 =	vmul.f32 v10, v5;
	v47 =	vadd.f32 v47, v36;
	[tilespmem:s22+$0xFFFFFF40] =	vst v0;
	v45 =	vmul.f32 v46, v50  }
0x2d5: {  	v4 =	vmul.f32 v51, v4;
	v11 =	vmul.f32 v11, v35;
	[tilespmem:s22+$0xFFFFFF50] =	vst v16;
	v46 =	vadd.f32 v2, v57  }
0x2d6: {  	v5 =	vmul.f32 v5, v56;
	v45 =	vadd.f32 v45, v15;
	v3 =	vmul.f32 v13, v19;
	v16 =	vld [tilespmem:$0x1FDE0];
	[tilespmem:s22+$0xFFFFFFB0] =	vst v47  }
0x2d7: {  	[tilespmem:s22+$0xFFFFFF80] =	vst v46;
	v46 =	vmul.f32 v44, v20;
	v44 =	vmul.f32 v10, v62;
	v62 =	vadd.f32 v11, v40  }
0x2d8: {  	[tilespmem:s22+$0xFFFFFFA0] =	vst v45;
	v45 =	vmul.f32 v17, v31;
	v17 =	vadd.f32 v5, v37  }
0x2d9: {  	v4 =	vmul.f32 v4, v20;
	v0 =	vadd.f32 v3, v18;
	[tilespmem:s22+$0x10] =	vst v62  }
0x2da: {  	v12 =	vmul.f32 v12, v14;
	v47 =	vadd.f32 v45, v57;
	[tilespmem:s22+$0x40] =	vst v17  }
0x2db: {  	v62 =	vadd.f32 v4, v39;
	[tilespmem:s22+$0xFFFFFF60] =	vst v0  }
0x2dc: {  	v3 =	vmul.f32 v23, v35;
	v1 =	vmul.f32 v44, v50;
	v23 =	vadd.f32 v12, v16;
	[tilespmem:s22+$0x0] =	vst v47  }
0x2dd: {  	v6 =	vmul.f32 v10, v6;
	v12 =	vadd.f32 v46, v39;
	[tilespmem:s22+$0xD0] =	vst v62  }
0x2de: {  	v42 =	vmul.f32 v42, v56;
	v1 =	vadd.f32 v1, v15;
	[tilespmem:s22+$0xFFFFFF70] =	vst v23  }
0x2df: {  	v6 =	vmul.f32 v6, v20;
	v23 =	vadd.f32 v3, v40;
	[tilespmem:s22+$0xFFFFFFD0] =	vst v12  }
0x2e0: {  	v3 =	vadd.f32 v42, v37;
	v42 =	vmul.f32 v21, v14;
	[tilespmem:s22+$0x20] =	vst v1  }
0x2e1: {  	v44 =	vmul.f32 v8, v35;
	v46 =	vmul.f32 v10, v63;
	v21 =	vadd.f32 v6, v39;
	[tilespmem:s22+$0xFFFFFF90] =	vst v23  }
0x2e2: {  	v63 =	vmul.f32 v10, v60;
	v23 =	vmul.f32 v22, v19;
	[tilespmem:s22+$0xFFFFFFC0] =	vst v3;
	v0 =	vadd.f32 v42, v16  }
0x2e3: {  	v3 =	vmul.f32 v46, v49;
	v42 =	vmul.f32 v51, v53;
	[tilespmem:s22+$0x50] =	vst v21;
	v53 =	vadd.f32 v44, v40  }
0x2e4: {  	v13 =	vmul.f32 v63, v19;
	v22 =	vmul.f32 v7, v31;
	v2 =	vadd.f32 v23, v18;
	[tilespmem:s22+$0xFFFFFFF0] =	vst v0  }
0x2e5: {  	v46 =	vmul.f32 v51, v54;
	v54 =	vmul.f32 v51, v52;
	v12 =	vadd.f32 v3, v36;
	[tilespmem:s22+$0x90] =	vst v53  }
0x2e6: {  	v10 =	vmul.f32 v10, v59;
	v23 =	vadd.f32 v13, v18;
	v3 =	vmul.f32 v42, v49;
	[tilespmem:s22+$0xFFFFFFE0] =	vst v2  }
0x2e7: {  	v47 =	vmul.f32 v9, v50;
	v50 =	vadd.f32 v22, v57;
	v59 =	vmul.f32 v54, v19;
	[tilespmem:s22+$0x30] =	vst v12  }
0x2e8: {  	v2 =	vmul.f32 v10, v14;
	[tilespmem:s22+$0x60] =	vst v23;
	v57 =	vadd.f32 v3, v36  }
0x2e9: {  	[tilespmem:s22+$0x80] =	vst v50;
	v63 =	vadd.f32 v59, v18  }
0x2ea: {  	p1 =	sne.s32 s26, $0x18;
	v45 =	vadd.f32 v2, v16;
	v2 =	vmul.f32 v46, v56;
	[tilespmem:s22+$0xB0] =	vst v57  }
.Ltmp1:
0x2eb: {  	s2 =	sshll.u32 s26, $0xF;
	v56 =	vadd.f32 v47, v15;
	[tilespmem:s22+$0xE0] =	vst v63;
	(pc) =	sbr.rel @p1 .LBB2_6-.Ltmp1, $4  }
0x2ec: {  	s2 =	sadd.s32 s14, s2;
	[tilespmem:s22+$0x70] =	vst v45;
	v60 =	vadd.f32 v2, v37  }
0x2ed: {  	s2 =	sshrl.u32 s2, $0x3;
	[tilespmem:s22+$0xA0] =	vst v56  }
0x2ee: {  	s2 =	sadd.s32 s6, s2;
	[tilespmem:s22+$0xC0] =	vst v60  }
0x2ef: {  	[hbm4b:s2+s7] =	stream.linear.scatter [tilespmem:s30], [sflag:$0x3], $0x4000, $0x38;
	[tilespmem:$0x10500] =	vst v63  }
.Ltmp2:
0x2f0: {  	(pc) =	sbr.rel .LBB2_7-.Ltmp2, $4  }
0x2f1: {  	_ =	swait.ge [sflag:s31], $0x4000  }
0x2f2: {  	v57 =	vld [tilespmem:$0x1FDF0]  }
0x2f3: {  	[sflag:s31] =	ssyncset.done $0x0;
	v46 =	vld [tilespmem:$0x1FE00]  }
0x2f4: {  	v60 =	vmov v24;
	v54 =	vmov v55;
	v47 =	vld [tilespmem:$0x1FE10];
	[sflag:s31] =	ssyncadd.s32 $0xFFFFC000  }
.LBB2_6:
0x2f5: {  	s2 =	sadd.s32 s19, s15  }
0x2f6: {  	s2 =	sshrl.u32 s2, $0x3  }
0x2f7: {  	s5 =	sadd.s32 s8, s2  }
0x2f8: {  	[tilespmem:s7], [sflag:$0x5] =	stream.linear.gather [hbm4b:s5+s7], $0x80, $0x38;
	[tilespmem:$0x10500] =	vst v63  }
0x2f9: {  	_ =	swait.ge [sflag:s20], $0x80  }
0x2fa: {  	[sflag:s20] =	ssyncset.done $0x0  }
0x2fb: {  	s2 =	sadd.s32 s9, s2;
	[sflag:s20] =	ssyncadd.s32 $0xFFFFFF80  }
0x2fc: {  	[tilespmem:s23], [sflag:$0x5] =	stream.linear.gather [hbm4b:s2+s7], $0x80, $0x38;
	[tilespmem:$0x10500] =	vst v63  }
0x2fd: {  	_ =	swait.ge [sflag:s20], $0x80  }
0x2fe: {  	[sflag:s20] =	ssyncset.done $0x0  }
0x2ff: {  	[sflag:s20] =	ssyncadd.s32 $0xFFFFFF80  }
0x300: {  	[tilespmem:s25], [sflag:$0x1] =	stream.indirect.gather [hbm4b:s1+s24], $0x80, s7, s24, $0xb8;
	[tilespmem:$0x10500] =	vst v63  }
.Ltmp3:
0x301: {  	_ = 	snop;
	(pc) =	sbr.rel @p0 .LBB2_8-.Ltmp3, $4  }
0x302: {  	_ =	swait.ge [sflag:s31], $0x4000  }
0x303: {  	v57 =	vld [tilespmem:$0x1FDF0]  }
0x304: {  	[sflag:s31] =	ssyncset.done $0x0;
	v46 =	vld [tilespmem:$0x1FE00]  }
0x305: {  	v60 =	vmov v24;
	v54 =	vmov v55;
	v47 =	vld [tilespmem:$0x1FE10];
	[sflag:s31] =	ssyncadd.s32 $0xFFFFC000  }
.LBB2_7:
0x306: {  	_ =	swait.ge [sflag:s0], $0x4000  }
0x307: {  	[sflag:s0] =	ssyncset.done $0x0  }
0x308: {  	[sflag:s0] =	ssyncadd.s32 $0xFFFFC000  }
.LBB2_8:
0x309: {  	s2 =	simm.s32 $0x183  }
0x30a: {  	v0 =	vld [tilespmem:s2+$0x0];
	_ =	sdelay $0x4  }
0x30b: {  	(v2sf) =	vpush v0, $0x0;
	_ =	sdelay $0x2  }
0x30c: {  	v62 =	vld [tilespmem:s2+$0xFFFFFFFE]  }
0x30d: {  	v1 =	vld [tilespmem:s2+$0xFFFFFFFF];
	_ =	sdelay $0x1  }
0x30e: {  	v2 =	vld [tilespmem:s2+$0xFFFFFFFD];
	_ =	sdelay $0x1  }
0x30f: {  	(v2sf) =	vpush v62, $0x0  }
0x310: {  	(v2sf) =	vpush v1, $0x0;
	_ =	sdelay $0x1  }
0x311: {  	s21 =	simm.s32 $0x0;
	(v2sf) =	vpush v2, $0x0  }
0x312: {  	v3 =	vld [tilespmem:s21+$0x4480]  }
0x313: {  	v63 =	vld [tilespmem:s21+$0x4490]  }
0x314: {  	v35 =	vld [tilespmem:s21+$0x44A0]  }
0x315: {  	s13 =	spop (v2sf)  }
0x316: {  	v36 =	vld [tilespmem:s21+$0x44B0];
	s2 =	scvt.s32.f32 s13  }
0x317: {  	v3 =	vadd.f32 v3, v32  }
0x318: {  	v6 =	vld [tilespmem:s21+$0x44C0];
	v0 =	vadd.f32 v63, v33;
	v4 =	vmul.f32 s2, v57;
	v5 =	vmul.f32 s2, v41  }
0x319: {  	v1 =	vadd.f32 v35, v34  }
0x31a: {  	v7 =	vmul.f32 s2, v43;
	v11 =	vadd.f32 v4, v3;
	v12 =	vadd.f32 v5, v0  }
0x31b: {  	v39 =	vadd.f32 v36, v25;
	v40 =	vmul.f32 s2, v61  }
0x31c: {  	v10 =	vadd.f32 v7, v1;
	[tilespmem:$0x1F4D0] =	vst v11;
	v4 =	vmul.f32 v11, v11;
	v7 =	vmul.f32 v12, v12  }
0x31d: {  	v42 =	vadd.f32 v6, v26;
	s5 =	spop (v2sf);
	v44 =	vmul.f32 s2, v38;
	[tilespmem:$0x1F4E0] =	vst v12;
	v5 =	vadd.f32 v12, v11  }
0x31e: {  	s5 =	scvt.s32.f32 s5;
	s11 =	spop (v2sf);
	v45 =	vmul.f32 s2, v54;
	v11 =	vadd.f32 v40, v39;
	v37 =	vld [tilespmem:s21+$0x44D0];
	[tilespmem:$0x1F4F0] =	vst v10;
	v4 =	vadd.f32 v7, v4  }
0x31f: {  	s11 =	scvt.s32.f32 s11;
	v3 =	vld [tilespmem:s21+$0x44E0];
	v5 =	vadd.f32 v5, v10;
	v7 =	vmul.f32 v10, v10;
	v10 =	vadd.f32 v42, v44  }
0x320: {  	v53 =	vmul.f32 s2, v46;
	s18 =	spop (v2sf);
	v9 =	vmul.f32 s5, v57;
	[tilespmem:$0x1F500] =	vst v11  }
0x321: {  	s10 =	scvt.s32.f32 s18;
	v21 =	vmul.f32 s5, v43;
	v14 =	vmul.f32 s11, v57;
	v6 =	vld [tilespmem:s21+$0x44F0];
	[tilespmem:$0x1F510] =	vst v10  }
0x322: {  	v51 =	vadd.f32 v4, v7;
	v4 =	vadd.f32 v5, v11;
	v5 =	vmul.f32 v11, v11;
	v7 =	vld [tilespmem:s21+$0x4310]  }
0x323: {  	v16 =	vmul.f32 s11, v41;
	v17 =	vmul.f32 s10, v43;
	v8 =	vld [tilespmem:s21+$0x4380];
	v0 =	vadd.f32 v37, v28  }
0x324: {  	v12 =	vmul.f32 s10, v41;
	v35 =	vld [tilespmem:s21+$0x4390];
	v2 =	vadd.f32 v51, v5;
	v52 =	vadd.f32 v3, v29  }
0x325: {  	v13 =	vld [tilespmem:s21+$0x4410];
	v3 =	vadd.f32 v4, v10;
	v4 =	vmul.f32 v10, v10;
	v63 =	vadd.f32 v0, v45  }
0x326: {  	v5 =	vld [tilespmem:s21+$0x4300];
	v56 =	vadd.f32 v6, v30;
	v6 =	vmul.f32 s2, v47;
	v0 =	vadd.f32 v52, v53  }
0x327: {  	v39 =	vmul.f32 s11, v61;
	v2 =	vadd.f32 v2, v4;
	v3 =	vadd.f32 v3, v63  }
0x328: {  	v4 =	vmul.f32 v63, v63;
	v15 =	vadd.f32 v56, v6;
	v7 =	vadd.f32 v7, v33  }
0x329: {  	v11 =	vmul.f32 s5, v41;
	v18 =	vadd.f32 v8, v32;
	v1 =	vadd.f32 v35, v33  }
0x32a: {  	v19 =	vld [tilespmem:s21+$0x4320];
	v2 =	vadd.f32 v2, v4;
	v3 =	vadd.f32 v3, v0;
	v4 =	vmul.f32 v0, v0  }
0x32b: {  	v10 =	vmul.f32 s10, v57;
	v6 =	vld [tilespmem:s21+$0x4400];
	v13 =	vadd.f32 v13, v33;
	v5 =	vadd.f32 v5, v32  }
0x32c: {  	v2 =	vadd.f32 v2, v4;
	v3 =	vadd.f32 v3, v15;
	v4 =	vmul.f32 v15, v15  }
0x32d: {  	v50 =	vmovc v28;
	v28 =	vmul.f32 s5, v61;
	v7 =	vadd.f32 v12, v7;
	v8 =	vadd.f32 v10, v5;
	v5 =	vld [tilespmem:s21+$0x4420]  }
0x32e: {  	v11 =	vadd.f32 v11, v1;
	v2 =	vadd.f32 v2, v4;
	v4 =	vperm.xlane v3, v48  }
0x32f: {  	v20 =	vld [tilespmem:s21+$0x43A0];
	v10 =	vadd.f32 v9, v18;
	v18 =	vmul.f32 s11, v43;
	v9 =	vadd.f32 v19, v34  }
0x330: {  	v19 =	vld [tilespmem:s21+$0x4330];
	v6 =	vadd.f32 v6, v32;
	v3 =	vadd.f32 v3, v4;
	v4 =	vperm.xlane v2, v48  }
0x331: {  	v22 =	vld [tilespmem:s21+$0x43B0];
	v24 =	vmul.f32 v11, v11;
	v23 =	vadd.f32 v11, v10;
	v9 =	vadd.f32 v17, v9  }
0x332: {  	v62 =	vmovc v25;
	v42 =	vmovc v32;
	v32 =	vmul.f32 s10, v54;
	v5 =	vadd.f32 v5, v34;
	v2 =	vadd.f32 v2, v4  }
0x333: {  	v40 =	vmovc v26;
	v26 =	vld [tilespmem:s21+$0x4430];
	v12 =	vperm.xlane v3, v58;
	v4 =	vadd.f32 v14, v6;
	v6 =	vadd.f32 v16, v13  }
0x334: {  	v45 =	vmovc v30;
	v30 =	vmul.f32 v9, v9;
	v16 =	vadd.f32 v7, v8;
	v5 =	vadd.f32 v18, v5  }
0x335: {  	v18 =	vadd.f32 v19, v62;
	v36 =	vadd.f32 v3, v12;
	v3 =	vperm.xlane v2, v58  }
0x336: {  	v14 =	vmul.f32 v8, v8;
	v19 =	vadd.f32 v22, v62;
	v12 =	vadd.f32 v20, v34  }
0x337: {  	v20 =	vmul.f32 v10, v10;
	v13 =	vperm.xlane v36, v60;
	v2 =	vadd.f32 v2, v3  }
0x338: {  	v22 =	vadd.f32 v26, v62;
	v3 =	vmul.f32 v7, v7;
	v12 =	vadd.f32 v21, v12  }
0x339: {  	v20 =	vadd.f32 v24, v20;
	v24 =	vld [tilespmem:s21+$0x4440];
	v1 =	vadd.f32 v36, v13;
	v13 =	vperm.xlane v2, v60  }
0x33a: {  	v25 =	vmul.f32 v4, v4;
	v16 =	vadd.f32 v16, v9;
	v3 =	vadd.f32 v3, v14  }
0x33b: {  	v23 =	vadd.f32 v23, v12;
	v17 =	vperm.xlane v1, v27;
	v2 =	vadd.f32 v2, v13  }
0x33c: {  	v52 =	vmovc v27;
	v31 =	vmul.f32 v12, v12;
	v13 =	vadd.f32 v6, v4;
	v27 =	vmul.f32 v6, v6  }
0x33d: {  	v3 =	vadd.f32 v3, v30;
	v1 =	vadd.f32 v1, v17;
	v17 =	vperm.xlane v2, v52  }
0x33e: {  	v44 =	vmovc v29;
	v29 =	vld [tilespmem:s21+$0x43C0];
	v21 =	vmul.f32 s10, v61;
	v31 =	vadd.f32 v20, v31;
	v24 =	vadd.f32 v24, v40  }
0x33f: {  	v26 =	vld [tilespmem:s21+$0x4340];
	v25 =	vadd.f32 v27, v25;
	v53 =	vmul.f32 $7.812500000e-03, v1;
	v37 =	vadd.f32 v2, v17  }
0x340: {  	v55 =	vmovc v41;
	v27 =	vmul.f32 v5, v5;
	v41 =	vadd.f32 v13, v5;
	v17 =	vadd.f32 v28, v19  }
0x341: {  	v13 =	vadd.f32 v39, v22;
	v1 =	vmul.f32 $7.812500000e-03, v37;
	v14 =	vmul.f32 v53, v53  }
0x342: {  	v19 =	vmul.f32 s5, v38;
	v25 =	vadd.f32 v25, v27;
	v23 =	vadd.f32 v23, v17  }
0x343: {  	v35 =	vmul.f32 v17, v17;
	v1 =	vsub.f32 v1, v14;
	v14 =	vadd.f32 v21, v18  }
0x344: {  	v2 =	vmul.f32 s11, v38;
	v28 =	vld [tilespmem:s21+$0x4350];
	v21 =	vadd.f32 v26, v40;
	v26 =	vadd.f32 v29, v40  }
0x345: {  	v18 =	vmul.f32 s10, v38;
	v31 =	vadd.f32 v31, v35;
	v35 =	vsub.f32 v15, v53  }
0x346: {  	v59 =	vmovc v61;
	v61 =	vmovc v33;
	v1 =	vadd.f32 $9.999999960e-13, v1;
	v16 =	vadd.f32 v16, v14;
	v33 =	vmul.f32 v14, v14  }
0x347: {  	v39 =	vadd.f32 v21, v18;
	v21 =	vmul.f32 v13, v13;
	v20 =	vadd.f32 v26, v19  }
0x348: {  	v18 =	vadd.f32 v24, v2;
	v22 =	vshra.s32 v1, $0x1;
	v1 =	vmul.f32 $5.000000000e-01, v1  }
0x349: {  	v51 =	vld [tilespmem:s21+$0x4450];
	v26 =	vadd.f32 v28, v50;
	v28 =	vmul.f32 v39, v39;
	v22 =	vsub.s32 $0x5F3759DF, v22  }
0x34a: {  	v56 =	vmovc v34;
	v30 =	vld [tilespmem:s21+$0x43D0];
	v3 =	vadd.f32 v3, v33;
	v34 =	vadd.f32 v16, v39;
	v29 =	vmul.f32 v22, v1  }
0x34b: {  	v36 =	vmul.f32 v20, v20;
	v37 =	vadd.f32 v23, v20;
	v23 =	vadd.f32 v26, v32  }
0x34c: {  	v25 =	vadd.f32 v25, v21;
	v3 =	vadd.f32 v3, v28;
	v27 =	vmul.f32 v22, v29  }
0x34d: {  	v33 =	vld [tilespmem:s21+$0x43E0];
	v34 =	vadd.f32 v34, v23;
	v31 =	vadd.f32 v31, v36  }
0x34e: {  	v24 =	vmul.f32 s11, v54;
	v29 =	vadd.f32 v41, v13;
	v19 =	vsub.f32 $1.500000000e+00, v27  }
0x34f: {  	v41 =	vmul.f32 s5, v54;
	v27 =	vadd.f32 v30, v50;
	v30 =	vadd.f32 v51, v50;
	v51 =	vld [tilespmem:s21+$0x4460]  }
0x350: {  	v26 =	vadd.f32 v29, v18;
	v29 =	vmul.f32 v18, v18;
	v19 =	vmul.f32 v22, v19;
	v22 =	vld [tilespmem:s21+$0x4360]  }
0x351: {  	v49 =	vmovc v38;
	v32 =	vmul.f32 s11, v46;
	v21 =	vadd.f32 v27, v41;
	v38 =	vadd.f32 v30, v24;
	v24 =	vld [tilespmem:s21+$0x4370]  }
0x352: {  	v27 =	vmul.f32 s5, v46;
	v30 =	vadd.f32 v33, v44;
	v25 =	vadd.f32 v25, v29  }
0x353: {  	v16 =	vmul.f32 v19, v1;
	v36 =	vadd.f32 v37, v21;
	v29 =	vmul.f32 v21, v21  }
0x354: {  	v26 =	vadd.f32 v26, v38;
	v37 =	vmul.f32 s5, v47;
	v28 =	vadd.f32 v51, v44  }
0x355: {  	v33 =	vld [tilespmem:s21+$0x43F0];
	v51 =	vmul.f32 v23, v23;
	v16 =	vmul.f32 v16, v19;
	v29 =	vadd.f32 v31, v29  }
0x356: {  	v41 =	vadd.f32 v22, v44;
	v22 =	vmul.f32 s10, v46;
	v24 =	vadd.f32 v24, v45  }
0x357: {  	v3 =	vadd.f32 v3, v51;
	v51 =	vmul.f32 s11, v47;
	v16 =	vsub.f32 $1.500000000e+00, v16  }
0x358: {  	v2 =	vadd.f32 v41, v22;
	v41 =	vadd.f32 v30, v27;
	v27 =	vmul.f32 v38, v38  }
0x359: {  	v22 =	vadd.f32 v28, v32;
	v30 =	vmul.f32 s10, v47;
	v16 =	vmul.f32 v16, v19;
	v19 =	vld [tilespmem:s21+$0x4470]  }
0x35a: {  	v28 =	vadd.f32 v33, v45;
	v33 =	vadd.f32 v34, v2;
	v15 =	vmul.f32 v2, v2  }
0x35b: {  	v31 =	vadd.f32 v36, v41;
	v24 =	vadd.f32 v24, v30;
	v1 =	vmul.f32 v16, v1  }
0x35c: {  	v25 =	vadd.f32 v25, v27;
	v27 =	vmul.f32 v41, v41;
	v26 =	vadd.f32 v26, v22  }
0x35d: {  	v3 =	vadd.f32 v3, v15;
	v15 =	vadd.f32 v33, v24;
	v1 =	vmul.f32 v1, v16  }
0x35e: {  	v30 =	vmul.f32 v22, v22;
	v27 =	vadd.f32 v29, v27;
	v32 =	vadd.f32 v19, v45  }
0x35f: {  	v19 =	vsub.f32 $1.500000000e+00, v1;
	v1 =	vadd.f32 v28, v37  }
0x360: {  	v25 =	vadd.f32 v25, v30;
	v28 =	vmul.f32 v24, v24;
	v37 =	vadd.f32 v32, v51  }
0x361: {  	v30 =	vperm.xlane v15, v48;
	v29 =	vadd.f32 v31, v1;
	v31 =	vmul.f32 v1, v1  }
0x362: {  	v3 =	vadd.f32 v3, v28;
	v26 =	vadd.f32 v26, v37;
	v28 =	vmul.f32 v37, v37  }
0x363: {  	v15 =	vadd.f32 v15, v30;
	v27 =	vadd.f32 v27, v31;
	v31 =	vperm.xlane v29, v48  }
0x364: {  	v36 =	vperm.xlane v3, v48;
	v25 =	vadd.f32 v25, v28;
	v28 =	vperm.xlane v26, v48  }
0x365: {  	v29 =	vadd.f32 v29, v31;
	v30 =	vperm.xlane v27, v48  }
0x366: {  	v3 =	vadd.f32 v3, v36;
	v31 =	vperm.xlane v15, v58;
	v26 =	vadd.f32 v26, v28  }
0x367: {  	v28 =	vperm.xlane v25, v48;
	v51 =	vperm.xlane v29, v58;
	v27 =	vadd.f32 v27, v30  }
0x368: {  	v30 =	vperm.xlane v3, v58;
	v15 =	vadd.f32 v15, v31;
	v36 =	vperm.xlane v26, v58  }
0x369: {  	v25 =	vadd.f32 v25, v28;
	v28 =	vadd.f32 v29, v51;
	v29 =	vperm.xlane v27, v58  }
0x36a: {  	v3 =	vadd.f32 v3, v30;
	v31 =	vperm.xlane v15, v60;
	v26 =	vadd.f32 v26, v36  }
0x36b: {  	v30 =	vperm.xlane v25, v58;
	v32 =	vperm.xlane v28, v60;
	v27 =	vadd.f32 v27, v29  }
0x36c: {  	v29 =	vperm.xlane v3, v60;
	v15 =	vadd.f32 v15, v31;
	v33 =	vperm.xlane v26, v60  }
0x36d: {  	v25 =	vadd.f32 v25, v30;
	v28 =	vadd.f32 v28, v32;
	v30 =	vperm.xlane v27, v60  }
0x36e: {  	v3 =	vadd.f32 v3, v29;
	v31 =	vperm.xlane v15, v52;
	v26 =	vadd.f32 v26, v33  }
0x36f: {  	v29 =	vperm.xlane v25, v60;
	v32 =	vperm.xlane v28, v52;
	v27 =	vadd.f32 v27, v30  }
0x370: {  	v30 =	vperm.xlane v3, v52;
	v15 =	vadd.f32 v15, v31;
	v33 =	vperm.xlane v26, v52  }
0x371: {  	v25 =	vadd.f32 v25, v29;
	v28 =	vadd.f32 v28, v32;
	v29 =	vperm.xlane v27, v52  }
0x372: {  	v3 =	vadd.f32 v3, v30;
	v31 =	vmul.f32 $7.812500000e-03, v15;
	v26 =	vadd.f32 v26, v33  }
0x373: {  	v30 =	vperm.xlane v25, v52;
	v28 =	vmul.f32 $7.812500000e-03, v28;
	v15 =	vadd.f32 v27, v29  }
0x374: {  	v3 =	vmul.f32 $7.812500000e-03, v3;
	v27 =	vmul.f32 v31, v31;
	v8 =	vsub.f32 v8, v31  }
0x375: {  	v7 =	vsub.f32 v7, v31;
	v26 =	vmul.f32 $7.812500000e-03, v26;
	v25 =	vadd.f32 v25, v30  }
0x376: {  	s22 =	simm.s32 $0x187;
	[tilespmem:$0x1F520] =	vst v8;
	v8 =	vmul.f32 $7.812500000e-03, v15;
	v15 =	vmul.f32 v28, v28;
	v3 =	vsub.f32 v3, v27  }
0x377: {  	v29 =	vld [tilespmem:s22+$0x0];
	[tilespmem:$0x1F530] =	vst v7;
	v7 =	vmul.f32 $7.812500000e-03, v25;
	v25 =	vmul.f32 v26, v26  }
0x378: {  	v9 =	vsub.f32 v9, v31;
	v3 =	vadd.f32 $9.999999960e-13, v3  }
0x379: {  	v8 =	vsub.f32 v8, v15;
	v7 =	vsub.f32 v7, v25  }
0x37a: {  	[tilespmem:$0x1F540] =	vst v9;
	v9 =	vshra.s32 v3, $0x1;
	v15 =	vmul.f32 $5.000000000e-01, v3;
	v3 =	vsub.f32 v14, v31  }
0x37b: {  	v8 =	vadd.f32 $9.999999960e-13, v8  }
0x37c: {  	[tilespmem:$0x1F550] =	vst v3;
	v3 =	vadd.f32 $9.999999960e-13, v7;
	v7 =	vsub.s32 $0x5F3759DF, v9  }
0x37d: {  	v9 =	vshra.s32 v8, $0x1;
	v36 =	vmul.f32 $5.000000000e-01, v8;
	v8 =	vmul.f32 v7, v15  }
0x37e: {  	v25 =	vsub.s32 $0x5F3759DF, v9;
	v14 =	vmul.f32 $5.000000000e-01, v3  }
0x37f: {  	v9 =	vshra.s32 v3, $0x1;
	v3 =	vmul.f32 v25, v36;
	v8 =	vmul.f32 v7, v8  }
0x380: {  	v10 =	vsub.f32 v10, v28;
	(v2sf) =	vpush v29, $0x0  }
0x381: {  	v27 =	vsub.s32 $0x5F3759DF, v9;
	v51 =	vmul.f32 v25, v3;
	v3 =	vsub.f32 $1.500000000e+00, v8  }
0x382: {  	v32 =	vsub.f32 v23, v31;
	v11 =	vsub.f32 v11, v28;
	v23 =	vmul.f32 v27, v14  }
0x383: {  	[tilespmem:$0x1F560] =	vst v10;
	v3 =	vmul.f32 v7, v3;
	v7 =	vsub.f32 v12, v28  }
0x384: {  	[tilespmem:$0x1F570] =	vst v11;
	v11 =	vsub.f32 v17, v28;
	v10 =	vmul.f32 v27, v23  }
0x385: {  	[tilespmem:$0x1F580] =	vst v7  }
0x386: {  	v7 =	vsub.f32 $1.500000000e+00, v10;
	v10 =	vld [tilespmem:s22+$0xFFFFFFFE];
	[tilespmem:$0x1F590] =	vst v11;
	v11 =	vsub.f32 v20, v28  }
0x387: {  	v17 =	vsub.f32 v21, v28  }
0x388: {  	v1 =	vsub.f32 v1, v28;
	[tilespmem:$0x1F5A0] =	vst v11  }
0x389: {  	v33 =	vsub.f32 v4, v26;
	v12 =	vld [tilespmem:s22+$0xFFFFFFFF];
	[tilespmem:$0x1F5B0] =	vst v17  }
0x38a: {  	v6 =	vsub.f32 v6, v26;
	v20 =	vld [tilespmem:s22+$0xFFFFFFFD];
	[tilespmem:$0x1F5C0] =	vst v1  }
0x38b: {  	v5 =	vsub.f32 v5, v26;
	v11 =	vmul.f32 v3, v15;
	s22 =	simm.s32 $0x200;
	[tilespmem:$0x1F5D0] =	vst v33  }
0x38c: {  	v4 =	vld [tilespmem:s22+$0x4480];
	[tilespmem:$0x1F5E0] =	vst v6;
	v6 =	vsub.f32 v13, v26  }
0x38d: {  	v34 =	vmul.f32 v11, v3;
	v11 =	vsub.f32 v18, v26;
	[tilespmem:$0x1F5F0] =	vst v5  }
0x38e: {  	v5 =	vld [tilespmem:s22+$0x4490];
	[tilespmem:$0x1F600] =	vst v6  }
0x38f: {  	v6 =	vld [tilespmem:s22+$0x44A0];
	[tilespmem:$0x1F610] =	vst v11;
	v11 =	vsub.f32 v38, v26  }
0x390: {  	s5 =	spop (v2sf)  }
0x391: {  	s2 =	scvt.s32.f32 s5;
	[tilespmem:$0x1F620] =	vst v11;
	v11 =	vsub.f32 v22, v26  }
0x392: {  	(v2sf) =	vpush v10, $0x0  }
0x393: {  	(v2sf) =	vpush v12, $0x0;
	v12 =	vmul.f32 s2, v55;
	v5 =	vadd.f32 v5, v61;
	[tilespmem:$0x1F630] =	vst v11  }
0x394: {  	v10 =	vld [tilespmem:s22+$0x44B0]  }
0x395: {  	(v2sf) =	vpush v20, $0x0;
	v20 =	vadd.f32 v12, v5  }
0x396: {  	v4 =	vadd.f32 v4, v42;
	v11 =	vmul.f32 s2, v57;
	v13 =	vld [tilespmem:s22+$0x44C0]  }
0x397: {  	v18 =	vmul.f32 s2, v43;
	v6 =	vadd.f32 v6, v56;
	[tilespmem:$0x1F690] =	vst v20  }
0x398: {  	v1 =	vsub.f32 $1.500000000e+00, v34;
	v34 =	vadd.f32 v11, v4;
	v4 =	vld [tilespmem:s22+$0x44D0]  }
0x399: {  	v21 =	vadd.f32 v18, v6;
	v6 =	vmul.f32 s2, v59;
	v5 =	vadd.f32 v10, v62  }
0x39a: {  	v18 =	vmul.f32 v20, v20;
	v11 =	vmul.f32 v34, v34;
	v12 =	vadd.f32 v20, v34;
	v10 =	vld [tilespmem:s22+$0x44E0]  }
0x39b: {  	v22 =	vadd.f32 v6, v5;
	v5 =	vadd.f32 v13, v40;
	v6 =	vmul.f32 s2, v49  }
0x39c: {  	v11 =	vadd.f32 v18, v11;
	v12 =	vadd.f32 v12, v21;
	v18 =	vmul.f32 v21, v21;
	v13 =	vld [tilespmem:s22+$0x44F0]  }
0x39d: {  	v4 =	vadd.f32 v4, v50;
	v20 =	vadd.f32 v5, v6;
	v5 =	vmul.f32 s2, v54  }
0x39e: {  	v6 =	vadd.f32 v11, v18;
	v11 =	vadd.f32 v12, v22;
	v12 =	vmul.f32 v22, v22  }
0x39f: {  	v18 =	vadd.f32 v4, v5;
	v4 =	vadd.f32 v10, v44;
	v5 =	vmul.f32 s2, v46  }
0x3a0: {  	v6 =	vadd.f32 v6, v12;
	v10 =	vadd.f32 v11, v20;
	v11 =	vmul.f32 v20, v20  }
0x3a1: {  	[tilespmem:$0x1F6C0] =	vst v20;
	v20 =	vadd.f32 v4, v5;
	v4 =	vadd.f32 v13, v45  }
0x3a2: {  	v5 =	vmul.f32 s2, v47;
	v6 =	vadd.f32 v6, v11;
	v11 =	vmul.f32 v18, v18  }
0x3a3: {  	v17 =	vsub.f32 v41, v28  }
0x3a4: {  	v41 =	vadd.f32 v4, v5;
	v4 =	vadd.f32 v6, v11;
	v6 =	vld [tilespmem:$0x1F4D0];
	_ =	sdelay $0x4  }
0x3a5: {  	v6 =	vsub.f32 v6, v53;
	_ =	sdelay $0x1  }
0x3a6: {  	[tilespmem:$0x1F640] =	vst v6;
	v6 =	vld [tilespmem:$0x1F4E0]  }
0x3a7: {  	v12 =	vmov v18  }
0x3a8: {  	v10 =	vadd.f32 v10, v12;
	v12 =	vmul.f32 v27, v7;
	v7 =	vld [tilespmem:$0x1F4F0]  }
0x3a9: {  	[tilespmem:$0x1F6A0] =	vst v21  }
0x3aa: {  	[tilespmem:$0x1F6B0] =	vst v22  }
0x3ab: {  	[tilespmem:$0x1F6D0] =	vst v18;
	v6 =	vsub.f32 v6, v53  }
0x3ac: {  	[tilespmem:$0x1F6E0] =	vst v20  }
0x3ad: {  	v1 =	vmul.f32 v1, v3;
	v3 =	vld [tilespmem:$0x1F510];
	v7 =	vsub.f32 v7, v53;
	[tilespmem:$0x1F650] =	vst v6  }
0x3ae: {  	v30 =	vsub.f32 v0, v53;
	v5 =	vmul.f32 v20, v20;
	v6 =	vld [tilespmem:s22+$0x4300]  }
0x3af: {  	v29 =	vsub.f32 v39, v31;
	v10 =	vadd.f32 v10, v20;
	[tilespmem:$0x1F660] =	vst v7;
	v7 =	vld [tilespmem:$0x1F500]  }
0x3b0: {  	v9 =	vsub.f32 v2, v31;
	v4 =	vadd.f32 v4, v5;
	v5 =	vmul.f32 v41, v41  }
0x3b1: {  	v2 =	vsub.f32 $1.500000000e+00, v51;
	v10 =	vadd.f32 v10, v41  }
0x3b2: {  	v3 =	vsub.f32 v3, v53;
	v4 =	vadd.f32 v4, v5  }
0x3b3: {  	v8 =	vsub.f32 v24, v31;
	v2 =	vmul.f32 v25, v2;
	s10 =	spop (v2sf);
	v39 =	vperm.xlane v10, v48;
	v13 =	vld [tilespmem:s22+$0x4380]  }
0x3b4: {  	s12 =	scvt.s32.f32 s10;
	v5 =	vperm.xlane v4, v48;
	v31 =	vsub.f32 v7, v53;
	v7 =	vld [tilespmem:s22+$0x4310];
	[tilespmem:$0x1F670] =	vst v3;
	v3 =	vsub.f32 v63, v53  }
0x3b5: {  	v51 =	vmul.f32 v19, v16;
	s11 =	spop (v2sf);
	v11 =	vmul.f32 v2, v36;
	v0 =	vadd.f32 v10, v39  }
0x3b6: {  	v16 =	vmul.f32 s12, v57;
	v19 =	vmul.f32 s12, v55;
	s13 =	spop (v2sf);
	s10 =	scvt.s32.f32 s11;
	v4 =	vadd.f32 v4, v5;
	[tilespmem:$0x1F680] =	vst v3  }
0x3b7: {  	s18 =	scvt.s32.f32 s13;
	v11 =	vmul.f32 v11, v2;
	v22 =	vperm.xlane v0, v58;
	v3 =	vld [tilespmem:s22+$0x4390]  }
0x3b8: {  	v25 =	vmul.f32 s10, v57;
	v23 =	vperm.xlane v4, v58  }
0x3b9: {  	v21 =	vmul.f32 s18, v57;
	v11 =	vsub.f32 $1.500000000e+00, v11;
	v0 =	vadd.f32 v0, v22  }
0x3ba: {  	v5 =	vmul.f32 s18, v55;
	v4 =	vadd.f32 v4, v23;
	v20 =	vld [tilespmem:s22+$0x4400];
	v7 =	vadd.f32 v7, v61  }
0x3bb: {  	v2 =	vmul.f32 v11, v2;
	v6 =	vadd.f32 v6, v42;
	v10 =	vadd.f32 v13, v42;
	v13 =	vld [tilespmem:s22+$0x4410]  }
0x3bc: {  	v53 =	vmul.f32 s10, v43;
	v57 =	vadd.f32 v5, v7;
	v5 =	vld [tilespmem:s22+$0x43A0];
	v3 =	vadd.f32 v3, v61  }
0x3bd: {  	v33 =	vadd.f32 v21, v6;
	v38 =	vadd.f32 v16, v10;
	v10 =	vperm.xlane v4, v60;
	v7 =	vld [tilespmem:s22+$0x4420]  }
0x3be: {  	v6 =	vmul.f32 s10, v55;
	v24 =	vld [tilespmem:s22+$0x4320];
	v39 =	vadd.f32 v19, v3;
	v3 =	vperm.xlane v0, v60  }
0x3bf: {  	v21 =	vmul.f32 s18, v43;
	v4 =	vadd.f32 v4, v10;
	v20 =	vadd.f32 v20, v42  }
0x3c0: {  	v16 =	vmul.f32 s12, v43;
	v13 =	vadd.f32 v13, v61;
	v3 =	vadd.f32 v0, v3  }
0x3c1: {  	v10 =	vmul.f32 v33, v33;
	v55 =	vadd.f32 v25, v20;
	v5 =	vadd.f32 v5, v56  }
0x3c2: {  	v43 =	vadd.f32 v6, v13;
	v7 =	vadd.f32 v7, v56;
	v13 =	vperm.xlane v3, v52  }
0x3c3: {  	v19 =	vadd.f32 v24, v56;
	v6 =	vadd.f32 v16, v5;
	v5 =	vperm.xlane v4, v52;
	v16 =	vld [tilespmem:s22+$0x4330]  }
0x3c4: {  	v53 =	vadd.f32 v53, v7;
	v7 =	vmul.f32 v57, v57;
	v3 =	vadd.f32 v3, v13  }
0x3c5: {  	v13 =	vmul.f32 v38, v38;
	v4 =	vadd.f32 v4, v5;
	v5 =	vmul.f32 v39, v39  }
0x3c6: {  	v22 =	vmul.f32 s18, v59;
	v63 =	vadd.f32 v21, v19;
	v10 =	vadd.f32 v7, v10;
	v7 =	vld [tilespmem:s22+$0x43B0]  }
0x3c7: {  	v19 =	vmul.f32 v43, v43;
	v42 =	vmul.f32 $7.812500000e-03, v3;
	v3 =	vadd.f32 v5, v13;
	v13 =	vld [tilespmem:s22+$0x4430]  }
0x3c8: {  	v21 =	vmul.f32 v12, v14;
	v5 =	vmul.f32 v55, v55;
	v16 =	vadd.f32 v16, v62  }
0x3c9: {  	v18 =	vsub.f32 v37, v26;
	v4 =	vmul.f32 $7.812500000e-03, v4;
	v20 =	vmul.f32 v42, v42  }
0x3ca: {  	v11 =	vmul.f32 s12, v59;
	v19 =	vadd.f32 v19, v5;
	v5 =	vadd.f32 v22, v16  }
0x3cb: {  	v7 =	vadd.f32 v7, v62;
	v22 =	vld [tilespmem:s22+$0x4440];
	v23 =	vsub.f32 v4, v20;
	v4 =	vmul.f32 v21, v12  }
0x3cc: {  	v24 =	vmul.f32 v63, v63;
	v16 =	vld [tilespmem:s22+$0x4340];
	v21 =	vmul.f32 s10, v59;
	v13 =	vadd.f32 v13, v62  }
0x3cd: {  	v25 =	vmul.f32 v6, v6;
	v20 =	vld [tilespmem:s22+$0x43C0];
	v11 =	vadd.f32 v11, v7;
	v4 =	vsub.f32 $1.500000000e+00, v4  }
0x3ce: {  	v37 =	vadd.f32 v21, v13;
	v13 =	vmul.f32 v53, v53;
	v21 =	vmul.f32 v2, v36  }
0x3cf: {  	v3 =	vadd.f32 v3, v25;
	v25 =	vmul.f32 v11, v11;
	v4 =	vmul.f32 v4, v12  }
0x3d0: {  	v12 =	vadd.f32 v10, v24;
	v10 =	vmul.f32 v1, v15;
	v22 =	vadd.f32 v22, v40  }
0x3d1: {  	v24 =	vmul.f32 s10, v49;
	v19 =	vadd.f32 v19, v13;
	v13 =	vadd.f32 v16, v40  }
0x3d2: {  	v15 =	vadd.f32 v20, v40;
	v16 =	vmul.f32 s18, v49;
	v20 =	vmul.f32 s12, v49  }
0x3d3: {  	v7 =	vld [tilespmem:$0x1F550];
	v26 =	vmul.f32 v37, v37;
	v3 =	vadd.f32 v3, v25;
	v25 =	vmul.f32 s10, v54  }
0x3d4: {  	v36 =	vld [tilespmem:$0x1F530];
	v14 =	vmul.f32 v4, v14;
	v59 =	vadd.f32 v15, v20;
	v15 =	vmul.f32 v10, v1  }
0x3d5: {  	v13 =	vadd.f32 v13, v16;
	v16 =	vld [tilespmem:s22+$0x4350];
	v10 =	vadd.f32 v22, v24;
	v20 =	vmul.f32 v21, v2  }
0x3d6: {  	v22 =	vld [tilespmem:s22+$0x4450];
	v24 =	vmul.f32 v5, v5;
	v14 =	vmul.f32 v14, v4;
	v15 =	vsub.f32 $1.500000000e+00, v15  }
0x3d7: {  	v21 =	vld [tilespmem:s22+$0x43D0];
	v19 =	vadd.f32 v19, v26;
	v20 =	vsub.f32 $1.500000000e+00, v20;
	v26 =	vmul.f32 v13, v13  }
0x3d8: {  	v1 =	vmul.f32 v15, v1;
	v15 =	vadd.f32 v12, v24;
	v12 =	vsub.f32 $1.500000000e+00, v14  }
0x3d9: {  	v27 =	vmul.f32 v59, v59;
	v2 =	vmul.f32 v20, v2  }
0x3da: {  	v24 =	vmul.f32 s12, v54;
	v28 =	vmul.f32 v12, v4;
	v4 =	vld [tilespmem:s22+$0x43E0]  }
0x3db: {  	v14 =	vadd.f32 v16, v50;
	v16 =	vmul.f32 s18, v54;
	v22 =	vadd.f32 v22, v50  }
0x3dc: {  	v20 =	vadd.f32 v21, v50;
	v21 =	vld [tilespmem:s22+$0x4360];
	v0 =	vmul.f32 v1, v36;
	v7 =	vmul.f32 v1, v7  }
0x3dd: {  	v16 =	vadd.f32 v14, v16;
	v12 =	vadd.f32 v22, v25;
	v22 =	vmul.f32 v10, v10  }
0x3de: {  	v14 =	vadd.f32 v20, v24;
	v20 =	vadd.f32 v15, v26;
	v15 =	vld [tilespmem:s22+$0x4460];
	[tilespmem:$0x1F700] =	vst v7;
	v7 =	vmul.f32 v1, v29  }
0x3df: {  	v22 =	vadd.f32 v19, v22;
	v19 =	vmul.f32 s12, v46;
	v4 =	vadd.f32 v4, v44  }
0x3e0: {  	v24 =	vmul.f32 s18, v46;
	[tilespmem:$0x1F710] =	vst v7;
	v7 =	vmul.f32 v1, v32  }
0x3e1: {  	[tilespmem:$0x1F6F0] =	vst v0;
	v21 =	vadd.f32 v21, v44;
	v19 =	vadd.f32 v4, v19;
	v4 =	vmul.f32 v1, v9  }
0x3e2: {  	v62 =	vld [tilespmem:$0x1F520];
	[tilespmem:$0x1F720] =	vst v7  }
0x3e3: {  	v3 =	vadd.f32 v3, v27;
	v0 =	vadd.f32 v21, v24;
	v21 =	vld [tilespmem:s22+$0x4370];
	[tilespmem:$0x1F730] =	vst v4;
	v4 =	vmul.f32 v14, v14  }
0x3e4: {  	v40 =	vld [tilespmem:$0x1F540]  }
0x3e5: {  	v3 =	vadd.f32 v3, v4;
	v4 =	vld [tilespmem:$0x1F560];
	_ =	sdelay $0x1  }
0x3e6: {  	v7 =	vld [tilespmem:$0x1F570]  }
0x3e7: {  	v56 =	vmul.f32 v1, v62  }
0x3e8: {  	v61 =	vmul.f32 v1, v40;
	v1 =	vmul.f32 v1, v8  }
0x3e9: {  	v4 =	vmul.f32 v2, v4  }
0x3ea: {  	[tilespmem:$0x1F740] =	vst v1  }
0x3eb: {  	v8 =	vld [tilespmem:s22+$0x43F0];
	v7 =	vmul.f32 v2, v7;
	[tilespmem:$0x1F750] =	vst v4  }
0x3ec: {  	v9 =	vld [tilespmem:s22+$0x4470]  }
0x3ed: {  	[tilespmem:$0x1F760] =	vst v7;
	v7 =	vld [tilespmem:$0x1F5A0];
	_ =	sdelay $0x4  }
0x3ee: {  	v7 =	vmul.f32 v2, v7  }
0x3ef: {  	v4 =	vmul.f32 v12, v12  }
0x3f0: {  	[tilespmem:$0x1F790] =	vst v7;
	v7 =	vld [tilespmem:$0x1F5B0]  }
0x3f1: {  	v22 =	vadd.f32 v22, v4;
	v4 =	vld [tilespmem:$0x1F580];
	_ =	sdelay $0x3  }
0x3f2: {  	v7 =	vmul.f32 v2, v7  }
0x3f3: {  	v4 =	vmul.f32 v2, v4  }
0x3f4: {  	[tilespmem:$0x1F7A0] =	vst v7;
	v7 =	vmul.f32 v2, v17  }
0x3f5: {  	[tilespmem:$0x1F770] =	vst v4;
	v4 =	vld [tilespmem:$0x1F590]  }
0x3f6: {  	[tilespmem:$0x1F7B0] =	vst v7;
	v7 =	vld [tilespmem:$0x1F5C0];
	_ =	sdelay $0x4  }
0x3f7: {  	v4 =	vmul.f32 v2, v4;
	v2 =	vmul.f32 v2, v7;
	v7 =	vld [tilespmem:$0x1F5D0];
	_ =	sdelay $0x4  }
0x3f8: {  	v7 =	vmul.f32 v28, v7;
	_ =	sdelay $0x1  }
0x3f9: {  	[tilespmem:$0x1F7D0] =	vst v7;
	v7 =	vld [tilespmem:$0x1F5E0];
	_ =	sdelay $0x4  }
0x3fa: {  	v7 =	vmul.f32 v28, v7;
	_ =	sdelay $0x1  }
0x3fb: {  	[tilespmem:$0x1F7E0] =	vst v7;
	v7 =	vld [tilespmem:$0x1F5F0];
	_ =	sdelay $0x4  }
0x3fc: {  	v7 =	vmul.f32 v28, v7;
	_ =	sdelay $0x1  }
0x3fd: {  	[tilespmem:$0x1F7F0] =	vst v7;
	v7 =	vld [tilespmem:$0x1F600];
	_ =	sdelay $0x4  }
0x3fe: {  	v7 =	vmul.f32 v28, v7;
	_ =	sdelay $0x1  }
0x3ff: {  	[tilespmem:$0x1F800] =	vst v7;
	v7 =	vld [tilespmem:$0x1F610];
	_ =	sdelay $0x1  }
0x400: {  	v25 =	vmul.f32 v16, v16;
	_ =	sdelay $0x1  }
0x401: {  	v49 =	vadd.f32 v20, v25  }
0x402: {  	v20 =	vadd.f32 v21, v45;
	v21 =	vmul.f32 s18, v47;
	v7 =	vmul.f32 v28, v7  }
0x403: {  	v8 =	vadd.f32 v8, v45;
	[tilespmem:$0x1F780] =	vst v4  }
0x404: {  	v17 =	vmul.f32 s12, v47;
	v4 =	vadd.f32 v20, v21;
	v21 =	vadd.f32 v57, v33;
	[tilespmem:$0x1F810] =	vst v7;
	v7 =	vld [tilespmem:$0x1F620]  }
0x405: {  	v15 =	vadd.f32 v15, v44;
	v9 =	vadd.f32 v9, v45;
	v20 =	vmul.f32 s10, v47  }
0x406: {  	v62 =	vadd.f32 v8, v17;
	v8 =	vmul.f32 v0, v0;
	v50 =	vadd.f32 v21, v63  }
0x407: {  	v17 =	vmul.f32 v19, v19;
	v20 =	vadd.f32 v9, v20;
	v9 =	vadd.f32 v39, v38  }
0x408: {  	v1 =	vadd.f32 v49, v8;
	[tilespmem:$0x1F7C0] =	vst v2;
	v2 =	vadd.f32 v50, v5  }
0x409: {  	v3 =	vadd.f32 v3, v17;
	v8 =	vadd.f32 $9.999999960e-13, v23;
	v7 =	vmul.f32 v28, v7  }
0x40a: {  	v24 =	vmul.f32 s10, v46;
	v17 =	vadd.f32 v43, v55;
	v2 =	vadd.f32 v2, v13  }
0x40b: {  	v23 =	vshra.s32 v8, $0x1;
	v21 =	vmul.f32 $5.000000000e-01, v8;
	v8 =	vadd.f32 v9, v6;
	[tilespmem:$0x1F820] =	vst v7;
	v7 =	vld [tilespmem:$0x1F630]  }
0x40c: {  	v9 =	vadd.f32 v17, v53;
	v2 =	vadd.f32 v2, v16  }
0x40d: {  	v15 =	vadd.f32 v15, v24  }
0x40e: {  	v17 =	vsub.s32 $0x5F3759DF, v23;
	v9 =	vadd.f32 v9, v37;
	v2 =	vadd.f32 v2, v0  }
0x40f: {  	v24 =	vmul.f32 v4, v4;
	v23 =	vmul.f32 v17, v21;
	v8 =	vadd.f32 v8, v11  }
0x410: {  	v9 =	vadd.f32 v9, v10;
	v2 =	vadd.f32 v2, v4;
	v7 =	vmul.f32 v28, v7  }
0x411: {  	v1 =	vadd.f32 v1, v24;
	v23 =	vmul.f32 v17, v23;
	v8 =	vadd.f32 v8, v59  }
0x412: {  	v9 =	vadd.f32 v9, v12;
	v24 =	vperm.xlane v2, v48;
	[tilespmem:$0x1F830] =	vst v7;
	v7 =	vmul.f32 v28, v18  }
0x413: {  	v23 =	vsub.f32 $1.500000000e+00, v23;
	v8 =	vadd.f32 v8, v14  }
0x414: {  	v9 =	vadd.f32 v9, v15;
	v2 =	vadd.f32 v2, v24;
	[tilespmem:$0x1F840] =	vst v7;
	v7 =	vld [tilespmem:$0x1F640]  }
0x415: {  	v8 =	vadd.f32 v8, v19;
	v18 =	vmul.f32 v15, v15  }
0x416: {  	v23 =	vmul.f32 v17, v23;
	v9 =	vadd.f32 v9, v20;
	v24 =	vperm.xlane v2, v58  }
0x417: {  	v8 =	vadd.f32 v8, v62;
	v17 =	vadd.f32 v22, v18;
	v18 =	vperm.xlane v1, v48  }
0x418: {  	v25 =	vperm.xlane v9, v48;
	v2 =	vadd.f32 v2, v24;
	v22 =	vmul.f32 v62, v62  }
0x419: {  	v1 =	vadd.f32 v1, v18;
	v18 =	vmul.f32 v20, v20;
	v7 =	vmul.f32 v51, v7  }
0x41a: {  	v9 =	vadd.f32 v9, v25;
	v3 =	vadd.f32 v3, v22;
	v22 =	vperm.xlane v8, v48  }
0x41b: {  	v24 =	vperm.xlane v2, v60;
	v17 =	vadd.f32 v17, v18;
	v18 =	vperm.xlane v1, v58;
	[tilespmem:$0x1F850] =	vst v7;
	v7 =	vld [tilespmem:$0x1F650]  }
0x41c: {  	v25 =	vperm.xlane v9, v58;
	v8 =	vadd.f32 v8, v22;
	v22 =	vperm.xlane v3, v48  }
0x41d: {  	v2 =	vadd.f32 v2, v24;
	v1 =	vadd.f32 v1, v18;
	v18 =	vperm.xlane v17, v48  }
0x41e: {  	v9 =	vadd.f32 v9, v25;
	v3 =	vadd.f32 v3, v22;
	v22 =	vperm.xlane v8, v58  }
0x41f: {  	v24 =	vperm.xlane v2, v52;
	v17 =	vadd.f32 v17, v18;
	v18 =	vperm.xlane v1, v60  }
0x420: {  	v8 =	vadd.f32 v8, v22;
	v22 =	vperm.xlane v3, v58;
	v40 =	vmul.f32 v51, v7;
	v7 =	vld [tilespmem:$0x1F660]  }
0x421: {  	v25 =	vperm.xlane v9, v60;
	v1 =	vadd.f32 v1, v18;
	v18 =	vperm.xlane v17, v58  }
0x422: {  	v2 =	vadd.f32 v2, v24;
	v3 =	vadd.f32 v3, v22;
	v22 =	vperm.xlane v8, v60  }
0x423: {  	v9 =	vadd.f32 v9, v25;
	v17 =	vadd.f32 v17, v18;
	v18 =	vperm.xlane v1, v52  }
0x424: {  	v2 =	vmul.f32 $7.812500000e-03, v2;
	v8 =	vadd.f32 v8, v22;
	v22 =	vperm.xlane v3, v60  }
0x425: {  	v1 =	vadd.f32 v1, v18;
	v18 =	vperm.xlane v17, v60;
	v7 =	vmul.f32 v51, v7  }
0x426: {  	v24 =	vperm.xlane v9, v52;
	v3 =	vadd.f32 v3, v22;
	v22 =	vperm.xlane v8, v52  }
0x427: {  	v17 =	vadd.f32 v17, v18;
	v1 =	vmul.f32 $7.812500000e-03, v1;
	v18 =	vmul.f32 v2, v2;
	[tilespmem:$0x1F860] =	vst v7;
	v7 =	vld [tilespmem:$0x1F670]  }
0x428: {  	v29 =	vmul.f32 v23, v21;
	v9 =	vadd.f32 v9, v24  }
0x429: {  	v8 =	vadd.f32 v8, v22;
	v22 =	vperm.xlane v3, v52;
	v1 =	vsub.f32 v1, v18  }
0x42a: {  	v29 =	vmul.f32 v29, v23;
	v18 =	vperm.xlane v17, v52  }
0x42b: {  	v25 =	vmul.f32 $7.812500000e-03, v9;
	v3 =	vadd.f32 v3, v22;
	v1 =	vadd.f32 $9.999999960e-13, v1  }
0x42c: {  	v22 =	vmul.f32 $7.812500000e-03, v8;
	v8 =	vadd.f32 v17, v18;
	v7 =	vmul.f32 v51, v7  }
0x42d: {  	v3 =	vmul.f32 $7.812500000e-03, v3;
	v9 =	vshra.s32 v1, $0x1;
	v1 =	vmul.f32 $5.000000000e-01, v1  }
0x42e: {  	v17 =	vmul.f32 v22, v22;
	v8 =	vmul.f32 $7.812500000e-03, v8;
	v26 =	vsub.s32 $0x5F3759DF, v9;
	[tilespmem:$0x1F870] =	vst v7;
	v7 =	vld [tilespmem:$0x1F680]  }
0x42f: {  	v9 =	vmul.f32 v25, v25;
	v27 =	vmul.f32 v26, v1  }
0x430: {  	v29 =	vsub.f32 $1.500000000e+00, v29;
	v3 =	vsub.f32 v3, v17  }
0x431: {  	v32 =	vsub.f32 v33, v2;
	v28 =	vsub.f32 v8, v9;
	v27 =	vmul.f32 v26, v27  }
0x432: {  	v49 =	vmul.f32 v51, v31;
	v47 =	vsub.f32 v57, v2;
	v3 =	vadd.f32 $9.999999960e-13, v3  }
0x433: {  	v28 =	vadd.f32 $9.999999960e-13, v28;
	v27 =	vsub.f32 $1.500000000e+00, v27;
	v36 =	vmul.f32 v51, v7  }
0x434: {  	v7 =	vmul.f32 v51, v30;
	v30 =	vshra.s32 v3, $0x1;
	v3 =	vmul.f32 $5.000000000e-01, v3  }
0x435: {  	v31 =	vshra.s32 v28, $0x1;
	v28 =	vmul.f32 $5.000000000e-01, v28;
	v30 =	vsub.s32 $0x5F3759DF, v30  }
0x436: {  	v26 =	vmul.f32 v26, v27;
	v27 =	vsub.s32 $0x5F3759DF, v31;
	v31 =	vmul.f32 v30, v3  }
0x437: {  	v50 =	vsub.f32 v63, v2;
	v16 =	vsub.f32 v16, v2;
	v54 =	vmul.f32 v27, v28  }
0x438: {  	v43 =	vsub.f32 v43, v25;
	v63 =	vsub.f32 v12, v25;
	v31 =	vmul.f32 v30, v31  }
0x439: {  	v58 =	vsub.f32 v5, v2;
	v18 =	vsub.f32 v14, v22;
	v5 =	vmul.f32 v27, v54  }
0x43a: {  	v60 =	vmul.f32 v26, v1;
	[tilespmem:$0x1F880] =	vst v7;
	v7 =	vsub.f32 v13, v2;
	v13 =	vsub.f32 $1.500000000e+00, v31  }
0x43b: {  	v29 =	vmul.f32 v29, v23;
	v17 =	vsub.f32 v62, v22;
	v5 =	vsub.f32 $1.500000000e+00, v5  }
0x43c: {  	v31 =	vmul.f32 v60, v26;
	v13 =	vmul.f32 v30, v13;
	v30 =	vsub.f32 v0, v2  }
0x43d: {  	v2 =	vsub.f32 v4, v2;
	v4 =	vmul.f32 v27, v5;
	v5 =	vmul.f32 v29, v21  }
0x43e: {  	v44 =	vld [tilespmem:$0x1F690];
	v24 =	vmul.f32 v51, v35;
	v62 =	vsub.f32 v37, v25;
	v8 =	vsub.f32 v39, v22  }
0x43f: {  	v39 =	vsub.f32 v55, v25;
	v23 =	vsub.f32 $1.500000000e+00, v31;
	v5 =	vmul.f32 v5, v29  }
0x440: {  	v60 =	vsub.f32 v15, v25;
	v31 =	vsub.f32 v6, v22;
	v6 =	vmul.f32 v13, v3  }
0x441: {  	v21 =	vmul.f32 v23, v26;
	v23 =	vsub.f32 v59, v22;
	v5 =	vsub.f32 $1.500000000e+00, v5  }
0x442: {  	v59 =	vsub.f32 v20, v25;
	v14 =	vmul.f32 v6, v13;
	v6 =	vsub.f32 v53, v25  }
0x443: {  	v51 =	vmul.f32 v5, v29;
	v5 =	vsub.f32 v10, v25;
	v25 =	vsub.f32 v44, v42;
	v44 =	vld [tilespmem:$0x1FE70];
	_ =	sdelay $0x1  }
0x444: {  	v9 =	vsub.f32 v19, v22;
	v19 =	vmul.f32 v21, v1  }
0x445: {  	v57 =	vld [tilespmem:$0x1F6F0];
	v14 =	vsub.f32 $1.500000000e+00, v14  }
0x446: {  	[tilespmem:$0x1F8A0] =	vst v43;
	v43 =	vld [tilespmem:$0x1FDC0];
	v19 =	vmul.f32 v19, v21  }
0x447: {  	v13 =	vmul.f32 v14, v13;
	v14 =	vmul.f32 v56, v44;
	v56 =	vld [tilespmem:$0x1FE80]  }
0x448: {  	v45 =	vld [tilespmem:$0x1F6A0]  }
0x449: {  	v33 =	vld [tilespmem:$0x1FDE0];
	v10 =	vsub.f32 $1.500000000e+00, v19;
	_ =	sdelay $0x1  }
0x44a: {  	v46 =	vld [tilespmem:$0x1F6B0];
	v21 =	vmul.f32 v10, v21  }
0x44b: {  	v10 =	vmul.f32 v24, v43;
	v15 =	vmul.f32 v57, v56;
	v57 =	vld [tilespmem:$0x1FEB0]  }
0x44c: {  	v29 =	vsub.f32 v45, v42;
	v45 =	vld [tilespmem:$0x1FE90]  }
0x44d: {  	v48 =	vld [tilespmem:$0x1F6C0];
	v10 =	vadd.f32 v10, v33  }
0x44e: {  	v52 =	vld [tilespmem:$0x1F6D0];
	[tilespmem:$0x1F890] =	vst v39  }
0x44f: {  	v35 =	vsub.f32 v11, v22;
	v55 =	vld [tilespmem:$0x1F6E0];
	v11 =	vmul.f32 v4, v28;
	[tilespmem:s21+$0xC4F0] =	vst v10  }
0x450: {  	v53 =	vsub.f32 v46, v42;
	v46 =	vld [tilespmem:$0x1FEC0];
	v14 =	vadd.f32 v14, v57  }
0x451: {  	v11 =	vmul.f32 v11, v4;
	v19 =	vmul.f32 v61, v45;
	v61 =	vld [tilespmem:$0x1FE20]  }
0x452: {  	v24 =	vsub.f32 v34, v42;
	v34 =	vld [tilespmem:$0x1F700];
	[tilespmem:s21+$0xC300] =	vst v14  }
0x453: {  	v54 =	vsub.f32 v48, v42;
	v11 =	vsub.f32 $1.500000000e+00, v11;
	v48 =	vld [tilespmem:$0x1FDD0];
	_ =	sdelay $0x1  }
0x454: {  	v11 =	vmul.f32 v11, v4;
	v10 =	vadd.f32 v15, v46  }
0x455: {  	v26 =	vsub.f32 v38, v22;
	v38 =	vld [tilespmem:$0x1FEA0]  }
0x456: {  	v12 =	vmul.f32 v11, v28;
	v37 =	vld [tilespmem:$0x1F710];
	[tilespmem:s21+$0xC310] =	vst v10  }
0x457: {  	v3 =	vmul.f32 v13, v3;
	v27 =	vld [tilespmem:$0x1FED0];
	v14 =	vadd.f32 v19, v48  }
0x458: {  	v4 =	vsub.f32 v52, v42;
	v52 =	vsub.f32 v55, v42;
	v12 =	vmul.f32 v12, v11;
	v55 =	vld [tilespmem:$0x1FE30]  }
0x459: {  	v3 =	vmul.f32 v3, v13;
	v39 =	vld [tilespmem:$0x1F720];
	[tilespmem:s21+$0xC320] =	vst v14  }
0x45a: {  	v12 =	vsub.f32 $1.500000000e+00, v12;
	v20 =	vmul.f32 v34, v61;
	v1 =	vld [tilespmem:$0x1FEE0]  }
0x45b: {  	v3 =	vsub.f32 $1.500000000e+00, v3  }
0x45c: {  	v10 =	vmul.f32 v12, v11;
	v12 =	vadd.f32 v20, v27;
	v0 =	vld [tilespmem:$0x1FE40]  }
0x45d: {  	v22 =	vsub.f32 v41, v42;
	v3 =	vmul.f32 v3, v13;
	v13 =	vmul.f32 v37, v38;
	v41 =	vld [tilespmem:$0x1F730]  }
0x45e: {  	v42 =	vld [tilespmem:$0x1F740];
	[tilespmem:s21+$0xC330] =	vst v12  }
0x45f: {  	v12 =	vld [tilespmem:$0x1F750];
	v13 =	vadd.f32 v13, v1  }
0x460: {  	v11 =	vmul.f32 v39, v55;
	v39 =	vld [tilespmem:$0x1FE50]  }
0x461: {  	v19 =	vld [tilespmem:$0x1F760];
	[tilespmem:s21+$0xC340] =	vst v13  }
0x462: {  	v13 =	vld [tilespmem:$0x1F770];
	_ =	sdelay $0x2  }
0x463: {  	v11 =	vadd.f32 v11, v39  }
0x464: {  	v34 =	vld [tilespmem:$0x1FE60]  }
0x465: {  	v37 =	vmul.f32 v13, v45;
	v13 =	vld [tilespmem:$0x1F780];
	[tilespmem:s21+$0xC350] =	vst v11  }
0x466: {  	v11 =	vld [tilespmem:$0x1F790];
	_ =	sdelay $0x1  }
0x467: {  	v12 =	vmul.f32 v12, v44  }
0x468: {  	v15 =	vmul.f32 v42, v43  }
0x469: {  	v14 =	vmul.f32 v41, v0;
	v12 =	vadd.f32 v12, v57  }
0x46a: {  	v28 =	vmul.f32 v19, v56;
	v42 =	vmul.f32 v11, v38;
	v11 =	vadd.f32 v15, v33  }
0x46b: {  	[tilespmem:s21+$0xC380] =	vst v12;
	v41 =	vmul.f32 v13, v61;
	v13 =	vadd.f32 v14, v34  }
0x46c: {  	[tilespmem:s21+$0xC370] =	vst v11;
	v11 =	vadd.f32 v28, v46  }
0x46d: {  	[tilespmem:s21+$0xC360] =	vst v13;
	v28 =	vadd.f32 v37, v48  }
0x46e: {  	[tilespmem:s21+$0xC390] =	vst v11  }
0x46f: {  	v16 =	vmul.f32 v21, v16;
	v19 =	vmul.f32 v21, v32;
	v32 =	vld [tilespmem:$0x1F7A0];
	[tilespmem:s21+$0xC3A0] =	vst v28  }
0x470: {  	v20 =	vmul.f32 v21, v47;
	v15 =	vmul.f32 v21, v7;
	v7 =	vld [tilespmem:$0x1F7B0]  }
0x471: {  	v12 =	vmul.f32 v21, v30;
	v14 =	vmul.f32 v21, v58  }
0x472: {  	v13 =	vmul.f32 v21, v50;
	v11 =	vmul.f32 v21, v2;
	v21 =	vadd.f32 v41, v27;
	_ =	sdelay $0x1  }
0x473: {  	[tilespmem:s21+$0xC3B0] =	vst v21  }
0x474: {  	v28 =	vmul.f32 v7, v0;
	v7 =	vld [tilespmem:$0x1F7C0];
	_ =	sdelay $0x4  }
0x475: {  	v21 =	vmul.f32 v7, v43;
	v7 =	vld [tilespmem:$0x1F7D0];
	_ =	sdelay $0x1  }
0x476: {  	v30 =	vadd.f32 v42, v1;
	v2 =	vmul.f32 v32, v55;
	_ =	sdelay $0x1  }
0x477: {  	v2 =	vadd.f32 v2, v39;
	[tilespmem:s21+$0xC3C0] =	vst v30  }
0x478: {  	v37 =	vmul.f32 v7, v44;
	v7 =	vld [tilespmem:$0x1F7E0]  }
0x479: {  	[tilespmem:s21+$0xC3D0] =	vst v2  }
0x47a: {  	v22 =	vmul.f32 v51, v22;
	v2 =	vld [tilespmem:$0x1F7F0];
	_ =	sdelay $0x1  }
0x47b: {  	v22 =	vmul.f32 v22, v43;
	v28 =	vadd.f32 v28, v34  }
0x47c: {  	v21 =	vadd.f32 v21, v33;
	v30 =	vmul.f32 v7, v56;
	v7 =	vld [tilespmem:$0x1F800]  }
0x47d: {  	v22 =	vadd.f32 v22, v33;
	[tilespmem:s21+$0xC3E0] =	vst v28  }
0x47e: {  	v2 =	vmul.f32 v2, v45;
	v28 =	vld [tilespmem:$0x1F810];
	[tilespmem:s21+$0xC3F0] =	vst v21;
	v21 =	vadd.f32 v37, v57  }
0x47f: {  	v47 =	vmul.f32 v3, v26;
	v32 =	vmov v48;
	[tilespmem:s22+$0xC4F0] =	vst v22;
	v26 =	vadd.f32 v30, v46  }
0x480: {  	v42 =	vmul.f32 v3, v23;
	v48 =	vmul.f32 v3, v8;
	[tilespmem:s21+$0xC400] =	vst v21;
	v2 =	vadd.f32 v2, v32  }
0x481: {  	v50 =	vmov v45;
	v45 =	vmul.f32 v3, v31;
	[tilespmem:s21+$0xC410] =	vst v26;
	v7 =	vmul.f32 v7, v61  }
0x482: {  	v31 =	vmov v44;
	v44 =	vmul.f32 v3, v18;
	v22 =	vmul.f32 v3, v9;
	v41 =	vld [tilespmem:$0x1F820];
	[tilespmem:s21+$0xC420] =	vst v2  }
0x483: {  	v58 =	vmovc v46;
	v46 =	vmul.f32 v3, v35;
	v21 =	vmul.f32 v3, v17;
	v3 =	vadd.f32 v7, v27;
	v7 =	vld [tilespmem:$0x1F840];
	_ =	sdelay $0x2  }
0x484: {  	v2 =	vld [tilespmem:$0x1F830]  }
0x485: {  	v28 =	vmul.f32 v28, v38;
	[tilespmem:s21+$0xC430] =	vst v3  }
0x486: {  	v37 =	vmov v0;
	v0 =	vmul.f32 v41, v55;
	v7 =	vmul.f32 v7, v43;
	v43 =	vld [tilespmem:$0x1F850]  }
0x487: {  	v8 =	vadd.f32 v28, v1  }
0x488: {  	v0 =	vadd.f32 v0, v39  }
0x489: {  	v2 =	vmul.f32 v2, v37;
	[tilespmem:s21+$0xC440] =	vst v8  }
0x48a: {  	v23 =	vmul.f32 v40, v56;
	v40 =	vld [tilespmem:$0x1F860];
	[tilespmem:s21+$0xC450] =	vst v0  }
0x48b: {  	v2 =	vadd.f32 v2, v34;
	v0 =	vld [tilespmem:$0x1F870];
	v3 =	vmul.f32 v43, v31  }
0x48c: {  	v41 =	vadd.f32 v7, v33  }
0x48d: {  	v39 =	vmul.f32 v49, v61;
	[tilespmem:s21+$0xC460] =	vst v2;
	v49 =	vadd.f32 v3, v57  }
0x48e: {  	v43 =	vld [tilespmem:$0x1F880];
	[tilespmem:s21+$0xC470] =	vst v41  }
0x48f: {  	[tilespmem:s21+$0xC480] =	vst v49  }
0x490: {  	v38 =	vmul.f32 v0, v38;
	v0 =	vld [tilespmem:$0x1F890]  }
0x491: {  	v35 =	vmov v56;
	v56 =	vld [tilespmem:$0x1F8A0];
	_ =	sdelay $0x1  }
0x492: {  	v9 =	vmul.f32 v51, v29;
	v30 =	vmul.f32 v36, v55  }
0x493: {  	v8 =	vmul.f32 v51, v25;
	v26 =	vmul.f32 v40, v50  }
0x494: {  	s28 =	simm.s32 $0x4;
	v7 =	vmul.f32 v51, v24;
	v41 =	vadd.f32 v23, v58;
	v34 =	vmul.f32 v43, v37  }
0x495: {  	s5 =	sadd.s32 $0x1, s26;
	s11 =	simm.s32 $0x18B;
	s10 =	simm.s32 $0x800;
	v28 =	vmovc v1;
	v23 =	vadd.f32 v26, v32;
	v18 =	vmul.f32 v10, v0;
	v17 =	vmul.f32 v10, v56  }
.LBB2_9:
0x496: {  	v0 =	vld [tilespmem:s11+$0x0];
	v1 =	vmul.f32 v10, v6  }
0x497: {  	v2 =	vmul.f32 v10, v62;
	v5 =	vmul.f32 v10, v5;
	v36 =	vld [tilespmem:$0x1FE50]  }
0x498: {  	v24 =	vmul.f32 v10, v63;
	v26 =	vmul.f32 v10, v60;
	v40 =	vld [tilespmem:$0x1FEA0]  }
0x499: {  	v10 =	vmul.f32 v10, v59;
	v29 =	vmul.f32 v51, v54;
	[tilespmem:s21+$0xC4A0] =	vst v23;
	v23 =	vadd.f32 v38, v28;
	v38 =	vld [tilespmem:$0x1FE60]  }
0x49a: {  	v6 =	vld [tilespmem:s11+$0xFFFFFFFE];
	v4 =	vmul.f32 v51, v4;
	v28 =	vmul.f32 v51, v53  }
0x49b: {  	v25 =	vld [tilespmem:s11+$0xFFFFFFFF];
	v3 =	vadd.f32 v39, v27;
	v39 =	vmul.f32 v19, v31;
	v19 =	vmul.f32 v48, v35  }
0x49c: {  	v49 =	vmul.f32 v24, v55;
	v59 =	vmul.f32 v8, v35  }
0x49d: {  	[tilespmem:s21+$0xC4C0] =	vst v23;
	v27 =	vld [tilespmem:s11+$0xFFFFFFFD];
	v63 =	vmul.f32 v28, v61;
	(v2sf) =	vpush v0, $0x0;
	v48 =	vmul.f32 v5, v40  }
0x49e: {  	[tilespmem:s21+$0xC4B0] =	vst v3;
	v3 =	vadd.f32 v30, v36;
	v23 =	vadd.f32 v34, v38;
	v30 =	vmul.f32 v51, v52;
	v52 =	vld [tilespmem:$0x1FDC0]  }
0x49f: {  	(v2sf) =	vpush v6, $0x0;
	v6 =	vmul.f32 v13, v50;
	v60 =	vadd.f32 v19, v58;
	v19 =	vld [tilespmem:$0x1FF80]  }
0x4a0: {  	v13 =	vmul.f32 v14, v61;
	[tilespmem:$0x1F450] =	vst v49;
	v34 =	vmul.f32 v4, v55;
	v49 =	vld [tilespmem:$0x1FF20];
	(v2sf) =	vpush v25, $0x0  }
0x4a1: {  	[tilespmem:s21+$0xC490] =	vst v41;
	v25 =	vmul.f32 v44, v55;
	v41 =	vadd.f32 v6, v32;
	v6 =	vmul.f32 v42, v40;
	v42 =	vld [tilespmem:$0x1FEE0]  }
0x4a2: {  	v44 =	vmul.f32 v17, v35;
	[tilespmem:s21+$0xC4D0] =	vst v3;
	v3 =	vmul.f32 v20, v35;
	v35 =	vld [tilespmem:$0x1FED0]  }
0x4a3: {  	v14 =	vmul.f32 v15, v40;
	[tilespmem:$0x1F440] =	vst v48;
	v48 =	vmul.f32 v29, v40;
	v40 =	vld [tilespmem:$0x1FEE0]  }
0x4a4: {  	v15 =	vmul.f32 v16, v55;
	v16 =	vmul.f32 v47, v31;
	[tilespmem:$0x1F460] =	vst v34;
	v34 =	vld [tilespmem:$0x1FF90]  }
0x4a5: {  	[tilespmem:s21+$0xC4E0] =	vst v23;
	v23 =	vmul.f32 v46, v61;
	v46 =	vmul.f32 v2, v61;
	v61 =	vld [tilespmem:$0x1FF10];
	v3 =	vadd.f32 v3, v58  }
0x4a6: {  	s10 =	sadd.s32 $0x800, s10;
	s21 =	smov.u32 s22;
	v56 =	vadd.f32 v16, v57;
	v16 =	vld [tilespmem:$0x1FFB0]  }
0x4a7: {  	s22 =	sshra.s32 s10, $0x2;
	[tilespmem:s21+$0xC310] =	vst v3;
	v3 =	vld [tilespmem:$0x1FED0]  }
0x4a8: {  	v0 =	vadd.f32 v39, v57;
	v5 =	vld [tilespmem:s22+$0x4490]  }
0x4a9: {  	v57 =	vmul.f32 v7, v31;
	v7 =	vld [tilespmem:s22+$0x44A0]  }
0x4aa: {  	v12 =	vmul.f32 v12, v37;
	[tilespmem:s21+$0xC300] =	vst v0;
	v8 =	vld [tilespmem:s22+$0x44B0]  }
0x4ab: {  	v62 =	vmul.f32 v9, v50;
	v0 =	vld [tilespmem:$0x1FEF0];
	[tilespmem:s21+$0xC320] =	vst v41;
	v41 =	vmul.f32 v30, v37  }
0x4ac: {  	v20 =	vmul.f32 v45, v50;
	v45 =	vmul.f32 v1, v50;
	v50 =	vld [tilespmem:s22+$0x44E0];
	v3 =	vadd.f32 v13, v3  }
0x4ad: {  	v43 =	vmul.f32 v18, v31;
	v53 =	vmul.f32 v26, v37;
	[tilespmem:$0x1F490] =	vst v41;
	v41 =	vld [tilespmem:$0x1FF70]  }
0x4ae: {  	v11 =	vmul.f32 v11, v52;
	v39 =	vadd.f32 v23, v35;
	v35 =	vld [tilespmem:$0x1FFA0];
	[tilespmem:s21+$0xC330] =	vst v3;
	v3 =	vadd.f32 v15, v36  }
0x4af: {  	[tilespmem:$0x1F400] =	vst v43;
	v21 =	vmul.f32 v21, v52;
	v13 =	vmul.f32 v22, v37;
	v22 =	vld [tilespmem:$0x1FDF0]  }
0x4b0: {  	v47 =	vadd.f32 v12, v38;
	(v2sf) =	vpush v27, $0x0;
	[tilespmem:s21+$0xC350] =	vst v3;
	v3 =	vld [tilespmem:s22+$0x4480]  }
0x4b1: {  	[tilespmem:$0x1F470] =	vst v53;
	v51 =	vadd.f32 v11, v33;
	v43 =	vadd.f32 v21, v33;
	v33 =	vld [tilespmem:$0x1FF00]  }
0x4b2: {  	[tilespmem:s21+$0xC360] =	vst v47;
	v32 =	vadd.f32 v20, v32;
	v6 =	vadd.f32 v6, v40;
	v40 =	vld [tilespmem:$0x1FF30];
	s2 =	spop (v2sf)  }
0x4b3: {  	[tilespmem:s21+$0xC390] =	vst v60;
	v14 =	vadd.f32 v14, v42;
	v42 =	vadd.f32 v25, v36;
	v23 =	vld [tilespmem:$0x1FE00];
	s2 =	scvt.s32.f32 s2  }
0x4b4: {  	[tilespmem:s21+$0xC380] =	vst v56;
	v5 =	vadd.f32 v5, v34;
	v9 =	vadd.f32 v13, v38;
	v13 =	vld [tilespmem:s22+$0x44C0]  }
0x4b5: {  	[tilespmem:s21+$0xC3A0] =	vst v32;
	v36 =	vld [tilespmem:$0x1FF40];
	v11 =	vmul.f32 s2, v22;
	v12 =	vmul.f32 s2, v0;
	v3 =	vadd.f32 v3, v19  }
0x4b6: {  	v54 =	vmul.f32 v10, v52;
	[tilespmem:s21+$0xC3B0] =	vst v39;
	v37 =	vld [tilespmem:$0x1FF50];
	v7 =	vadd.f32 v7, v35;
	v15 =	vmul.f32 s2, v33  }
0x4b7: {  	[tilespmem:s21+$0xC3C0] =	vst v6;
	v47 =	vadd.f32 v12, v5;
	v53 =	vadd.f32 v11, v3;
	v3 =	vld [tilespmem:s22+$0x44D0]  }
0x4b8: {  	[tilespmem:$0x1F480] =	vst v54;
	v6 =	vld [tilespmem:s22+$0x4380];
	v54 =	vadd.f32 v15, v7;
	v7 =	vadd.f32 v8, v49;
	v8 =	vmul.f32 s2, v61  }
0x4b9: {  	v38 =	vld [tilespmem:$0x1FF60];
	[tilespmem:s21+$0xC3E0] =	vst v9;
	v12 =	vmul.f32 v47, v47;
	v9 =	vmul.f32 v53, v53;
	v11 =	vadd.f32 v47, v53  }
0x4ba: {  	v39 =	vld [tilespmem:$0x1FE10];
	v55 =	vadd.f32 v8, v7;
	v7 =	vadd.f32 v13, v36;
	v8 =	vmul.f32 s2, v40  }
0x4bb: {  	v13 =	vld [tilespmem:s22+$0x44F0];
	v9 =	vadd.f32 v12, v9;
	v11 =	vadd.f32 v11, v54;
	v12 =	vmul.f32 v54, v54  }
0x4bc: {  	v56 =	vadd.f32 v7, v8;
	v7 =	vmul.f32 s2, v16;
	v3 =	vadd.f32 v3, v37  }
0x4bd: {  	v9 =	vadd.f32 v9, v12;
	v11 =	vadd.f32 v11, v55;
	v12 =	vmul.f32 v55, v55  }
0x4be: {  	[tilespmem:$0x1F4A0] =	vst v57;
	v2 =	vadd.f32 v50, v38;
	v57 =	vadd.f32 v3, v7;
	v3 =	vmul.f32 s2, v23  }
0x4bf: {  	v17 =	vld [tilespmem:s22+$0x4400];
	[tilespmem:s21+$0xC340] =	vst v14;
	v7 =	vadd.f32 v9, v12;
	v9 =	vadd.f32 v11, v56;
	v11 =	vmul.f32 v56, v56  }
0x4c0: {  	v18 =	vld [tilespmem:s22+$0x4410];
	[tilespmem:s21+$0xC370] =	vst v51;
	v51 =	vadd.f32 v13, v41;
	v58 =	vadd.f32 v2, v3;
	v3 =	vmul.f32 s2, v39  }
0x4c1: {  	s12 =	spop (v2sf);
	v4 =	vld [tilespmem:s22+$0x4300];
	v7 =	vadd.f32 v7, v11;
	v9 =	vadd.f32 v9, v57;
	v11 =	vmul.f32 v57, v57  }
0x4c2: {  	[tilespmem:s21+$0xC3D0] =	vst v42;
	s12 =	scvt.s32.f32 s12;
	s13 =	spop (v2sf);
	v15 =	vld [tilespmem:$0x1FFC0];
	v42 =	vadd.f32 v51, v3  }
0x4c3: {  	v24 =	vld [tilespmem:s22+$0x4420];
	s18 =	spop (v2sf);
	v3 =	vadd.f32 v7, v11;
	v7 =	vadd.f32 v9, v58;
	v9 =	vmul.f32 v58, v58  }
0x4c4: {  	v26 =	vld [tilespmem:s22+$0x4430];
	s13 =	scvt.s32.f32 s13;
	v14 =	vmul.f32 s12, v22;
	s18 =	scvt.s32.f32 s18  }
0x4c5: {  	v10 =	vld [tilespmem:s22+$0x4310];
	v3 =	vadd.f32 v3, v9;
	v7 =	vadd.f32 v7, v42;
	v9 =	vmul.f32 v42, v42  }
0x4c6: {  	v5 =	vld [tilespmem:s22+$0x4390];
	v27 =	vmul.f32 s13, v22;
	v20 =	vmul.f32 s18, v22;
	v4 =	vadd.f32 v4, v19  }
0x4c7: {  	v22 =	vadd.f32 v6, v19;
	v6 =	vld [tilespmem:$0x1FFD0];
	v3 =	vadd.f32 v3, v9;
	v9 =	vperm.xlane v7, v15  }
0x4c8: {  	[tilespmem:$0x1F4B0] =	vst v59;
	v59 =	vadd.f32 v17, v19;
	v18 =	vadd.f32 v18, v34  }
0x4c9: {  	[tilespmem:$0x1F420] =	vst v45;
	v17 =	vld [tilespmem:s22+$0x4360];
	v45 =	vadd.f32 v20, v4;
	v4 =	vadd.f32 v7, v9;
	v9 =	vperm.xlane v3, v15  }
0x4ca: {  	v26 =	vadd.f32 v26, v49;
	v24 =	vadd.f32 v24, v35;
	v1 =	vmul.f32 s12, v0;
	v8 =	vld [tilespmem:s22+$0x4320]  }
0x4cb: {  	v31 =	vmul.f32 s12, v33;
	[tilespmem:s21+$0xC3F0] =	vst v43;
	v28 =	vmul.f32 s13, v0;
	v3 =	vadd.f32 v3, v9;
	v9 =	vld [tilespmem:$0x1FFE0]  }
0x4cc: {  	[tilespmem:$0x1F430] =	vst v46;
	v43 =	vld [tilespmem:s22+$0x43A0];
	v10 =	vadd.f32 v10, v34;
	v5 =	vadd.f32 v5, v34;
	v46 =	vperm.xlane v4, v6  }
0x4cd: {  	v50 =	vmul.f32 s12, v61;
	v60 =	vadd.f32 v27, v59;
	v59 =	vadd.f32 v28, v18  }
0x4ce: {  	[tilespmem:$0x1F3F0] =	vst v63;
	v21 =	vmul.f32 s18, v0;
	v63 =	vadd.f32 v1, v5;
	v1 =	vadd.f32 v4, v46  }
0x4cf: {  	[tilespmem:$0x1F4C0] =	vst v62;
	v25 =	vld [tilespmem:s22+$0x43B0];
	v30 =	vmul.f32 s18, v33;
	v17 =	vadd.f32 v17, v38;
	v62 =	vadd.f32 v14, v22  }
0x4d0: {  	v13 =	vld [tilespmem:s22+$0x4350];
	v5 =	vadd.f32 v8, v35;
	v7 =	vadd.f32 v21, v10;
	v10 =	vperm.xlane v1, v9  }
0x4d1: {  	v14 =	vmul.f32 s13, v33;
	v18 =	vadd.f32 v43, v35;
	v12 =	vld [tilespmem:s22+$0x4330];
	v4 =	vperm.xlane v3, v6  }
0x4d2: {  	v34 =	vmul.f32 v60, v60;
	v1 =	vadd.f32 v1, v10;
	v10 =	vadd.f32 v30, v5;
	v5 =	vld [tilespmem:$0x1FFF0]  }
0x4d3: {  	v28 =	vmul.f32 v62, v62;
	v33 =	vmul.f32 v63, v63;
	v2 =	vld [tilespmem:s22+$0x4340];
	v3 =	vadd.f32 v3, v4  }
0x4d4: {  	v43 =	vadd.f32 v31, v18;
	v32 =	vadd.f32 v63, v62;
	v35 =	vmul.f32 v59, v59  }
0x4d5: {  	v25 =	vadd.f32 v25, v49;
	v28 =	vadd.f32 v33, v28;
	v11 =	vld [tilespmem:s22+$0x43C0];
	v4 =	vperm.xlane v3, v9  }
0x4d6: {  	v0 =	vmul.f32 v45, v45;
	v32 =	vadd.f32 v32, v43;
	v33 =	vadd.f32 v35, v34  }
0x4d7: {  	v13 =	vadd.f32 v13, v37;
	v21 =	vld [tilespmem:s22+$0x4370];
	v3 =	vadd.f32 v3, v4;
	v18 =	vperm.xlane v1, v5  }
0x4d8: {  	v31 =	vmul.f32 s18, v61;
	v12 =	vadd.f32 v12, v49;
	v2 =	vadd.f32 v2, v36  }
0x4d9: {  	v4 =	vadd.f32 v14, v24;
	v14 =	vperm.xlane v3, v5;
	v1 =	vadd.f32 v1, v18  }
0x4da: {  	v11 =	vadd.f32 v11, v36;
	v8 =	vmul.f32 v7, v7;
	v27 =	vadd.f32 v7, v45  }
0x4db: {  	v24 =	vmul.f32 s13, v61;
	v49 =	vadd.f32 v3, v14;
	v61 =	vmul.f32 $7.812500000e-03, v1  }
0x4dc: {  	v21 =	vadd.f32 v21, v41;
	v30 =	vadd.f32 v59, v60;
	v34 =	vmul.f32 v4, v4  }
0x4dd: {  	v3 =	vadd.f32 v8, v0;
	v1 =	vmul.f32 $7.812500000e-03, v49;
	v8 =	vmul.f32 v61, v61  }
0x4de: {  	v29 =	vld [tilespmem:s22+$0x4440];
	v27 =	vadd.f32 v27, v10;
	v30 =	vadd.f32 v30, v4  }
0x4df: {  	v35 =	vmul.f32 s18, v40;
	v33 =	vadd.f32 v33, v34;
	v1 =	vsub.f32 v1, v8  }
0x4e0: {  	v18 =	vmul.f32 v10, v10;
	v0 =	vmul.f32 v43, v43;
	v14 =	vadd.f32 v31, v12  }
0x4e1: {  	v12 =	vmul.f32 s12, v40;
	v49 =	vadd.f32 v50, v25;
	v1 =	vadd.f32 $9.999999960e-13, v1  }
0x4e2: {  	v19 =	vld [tilespmem:s22+$0x4450];
	v25 =	vmul.f32 v14, v14;
	v3 =	vadd.f32 v3, v18;
	v8 =	vadd.f32 v24, v26  }
0x4e3: {  	v51 =	vld [tilespmem:s22+$0x43F0];
	v26 =	vadd.f32 v29, v36;
	v29 =	vshra.s32 v1, $0x1;
	v1 =	vmul.f32 $5.000000000e-01, v1  }
0x4e4: {  	v27 =	vadd.f32 v27, v14;
	v18 =	vadd.f32 v2, v35;
	v29 =	vsub.s32 $0x5F3759DF, v29  }
0x4e5: {  	v0 =	vadd.f32 v28, v0;
	v12 =	vadd.f32 v11, v12;
	v31 =	vmul.f32 v29, v1  }
0x4e6: {  	v28 =	vadd.f32 v32, v49;
	v35 =	vmul.f32 v18, v18;
	v3 =	vadd.f32 v3, v25  }
0x4e7: {  	[tilespmem:$0x1F410] =	vst v44;
	v44 =	vld [tilespmem:s22+$0x43D0];
	v25 =	vadd.f32 v19, v37;
	v27 =	vadd.f32 v27, v18;
	v31 =	vmul.f32 v29, v31  }
0x4e8: {  	v22 =	vld [tilespmem:s22+$0x43E0];
	v32 =	vadd.f32 v51, v41;
	v24 =	vmul.f32 s13, v40;
	v40 =	vmul.f32 v49, v49  }
0x4e9: {  	v46 =	vld [tilespmem:s22+$0x4470];
	v36 =	vmul.f32 s18, v16;
	v28 =	vadd.f32 v28, v12;
	v31 =	vsub.f32 $1.500000000e+00, v31  }
0x4ea: {  	v3 =	vadd.f32 v3, v35;
	v30 =	vadd.f32 v30, v8;
	v50 =	vmul.f32 v8, v8  }
0x4eb: {  	v11 =	vadd.f32 v26, v24;
	v24 =	vmul.f32 s12, v16;
	v29 =	vmul.f32 v29, v31  }
0x4ec: {  	v26 =	vmul.f32 s13, v16;
	v16 =	vadd.f32 v44, v37;
	v0 =	vadd.f32 v0, v40  }
0x4ed: {  	v19 =	vadd.f32 v13, v36;
	v44 =	vadd.f32 v22, v38;
	v40 =	vmul.f32 v29, v1  }
0x4ee: {  	v34 =	vmul.f32 s13, v39;
	v36 =	vadd.f32 v46, v41;
	v37 =	vsub.f32 v42, v61  }
0x4ef: {  	v2 =	vadd.f32 v33, v50;
	v16 =	vadd.f32 v16, v24;
	v24 =	vmul.f32 v40, v29  }
0x4f0: {  	v20 =	vld [tilespmem:s22+$0x4460];
	v30 =	vadd.f32 v30, v11;
	v33 =	vmul.f32 v11, v11;
	v13 =	vadd.f32 v25, v26  }
0x4f1: {  	v25 =	vmul.f32 s18, v23;
	v26 =	vmul.f32 s12, v23;
	v22 =	vsub.f32 $1.500000000e+00, v24  }
0x4f2: {  	v27 =	vadd.f32 v27, v19;
	v28 =	vadd.f32 v28, v16;
	v31 =	vmul.f32 v12, v12  }
0x4f3: {  	v2 =	vadd.f32 v2, v33;
	v30 =	vadd.f32 v30, v13;
	v29 =	vmul.f32 v22, v29  }
0x4f4: {  	v33 =	vmul.f32 v13, v13;
	v0 =	vadd.f32 v0, v31;
	v31 =	vmul.f32 v16, v16  }
0x4f5: {  	v40 =	vadd.f32 v20, v38;
	v20 =	vadd.f32 v44, v26;
	v1 =	vmul.f32 v29, v1  }
0x4f6: {  	v50 =	vmul.f32 s13, v23;
	v2 =	vadd.f32 v2, v33;
	v0 =	vadd.f32 v0, v31  }
0x4f7: {  	v24 =	vmul.f32 v19, v19;
	v28 =	vadd.f32 v28, v20;
	v1 =	vmul.f32 v1, v29  }
0x4f8: {  	v26 =	vmul.f32 s12, v39;
	v22 =	vadd.f32 v17, v25;
	v17 =	vadd.f32 v40, v50  }
0x4f9: {  	v25 =	vmul.f32 s18, v39;
	v3 =	vadd.f32 v3, v24;
	v1 =	vsub.f32 $1.500000000e+00, v1  }
0x4fa: {  	v40 =	vadd.f32 v36, v34;
	v44 =	vmul.f32 v22, v22;
	v24 =	vadd.f32 v27, v22  }
0x4fb: {  	v23 =	vadd.f32 v21, v25;
	v51 =	vmul.f32 v1, v29;
	v29 =	vmul.f32 v17, v17  }
0x4fc: {  	v25 =	vadd.f32 v30, v17;
	v21 =	vadd.f32 v32, v26  }
0x4fd: {  	v27 =	vmul.f32 v20, v20;
	v3 =	vadd.f32 v3, v44;
	v2 =	vadd.f32 v2, v29;
	v29 =	vld [tilespmem:$0x1FDE0]  }
0x4fe: {  	v24 =	vadd.f32 v24, v23;
	v26 =	vmul.f32 v23, v23;
	v1 =	vmul.f32 v51, v37  }
0x4ff: {  	v0 =	vadd.f32 v0, v27;
	v27 =	vadd.f32 v28, v21;
	v28 =	vmul.f32 v21, v21  }
0x500: {  	v25 =	vadd.f32 v25, v40;
	v3 =	vadd.f32 v3, v26;
	v1 =	vmul.f32 v1, v52  }
0x501: {  	v26 =	vmul.f32 v40, v40;
	v0 =	vadd.f32 v0, v28;
	v28 =	vperm.xlane v27, v15  }
0x502: {  	v41 =	vperm.xlane v3, v15;
	v1 =	vadd.f32 v1, v29;
	v29 =	vperm.xlane v24, v15  }
0x503: {  	v27 =	vadd.f32 v27, v28;
	v2 =	vadd.f32 v2, v26;
	v26 =	vperm.xlane v25, v15  }
0x504: {  	v28 =	vperm.xlane v0, v15;
	[tilespmem:s22+$0xC4F0] =	vst v1;
	v24 =	vadd.f32 v24, v29;
	v1 =	vadd.f32 v3, v41  }
0x505: {  	v3 =	vadd.f32 v25, v26;
	v25 =	vperm.xlane v2, v15;
	v29 =	vperm.xlane v27, v6  }
0x506: {  	v0 =	vadd.f32 v0, v28;
	v26 =	vperm.xlane v24, v6;
	v28 =	vperm.xlane v1, v6  }
0x507: {  	v30 =	vperm.xlane v3, v6;
	v2 =	vadd.f32 v2, v25;
	v25 =	vadd.f32 v27, v29  }
0x508: {  	v24 =	vadd.f32 v24, v26;
	v26 =	vperm.xlane v0, v6;
	v1 =	vadd.f32 v1, v28  }
0x509: {  	v3 =	vadd.f32 v3, v30;
	v27 =	vperm.xlane v2, v6;
	v29 =	vperm.xlane v25, v9  }
0x50a: {  	v28 =	vperm.xlane v24, v9;
	v0 =	vadd.f32 v0, v26;
	v26 =	vperm.xlane v1, v9  }
0x50b: {  	v30 =	vperm.xlane v3, v9;
	v2 =	vadd.f32 v2, v27;
	v25 =	vadd.f32 v25, v29  }
0x50c: {  	v24 =	vadd.f32 v24, v28;
	v27 =	vperm.xlane v0, v9;
	v1 =	vadd.f32 v1, v26  }
0x50d: {  	v3 =	vadd.f32 v3, v30;
	v26 =	vperm.xlane v2, v9;
	v29 =	vperm.xlane v25, v5  }
0x50e: {  	v28 =	vperm.xlane v24, v5;
	v0 =	vadd.f32 v0, v27;
	v27 =	vperm.xlane v1, v5  }
0x50f: {  	v30 =	vperm.xlane v3, v5;
	v2 =	vadd.f32 v2, v26;
	v25 =	vadd.f32 v25, v29  }
0x510: {  	v24 =	vadd.f32 v24, v28;
	v26 =	vperm.xlane v0, v5;
	v1 =	vadd.f32 v1, v27  }
0x511: {  	v3 =	vadd.f32 v3, v30;
	v27 =	vperm.xlane v2, v5;
	v25 =	vmul.f32 $7.812500000e-03, v25  }
0x512: {  	v24 =	vmul.f32 $7.812500000e-03, v24;
	v0 =	vadd.f32 v0, v26;
	v1 =	vmul.f32 $7.812500000e-03, v1  }
0x513: {  	v3 =	vmul.f32 $7.812500000e-03, v3;
	v2 =	vadd.f32 v2, v27;
	v42 =	vsub.f32 v63, v25  }
0x514: {  	v6 =	vmul.f32 v25, v25;
	v43 =	vsub.f32 v43, v25;
	v34 =	vsub.f32 v16, v25  }
0x515: {  	v26 =	vmul.f32 v24, v24;
	v27 =	vsub.f32 v45, v24;
	v0 =	vmul.f32 $7.812500000e-03, v0  }
0x516: {  	v28 =	vsub.f32 v7, v24;
	v2 =	vmul.f32 $7.812500000e-03, v2;
	v7 =	vmul.f32 v3, v3  }
0x517: {  	v14 =	vsub.f32 v14, v24;
	v1 =	vsub.f32 v1, v26  }
0x518: {  	v0 =	vsub.f32 v0, v6;
	v2 =	vsub.f32 v2, v7  }
0x519: {  	v18 =	vsub.f32 v18, v24;
	v1 =	vadd.f32 $9.999999960e-13, v1  }
0x51a: {  	v0 =	vadd.f32 $9.999999960e-13, v0;
	v2 =	vadd.f32 $9.999999960e-13, v2  }
0x51b: {  	v26 =	vsub.f32 v10, v24;
	v6 =	vshra.s32 v1, $0x1;
	v1 =	vmul.f32 $5.000000000e-01, v1  }
0x51c: {  	v7 =	vshra.s32 v0, $0x1;
	v0 =	vmul.f32 $5.000000000e-01, v0;
	v10 =	vshra.s32 v2, $0x1  }
0x51d: {  	v2 =	vmul.f32 $5.000000000e-01, v2;
	v6 =	vsub.s32 $0x5F3759DF, v6;
	v7 =	vsub.s32 $0x5F3759DF, v7  }
0x51e: {  	v10 =	vsub.s32 $0x5F3759DF, v10;
	v29 =	vmul.f32 v6, v1;
	v30 =	vmul.f32 v7, v0  }
0x51f: {  	v31 =	vsub.f32 v19, v24;
	v22 =	vsub.f32 v22, v24;
	v19 =	vmul.f32 v10, v2  }
0x520: {  	v23 =	vsub.f32 v23, v24;
	v29 =	vmul.f32 v6, v29;
	v24 =	vmul.f32 v7, v30  }
0x521: {  	v35 =	vsub.f32 v20, v25;
	v21 =	vsub.f32 v21, v25;
	v19 =	vmul.f32 v10, v19  }
0x522: {  	v29 =	vsub.f32 $1.500000000e+00, v29;
	v24 =	vsub.f32 $1.500000000e+00, v24  }
0x523: {  	v50 =	vsub.f32 v59, v3;
	v5 =	vsub.f32 $1.500000000e+00, v19  }
0x524: {  	v63 =	vsub.f32 v13, v3;
	v19 =	vmul.f32 v6, v29;
	v7 =	vmul.f32 v7, v24  }
0x525: {  	v59 =	vsub.f32 v40, v3;
	v30 =	vsub.f32 v62, v25;
	v9 =	vmul.f32 v10, v5  }
0x526: {  	v62 =	vsub.f32 v8, v3;
	v5 =	vmul.f32 v19, v1;
	v6 =	vmul.f32 v7, v0  }
0x527: {  	v24 =	vsub.f32 v49, v25;
	v29 =	vsub.f32 v12, v25  }
0x528: {  	v25 =	vsub.f32 v60, v3;
	v5 =	vmul.f32 v5, v19;
	v12 =	vmul.f32 v6, v7  }
0x529: {  	v60 =	vsub.f32 v17, v3;
	v6 =	vsub.f32 v4, v3  }
0x52a: {  	v4 =	vsub.f32 $1.500000000e+00, v5;
	v8 =	vsub.f32 $1.500000000e+00, v12  }
0x52b: {  	v5 =	vsub.f32 v11, v3;
	v3 =	vsub.f32 v53, v61  }
0x52c: {  	v11 =	vmul.f32 v4, v19;
	v4 =	vsub.f32 v57, v61;
	v57 =	vld [tilespmem:$0x1FEB0]  }
0x52d: {  	v12 =	vmul.f32 v8, v7;
	v7 =	vmul.f32 v51, v3;
	v3 =	vld [tilespmem:$0x1F400];
	_ =	sdelay $0x1  }
0x52e: {  	v1 =	vmul.f32 v11, v1;
	_ =	sdelay $0x1  }
0x52f: {  	v1 =	vmul.f32 v1, v11  }
0x530: {  	v33 =	vld [tilespmem:$0x1FDE0];
	v3 =	vadd.f32 v3, v57  }
0x531: {  	v39 =	vld [tilespmem:$0x1F3F0];
	v1 =	vsub.f32 $1.500000000e+00, v1  }
0x532: {  	[tilespmem:s21+$0xC400] =	vst v3;
	v3 =	vld [tilespmem:$0x1FDD0]  }
0x533: {  	v10 =	vmul.f32 v9, v2;
	v1 =	vmul.f32 v1, v11;
	v11 =	vld [tilespmem:$0x1F420]  }
0x534: {  	v36 =	vld [tilespmem:$0x1F450]  }
0x535: {  	v32 =	vld [tilespmem:$0x1FDD0];
	v10 =	vmul.f32 v10, v9  }
0x536: {  	v37 =	vld [tilespmem:$0x1FE40]  }
0x537: {  	v52 =	vsub.f32 v58, v61;
	v58 =	vld [tilespmem:$0x1FEC0];
	v10 =	vsub.f32 $1.500000000e+00, v10  }
0x538: {  	v41 =	vld [tilespmem:$0x1F470];
	v3 =	vadd.f32 v11, v3  }
0x539: {  	v9 =	vmul.f32 v10, v9;
	v20 =	vmul.f32 v1, v28;
	v28 =	vld [tilespmem:$0x1FEE0]  }
0x53a: {  	v0 =	vmul.f32 v12, v0;
	[tilespmem:s21+$0xC420] =	vst v3;
	v3 =	vld [tilespmem:$0x1F440]  }
0x53b: {  	v13 =	vsub.f32 v54, v61;
	v54 =	vsub.f32 v56, v61;
	v56 =	vld [tilespmem:$0x1F430];
	v2 =	vmul.f32 v9, v2  }
0x53c: {  	v40 =	vld [tilespmem:$0x1FE50];
	v0 =	vmul.f32 v0, v12  }
0x53d: {  	v49 =	vld [tilespmem:$0x1F410];
	v2 =	vmul.f32 v2, v9  }
0x53e: {  	v53 =	vsub.f32 v55, v61;
	v55 =	vld [tilespmem:$0x1FE30];
	v0 =	vsub.f32 $1.500000000e+00, v0  }
0x53f: {  	v2 =	vsub.f32 $1.500000000e+00, v2;
	v19 =	vmul.f32 v1, v27;
	v27 =	vld [tilespmem:$0x1FED0];
	v3 =	vadd.f32 v3, v28  }
0x540: {  	v8 =	vsub.f32 v47, v61;
	v61 =	vld [tilespmem:$0x1FE20];
	v0 =	vmul.f32 v0, v12  }
0x541: {  	v10 =	vmul.f32 v2, v9;
	v9 =	vmul.f32 v51, v13;
	[tilespmem:s21+$0xC440] =	vst v3;
	v3 =	vld [tilespmem:$0x1FE60]  }
0x542: {  	v38 =	vmovc v48;
	v2 =	vadd.f32 v49, v58;
	v13 =	vmul.f32 v1, v26;
	v48 =	vmul.f32 v0, v42;
	v42 =	vld [tilespmem:$0x1F480]  }
0x543: {  	v14 =	vmul.f32 v1, v14;
	v45 =	vmul.f32 v0, v43;
	v43 =	vld [tilespmem:$0x1F4A0]  }
0x544: {  	s28 =	sadd.s32 $0x4, s28;
	v49 =	vld [tilespmem:$0x1F4B0];
	[tilespmem:s21+$0xC410] =	vst v2;
	v15 =	vmul.f32 v1, v18;
	v16 =	vmul.f32 v1, v31;
	v2 =	vadd.f32 v56, v27  }
0x545: {  	p0 =	slt.u32 s28, $0x7C;
	v12 =	vmul.f32 v1, v22;
	v11 =	vmul.f32 v1, v23;
	v1 =	vadd.f32 v36, v40;
	v56 =	vld [tilespmem:$0x1F4C0]  }
.Ltmp4:
0x546: {  	v8 =	vmul.f32 v51, v8;
	v31 =	vld [tilespmem:$0x1FE70];
	v47 =	vmul.f32 v0, v30;
	[tilespmem:s21+$0xC430] =	vst v2;
	v2 =	vadd.f32 v41, v3;
	(pc) =	sbr.rel @p0 .LBB2_9-.Ltmp4, $4  }
0x547: {  	v30 =	vld [tilespmem:$0x1F460];
	v46 =	vmul.f32 v0, v24;
	v44 =	vmul.f32 v0, v34;
	[tilespmem:s21+$0xC450] =	vst v1;
	v1 =	vadd.f32 v42, v33  }
0x548: {  	v34 =	vld [tilespmem:$0x1F490];
	v22 =	vmul.f32 v0, v35;
	v21 =	vmul.f32 v0, v21;
	[tilespmem:s21+$0xC460] =	vst v2;
	v2 =	vadd.f32 v43, v57  }
0x549: {  	v35 =	vld [tilespmem:$0x1FE80];
	v18 =	vmul.f32 v10, v25;
	v17 =	vmul.f32 v10, v50;
	[tilespmem:s21+$0xC470] =	vst v1  }
0x54a: {  	s11 =	sadd.s32 $0x4, s11;
	v50 =	vld [tilespmem:$0x1FE90];
	v42 =	vmul.f32 v0, v29;
	v23 =	vadd.f32 v56, v32;
	v41 =	vadd.f32 v49, v58;
	[tilespmem:s21+$0xC480] =	vst v2  }
0x54b: {  	_ = 	snop  }
0x54c: {  	v0 =	vadd.f32 v39, v27;
	[tilespmem:s21+$0xC490] =	vst v41  }
0x54d: {  	v1 =	vadd.f32 v38, v28;
	[tilespmem:s21+$0xC4A0] =	vst v23  }
0x54e: {  	[tilespmem:s21+$0xC4B0] =	vst v0  }
0x54f: {  	v38 =	vld [tilespmem:$0x1FE50];
	[tilespmem:s21+$0xC4C0] =	vst v1  }
0x550: {  	v23 =	vld [tilespmem:$0x1FE60];
	_ =	sdelay $0x3  }
0x551: {  	v2 =	vmul.f32 v19, v31;
	v0 =	vadd.f32 v30, v38  }
0x552: {  	v3 =	vmul.f32 v20, v35;
	v1 =	vadd.f32 v34, v23  }
0x553: {  	v2 =	vadd.f32 v2, v57;
	[tilespmem:s21+$0xC4D0] =	vst v0;
	v0 =	vmul.f32 v13, v50  }
0x554: {  	v3 =	vadd.f32 v3, v58;
	[tilespmem:s21+$0xC4E0] =	vst v1  }
0x555: {  	v40 =	vld [tilespmem:$0x1FEA0];
	[tilespmem:s22+$0xC300] =	vst v2;
	v0 =	vadd.f32 v0, v32  }
0x556: {  	[tilespmem:s22+$0xC310] =	vst v3  }
0x557: {  	[tilespmem:s22+$0xC320] =	vst v0  }
0x558: {  	v43 =	vld [tilespmem:$0x1FDC0]  }
0x559: {  	v1 =	vmul.f32 v14, v61  }
0x55a: {  	v41 =	vmul.f32 v15, v40  }
0x55b: {  	v2 =	vmul.f32 v16, v55;
	v1 =	vadd.f32 v1, v27  }
0x55c: {  	v3 =	vmul.f32 v12, v37;
	v0 =	vadd.f32 v41, v28  }
0x55d: {  	[tilespmem:s22+$0xC330] =	vst v1;
	v1 =	vadd.f32 v2, v38;
	v11 =	vmul.f32 v11, v43  }
0x55e: {  	v2 =	vmul.f32 v47, v31;
	v47 =	vmul.f32 v44, v55;
	[tilespmem:s22+$0xC340] =	vst v0;
	v0 =	vadd.f32 v3, v23  }
0x55f: {  	[tilespmem:s22+$0xC350] =	vst v1;
	v1 =	vadd.f32 v11, v33  }
0x560: {  	v3 =	vmul.f32 v48, v35;
	v11 =	vadd.f32 v47, v38;
	[tilespmem:s22+$0xC360] =	vst v0  }
0x561: {  	v45 =	vmul.f32 v45, v50;
	v0 =	vadd.f32 v2, v57;
	[tilespmem:s22+$0xC370] =	vst v1  }
0x562: {  	v2 =	vmul.f32 v46, v61;
	v1 =	vadd.f32 v3, v58;
	[tilespmem:s22+$0xC3D0] =	vst v11  }
0x563: {  	v3 =	vmul.f32 v42, v40;
	[tilespmem:s22+$0xC380] =	vst v0;
	v0 =	vadd.f32 v45, v32  }
0x564: {  	[tilespmem:s22+$0xC390] =	vst v1;
	v1 =	vadd.f32 v2, v27;
	v2 =	vmul.f32 v22, v37  }
0x565: {  	v3 =	vadd.f32 v3, v28;
	[tilespmem:s22+$0xC3A0] =	vst v0;
	v0 =	vmul.f32 v21, v43  }
0x566: {  	v48 =	vmul.f32 v18, v31;
	[tilespmem:s22+$0xC3B0] =	vst v1;
	v1 =	vmul.f32 v10, v6;
	v2 =	vadd.f32 v2, v23  }
0x567: {  	v49 =	vmul.f32 v17, v35;
	[tilespmem:s22+$0xC3C0] =	vst v3;
	v3 =	vmul.f32 v10, v62;
	v0 =	vadd.f32 v0, v33  }
0x568: {  	v5 =	vmul.f32 v10, v5;
	v1 =	vmul.f32 v1, v50;
	[tilespmem:s22+$0xC3E0] =	vst v2;
	v2 =	vadd.f32 v48, v57  }
0x569: {  	v56 =	vmul.f32 v10, v63;
	v3 =	vmul.f32 v3, v61;
	[tilespmem:s22+$0xC3F0] =	vst v0;
	v0 =	vadd.f32 v49, v58  }
0x56a: {  	v60 =	vmul.f32 v10, v60;
	v5 =	vmul.f32 v5, v40;
	[tilespmem:s22+$0xC400] =	vst v2;
	v1 =	vadd.f32 v1, v32  }
0x56b: {  	v6 =	vmul.f32 v56, v55;
	v2 =	vmul.f32 v10, v59;
	[tilespmem:s22+$0xC410] =	vst v0;
	v0 =	vadd.f32 v3, v27  }
0x56c: {  	v3 =	vmul.f32 v60, v37;
	[tilespmem:s22+$0xC420] =	vst v1;
	v1 =	vadd.f32 v5, v28  }
0x56d: {  	v2 =	vmul.f32 v2, v43;
	[tilespmem:s22+$0xC430] =	vst v0;
	v0 =	vadd.f32 v6, v38  }
0x56e: {  	v5 =	vmul.f32 v7, v31;
	[tilespmem:s22+$0xC440] =	vst v1;
	v1 =	vadd.f32 v3, v23  }
0x56f: {  	v62 =	vmul.f32 v8, v35;
	v3 =	vmul.f32 v51, v53;
	[tilespmem:s22+$0xC450] =	vst v0;
	v0 =	vadd.f32 v2, v33  }
0x570: {  	v63 =	vmul.f32 v9, v50;
	v2 =	vmul.f32 v51, v54;
	[tilespmem:s22+$0xC460] =	vst v1;
	v1 =	vadd.f32 v5, v57  }
0x571: {  	v4 =	vmul.f32 v51, v4;
	v3 =	vmul.f32 v3, v61;
	[tilespmem:s22+$0xC470] =	vst v0;
	v0 =	vadd.f32 v62, v58  }
0x572: {  	v5 =	vmul.f32 v51, v52;
	v2 =	vmul.f32 v2, v40;
	[tilespmem:s22+$0xC480] =	vst v1;
	v1 =	vadd.f32 v63, v32  }
0x573: {  	v4 =	vmul.f32 v4, v55;
	[tilespmem:s22+$0xC490] =	vst v0;
	v0 =	vadd.f32 v3, v27  }
0x574: {  	v3 =	vmul.f32 v5, v37;
	[tilespmem:s22+$0xC4A0] =	vst v1;
	v1 =	vadd.f32 v2, v28  }
0x575: {  	[tilespmem:s22+$0xC4B0] =	vst v0;
	v0 =	vadd.f32 v4, v38  }
0x576: {  	s2 =	sadd.s32 s19, s16;
	[tilespmem:s22+$0xC4C0] =	vst v1;
	v1 =	vadd.f32 v3, v23  }
0x577: {  	s2 =	sshll.u32 s2, $0x4;
	[tilespmem:s22+$0xC4D0] =	vst v0  }
0x578: {  	p0 =	seq.s32 s26, $0x18;
	s2 =	sadd.s32 s6, s2;
	[tilespmem:s22+$0xC4E0] =	vst v1  }
0x579: {  	[hbm4b:s2+s7] =	stream.linear.scatter [tilespmem:s4], [sflag:$0x4], $0x4000, $0x38;
	[tilespmem:$0x10500] =	vst v63  }
0x57a: {  	s2 =	sadd.s32 @!p0 s19, s17  }
0x57b: {  	s2 =	sshrl.u32 @!p0 s2, $0x3  }
0x57c: {  	s11 =	simm.s32 @!p0 $0x0;
	s12 =	simm.s32 @!p0 $0x80;
	s10 =	sadd.s32 @!p0 s8, s2  }
0x57d: {  	[tilespmem:s12], [sflag:$0x5] =	stream.linear.gather @!p0 [hbm4b:s10+s11], $0x80, $0x38;
	[tilespmem:$0x10500] =	vst v63  }
0x57e: {  	s10 =	simm.s32 @!p0 $0x5  }
0x57f: {  	_ =	swait.ge @!p0 [sflag:s10], $0x80  }
0x580: {  	[sflag:s10] =	ssyncset.done @!p0 $0x0  }
0x581: {  	s13 =	simm.s32 @!p0 $0x180;
	s2 =	sadd.s32 @!p0 s9, s2;
	[sflag:s10] =	ssyncadd.s32 @!p0 $0xFFFFFF80  }
0x582: {  	[tilespmem:s13], [sflag:$0x5] =	stream.linear.gather @!p0 [hbm4b:s2+s11], $0x80, $0x38;
	[tilespmem:$0x10500] =	vst v63  }
0x583: {  	_ =	swait.ge @!p0 [sflag:s10], $0x80  }
0x584: {  	v24 =	vld [tilespmem:$0x1FFC0]  }
0x585: {  	v44 =	vld [tilespmem:$0x1FFD0]  }
0x586: {  	v3 =	vld [tilespmem:$0x1FFE0]  }
0x587: {  	v1 =	vld [tilespmem:$0x1FFF0]  }
0x588: {  	v32 =	vld [tilespmem:$0x1FF80]  }
0x589: {  	v33 =	vld [tilespmem:$0x1FF90]  }
0x58a: {  	v34 =	vld [tilespmem:$0x1FFA0]  }
0x58b: {  	v25 =	vld [tilespmem:$0x1FF20]  }
0x58c: {  	[sflag:s10] =	ssyncset.done @!p0 $0x0;
	v26 =	vld [tilespmem:$0x1FF40]  }
0x58d: {  	p1 =	sne.s32 @!p0 s5, $0x19;
	s2 =	simm.s32 @!p0 $0x4300;
	v27 =	vld [tilespmem:$0x1FF50];
	[sflag:s10] =	ssyncadd.s32 @!p0 $0xFFFFFF80  }
0x58e: {  	v28 =	vld [tilespmem:$0x1FF60];
	[tilespmem:s2], [sflag:$0x2] =	stream.indirect.gather @!p0 [hbm4b:s1+s12], $0x80, s12, s12, $0xb8  }
0x58f: {  	v29 =	vld [tilespmem:$0x1FF70];
	p0 =	por p0, !p1  }
.Ltmp5:
0x590: {  	v47 =	vld [tilespmem:$0x1FEF0];
	(pc) =	sbr.rel @!p0 .LBB2_2-.Ltmp5, $4  }
0x591: {  	v38 =	vld [tilespmem:$0x1FF00]  }
0x592: {  	v43 =	vld [tilespmem:$0x1FF10]  }
0x593: {  	v48 =	vld [tilespmem:$0x1FF30]  }
0x594: {  	s26 =	smov.u32 s5;
	v59 =	vld [tilespmem:$0x1FFB0]  }
0x595: {  	s2 =	simm.s32 $0x3  }
0x596: {  	_ =	swait.ge [sflag:s2], $0x4000  }
0x597: {  	[sflag:s2] =	ssyncset.done $0x0  }
0x598: {  	[sflag:s2] =	ssyncadd.s32 $0xFFFFC000  }
0x599: {  	_ =	swait.ge [sflag:s0], $0x4000  }
0x59a: {  	s3 =	sadd.s32 $0x1, s3;
	s28 =	rddreg [dreg:$0xb]  }
0x59b: {  	p0 =	sne.s32 s3, s28  }
.Ltmp6:
0x59c: {  	_ = 	snop;
	(pc) =	sbr.rel @p0 .LBB2_1-.Ltmp6, $3  }
0x59d: {  	_ =	sdelay $0x1  }
0x59e: {  	[sflag:s0] =	ssyncset.done $0x0  }
0x59f: {  	[sflag:s0] =	ssyncadd.s32 $0xFFFFC000  }
0x5a0: {  	_ =	sfence.sel $0x180000  }
0x5a1: {  	[bflag:$0x0] =	sbarrier.arrive $0xFFFF  }
0x5a2: {  	_ =	strace $0x90000047  }
0x5a3: {  	s0 =	stileid.u32;
	[bflag:$0x2] =	sbarrier.arrive $0xFFFF  }
0x5a4: {  	p0 =	sne.s32 s0, $0x0;
	s0 =	rddreg [dreg:$0x6]  }
0x5a5: {  	s0 =	sadd.s32 @!p0 $0x100000, s0  }
0x5a6: {  	[sflag:s0] =	ssyncadd.tile.s32 @!p0 $0x1;
	_ =	shalt  }
.Lfunc_end2:
_tile_overlayer_lowered:
.L_overlay_start_2:
0x5a7: {  	(tag) =	ssettag $0x2  }
0x5a8: {  	s0 =	rddreg [dreg:$0x0];
	s2 =	stileid.u32  }
0x5a9: {  	s1 =	rddreg [dreg:$0x1];
	p0 =	sne.s32 s2, $0x0  }
0x5aa: {  	s3 =	rddreg [dreg:$0x2];
	[bflag:$0x3] =	sbarrier.arrive $0xFFFF;
	s2 =	simm.s32 @!p0 $0x1C05  }
0x5ab: {  	[timem:s3], [sflag:s2] =	dma.local @!p0 [hbm:s0], s1  }
0x5ac: {  	s0 =	simm.s32 @!p0 $0x5  }
0x5ad: {  	_ =	swait.ge @!p0 [sflag:s0], s1  }
0x5ae: {  	s1 =	ssub.s32 @!p0 $0x0, s1;
	[sflag:s0] =	ssyncset.done @!p0 $0x0  }
0x5af: {  	[sflag:s0] =	ssyncadd.s32 @!p0 s1  }
0x5b0: {  	[bflag:$0x3] =	sbarrier.arrive $0xFFFF  }
0x5b1: {  	_ =	shalt  }

</sc_bundles>
